<compile_context>
chip_gen: v7x
topology: tpu7x:2x2x1
jax: 0.10.2.dev20260603
libtpu: 0.0.44.dev20260713+nightly
codegen_flags: <defaults>
</compile_context>

<pallas_src>
import functools

import jax
import jax.numpy as jnp
from jax import lax
from jax.experimental import pallas as pl
from jax.experimental.pallas import tpu as pltpu
from jax.experimental.pallas import tpu_sc as plsc

N = 10000
E = 320000
D = 128

NC = 2
NS = 16
NW = NC * NS
L = 16

NP = 10240
RPT = NP // NS
SB = 128
T = 10240
K = T // SB
U = 8
G = K // U
EPAD = NW * T

_mesh = lambda: plsc.VectorSubcoreMesh(core_axis_name="c", subcore_axis_name="s")


def _fill2d(ref, rows, cols, val):
    v = jnp.full((L,), val, jnp.float32)
    per_row = cols // L

    def body(i, carry):
        r = i // per_row
        j = i % per_row
        ref[r, pl.ds(j * L, L)] = v
        return carry

    lax.fori_loop(0, rows * per_row, body, 0)


def _make_deg_kernel():
    @functools.partial(
        pl.kernel,
        out_type=jax.ShapeDtypeStruct((NC, NP, L), jnp.float32),
        mesh=_mesh(),
        compiler_params=pltpu.CompilerParams(use_tc_tiling_on_sc=False),
        scratch_types=[
            pltpu.VMEM((U, SB), jnp.int32),
            pltpu.VMEM((SB, L), jnp.float32),
            pltpu.VMEM((RPT, L), jnp.float32),
            pltpu.VMEM_SHARED((NP, L), jnp.float32),
            pltpu.SemaphoreType.DMA,
        ],
    )
    def deg_kernel(dst_hbm, out_hbm, dst_v, ones_v, bnc_v, hist_sh, ssem):
        c = lax.axis_index("c")
        s = lax.axis_index("s")
        t = c * NS + s
        _fill2d(ones_v, SB, L, 1.0)
        _fill2d(bnc_v, RPT, L, 0.0)
        pltpu.sync_copy(bnc_v, hist_sh.at[pl.ds(s * RPT, RPT)])
        plsc.subcore_barrier()

        def step(g, carry):
            pltpu.sync_copy(dst_hbm.at[t].at[pl.ds(g * U, U)], dst_v)
            ds = [pltpu.async_copy(ones_v, hist_sh.at[dst_v.at[j]], ssem,
                                   add=True) for j in range(U)]
            for d in ds:
                d.wait()
            return carry

        lax.fori_loop(0, G, step, 0)
        plsc.subcore_barrier()
        pltpu.sync_copy(hist_sh.at[pl.ds(s * RPT, RPT)], bnc_v)
        pltpu.sync_copy(bnc_v, out_hbm.at[c].at[pl.ds(s * RPT, RPT)])

    return deg_kernel


def _make_edge_kernel():
    @functools.partial(
        pl.kernel,
        out_type=jax.ShapeDtypeStruct((NC, NP, D), jnp.float32),
        mesh=_mesh(),
        compiler_params=pltpu.CompilerParams(use_tc_tiling_on_sc=False),
        scratch_types=[
            pltpu.VMEM((U, SB), jnp.int32),
            pltpu.VMEM((U, SB), jnp.int32),
            pltpu.VMEM((SB, D), jnp.float32),
            pltpu.VMEM((SB, D), jnp.float32),
            pltpu.VMEM_SHARED((NP, D), jnp.float32),
            pltpu.SemaphoreType.DMA,
            pltpu.SemaphoreType.DMA,
        ],
    )
    def edge_kernel(y_hbm, src_hbm, dst_hbm, out_hbm,
                    src_v, dst_v, rows_v, rows1_v, z_sh, gsem, ssem):
        c = lax.axis_index("c")
        s = lax.axis_index("s")
        t = c * NS + s

        _fill2d(rows_v, SB, D, 0.0)

        def initz(i, carry):
            pltpu.sync_copy(rows_v, z_sh.at[pl.ds(s * RPT + i * SB, SB)])
            return carry
        lax.fori_loop(0, RPT // SB, initz, 0)

        plsc.subcore_barrier()

        bufs = (rows_v, rows1_v)

        def step(g, carry):
            pltpu.sync_copy(src_hbm.at[t].at[pl.ds(g * U, U)], src_v)
            pltpu.sync_copy(dst_hbm.at[t].at[pl.ds(g * U, U)], dst_v)
            gds = [None] * U
            sds = [None] * U
            gds[0] = pltpu.async_copy(y_hbm.at[src_v.at[0]], bufs[0], gsem)
            for j in range(U):
                b = bufs[j % 2]
                gds[j].wait()
                sds[j] = pltpu.async_copy(b, z_sh.at[dst_v.at[j]], ssem,
                                          add=True)
                if j + 1 < U:
                    if j >= 1:
                        sds[j - 1].wait()
                    gds[j + 1] = pltpu.async_copy(
                        y_hbm.at[src_v.at[j + 1]], bufs[(j + 1) % 2], gsem)
            sds[U - 2].wait()
            sds[U - 1].wait()
            return carry

        lax.fori_loop(0, G, step, 0)
        plsc.subcore_barrier()

        def outc(i, carry):
            r0 = s * RPT + i * SB
            pltpu.sync_copy(z_sh.at[pl.ds(r0, SB)], rows_v)
            pltpu.sync_copy(rows_v, out_hbm.at[c].at[pl.ds(r0, SB)])
            return carry
        lax.fori_loop(0, RPT // SB, outc, 0)

    return edge_kernel


RB = 256


def _dinv_block(h0, h1):
    deg = h0[:, :1] + h1[:, :1] + 1.0
    return lax.rsqrt(deg)


def _tc_pre_body(x_ref, w_ref, h0_ref, h1_ref, y_ref):
    dinv = _dinv_block(h0_ref, h1_ref)
    xw = jnp.dot(x_ref[...], w_ref[...], preferred_element_type=jnp.float32)
    y_ref[...] = xw * dinv


def _tc_mid_body(p0_ref, p1_ref, py_ref, h0_ref, h1_ref, b_ref, w_ref, y_ref):
    dinv = _dinv_block(h0_ref, h1_ref)
    z = p0_ref[...] + p1_ref[...] + py_ref[...]
    h = jnp.maximum(z * dinv + b_ref[...], 0.0)
    y_ref[...] = jnp.dot(h, w_ref[...], preferred_element_type=jnp.float32) * dinv


def _tc_fin_body(p0_ref, p1_ref, py_ref, h0_ref, h1_ref, b_ref, y_ref):
    dinv = _dinv_block(h0_ref, h1_ref)
    z = p0_ref[...] + p1_ref[...] + py_ref[...]
    y_ref[...] = jnp.maximum(z * dinv + b_ref[...], 0.0)


def _row_spec(cols):
    return pl.BlockSpec((RB, cols), lambda i: (i, 0))


def _rep_spec(rows, cols):
    return pl.BlockSpec((rows, cols), lambda i: (0, 0))


def _tc_pre(x, w, h0, h1):
    return pl.pallas_call(
        _tc_pre_body,
        grid=(NP // RB,),
        in_specs=[_row_spec(D), _rep_spec(D, D), _row_spec(L), _row_spec(L)],
        out_specs=_row_spec(D),
        out_shape=jax.ShapeDtypeStruct((NP, D), jnp.float32),
    )(x, w, h0, h1)


def _tc_mid(p0, p1, py, h0, h1, b, w):
    return pl.pallas_call(
        _tc_mid_body,
        grid=(NP // RB,),
        in_specs=[_row_spec(D), _row_spec(D), _row_spec(D), _row_spec(L),
                  _row_spec(L), _rep_spec(1, D), _rep_spec(D, D)],
        out_specs=_row_spec(D),
        out_shape=jax.ShapeDtypeStruct((NP, D), jnp.float32),
    )(p0, p1, py, h0, h1, b, w)


def _tc_fin(p0, p1, py, h0, h1, b):
    return pl.pallas_call(
        _tc_fin_body,
        grid=(NP // RB,),
        in_specs=[_row_spec(D), _row_spec(D), _row_spec(D), _row_spec(L),
                  _row_spec(L), _rep_spec(1, D)],
        out_specs=_row_spec(D),
        out_shape=jax.ShapeDtypeStruct((NP, D), jnp.float32),
    )(p0, p1, py, h0, h1, b)


def kernel(x, edge_index, W1, b1, W2, b2):
    src = edge_index[0]
    dst = edge_index[1]
    pad = EPAD - E
    src_p = jnp.concatenate([src, jnp.full((pad,), N, jnp.int32)]).reshape(NW, K, SB)
    dst_p = jnp.concatenate([dst, jnp.full((pad,), N, jnp.int32)]).reshape(NW, K, SB)
    x_p = jnp.zeros((NP, D), jnp.float32).at[:N].set(x)

    deg_kernel = _make_deg_kernel()
    edge_kernel = _make_edge_kernel()

    hist = deg_kernel(dst_p)
    h0, h1 = hist[0], hist[1]

    y1 = _tc_pre(x_p, W1, h0, h1)
    p = edge_kernel(y1, src_p, dst_p)
    y2 = _tc_mid(p[0], p[1], y1, h0, h1, b1.reshape(1, D), W2)
    q = edge_kernel(y2, src_p, dst_p)
    out = _tc_fin(q[0], q[1], y2, h0, h1, b2.reshape(1, D))
    return out[:N]

# --- scband reference (transcript-rebuilt; emitter-appended) ---
"""Pipeline reference for scband-grnn-25881472926277 (READ-ONLY COPY).

The authoritative reference and input builder live on the scoring server;
editing this copy changes nothing except your own understanding.
"""

import jax, jax.numpy as jnp
import numpy as np

N = 10000
E = 320000
D_IN = 128
D_H = 128


def setup_inputs(seed: int = 0) -> dict:
    key = jax.random.key(seed)
    k1, k2, k3, k4, k5, k6 = jax.random.split(key, 6)
    x = jax.random.normal(k1, (N, D_IN), dtype=jnp.float32)
    edge_index = jax.random.randint(k2, (2, E), 0, N, dtype=jnp.int32)
    # GCNConv learned parameters (glorot-style init for weights, zeros for bias)
    W1 = jax.random.normal(k3, (D_IN, D_H), dtype=jnp.float32) * (1.0 / np.sqrt(D_IN))
    b1 = jnp.zeros((D_H,), dtype=jnp.float32)
    W2 = jax.random.normal(k4, (D_H, D_H), dtype=jnp.float32) * (1.0 / np.sqrt(D_H))
    b2 = jnp.zeros((D_H,), dtype=jnp.float32)
    return {"x": x, "edge_index": edge_index, "W1": W1, "b1": b1, "W2": W2, "b2": b2}


def _gcn_conv(x, edge_index, W, b):
    # GCNConv: out = D^{-1/2} (A + I) D^{-1/2} X W + b (with added self-loops)
    src = edge_index[0]
    dst = edge_index[1]
    loop = jnp.arange(N, dtype=src.dtype)
    src = jnp.concatenate([src, loop])
    dst = jnp.concatenate([dst, loop])
    deg = jnp.zeros((N,), dtype=x.dtype).at[dst].add(jnp.ones_like(dst, dtype=x.dtype))
    dinv = jax.lax.rsqrt(jnp.maximum(deg, 1e-12))
    norm = dinv[src] * dinv[dst]
    xw = x @ W
    msg = jnp.take(xw, src, axis=0) * norm[:, None]
    out = jnp.zeros((N, W.shape[1]), dtype=x.dtype).at[dst].add(msg)
    return out + b


def reference(x, edge_index, W1, b1, W2, b2):
    h = jax.nn.relu(_gcn_conv(x, edge_index, W1, b1))
    h = jax.nn.relu(_gcn_conv(h, edge_index, W2, b2))
    # global_mean_pool with batch = arange(N): each node is its own graph
    seg = jnp.arange(N, dtype=jnp.int32)
    summed = jax.ops.segment_sum(h, seg, num_segments=N)
    counts = jax.ops.segment_sum(jnp.ones((N,), dtype=h.dtype), seg, num_segments=N)
    pooled = summed / jnp.maximum(counts, 1.0)[:, None]
    return pooled

if __name__ == "__main__":
    import jax
    _d = setup_inputs()
    print(jax.jit(kernel)(*tuple(_d.values())))

</pallas_src>

<mosaic_0001>
#map = affine_map<(d0, d1) -> (0, 0)>
#map1 = affine_map<(d0, d1) -> (0, 0, 0)>
module attributes {stable_mosaic.version = 14 : i64} {
  func.func @edge_kernel(%arg0: i32, %arg1: i32, %arg2: memref<10240x128xf32, #tpu.memory_space<hbm>>, %arg3: memref<32x80x128xi32, #tpu.memory_space<hbm>>, %arg4: memref<32x80x128xi32, #tpu.memory_space<hbm>>, %arg5: memref<2x10240x128xf32, #tpu.memory_space<hbm>>, %arg6: memref<8x128xi32, #tpu.memory_space<vmem>>, %arg7: memref<8x128xi32, #tpu.memory_space<vmem>>, %arg8: memref<128x128xf32, #tpu.memory_space<vmem>>, %arg9: memref<128x128xf32, #tpu.memory_space<vmem>>, %arg10: memref<10240x128xf32, #tpu.memory_space<vmem_shared>>, %arg11: memref<!tpu.dma_semaphore, #tpu.memory_space<semaphore_mem>>, %arg12: memref<!tpu.dma_semaphore, #tpu.memory_space<semaphore_mem>>) attributes {dimension_semantics = [#tpu.dimension_semantics<core_parallel>, #tpu.dimension_semantics<subcore_parallel>], iteration_bounds = array<i64: 2, 16>, scalar_prefetch = 0 : i64, scratch_operands = 7 : i64, tpu.core_type = #tpu.core_type<sc_vector_subcore>, window_params = [{transform_indices = #map}, {transform_indices = #map1}, {transform_indices = #map1}, {transform_indices = #map1}]} {
    %mul3A = arith.constant 16 : i32
    %mul3A_0 = arith.muli %arg0, %mul3A : i32
    %add3A = arith.addi %mul3A_0, %arg1 : i32
    %broadcast_in_dim3A = arith.constant 0.000000e+00 : f32
    %broadcast_in_dim3A_1 = vector.broadcast %broadcast_in_dim3A : f32 to vector<16xf32>
    %scan3A = arith.constant 0 : i32
    %scan3A_2 = arith.constant 0 : i32
    %scan3A_3 = arith.constant 1024 : i32
    %scan3A_4 = arith.addi %scan3A_2, %scan3A_3 : i32
    %scan3A_5 = arith.constant 1 : i32
    scf.for %scan3A_26 = %scan3A_2 to %scan3A_4 step %scan3A_5  : i32 {
      %jit3A = arith.constant 8 : i32
      %div3A = arith.divsi %scan3A_26, %jit3A : i32
      %sign3A = arith.constant 0 : i32
      %sign3A_27 = arith.cmpi sgt, %scan3A_26, %sign3A : i32
      %sign3A_28 = arith.extui %sign3A_27 : i1 to i32
      %sign3A_29 = arith.constant 0 : i32
      %sign3A_30 = arith.cmpi slt, %scan3A_26, %sign3A_29 : i32
      %sign3A_31 = arith.extui %sign3A_30 : i1 to i32
      %sign3A_32 = arith.subi %sign3A_28, %sign3A_31 : i32
      %sign3A_33 = arith.constant 0 : i32
      %sign3A_34 = arith.cmpi sgt, %jit3A, %sign3A_33 : i32
      %sign3A_35 = arith.extui %sign3A_34 : i1 to i32
      %sign3A_36 = arith.constant 0 : i32
      %sign3A_37 = arith.cmpi slt, %jit3A, %sign3A_36 : i32
      %sign3A_38 = arith.extui %sign3A_37 : i1 to i32
      %sign3A_39 = arith.subi %sign3A_35, %sign3A_38 : i32
      %ne3A = arith.cmpi ne, %sign3A_32, %sign3A_39 : i32
      %rem3A = arith.remsi %scan3A_26, %jit3A : i32
      %ne3A_40 = arith.constant 0 : i32
      %ne3A_41 = arith.cmpi ne, %rem3A, %ne3A_40 : i32
      %and3A = arith.andi %ne3A, %ne3A_41 : i1
      %sub3A = arith.constant 1 : i32
      %sub3A_42 = arith.subi %div3A, %sub3A : i32
      %select_n3A = arith.select %and3A, %sub3A_42, %div3A : i32
      %jit3A_43 = arith.constant 8 : i32
      %eq3A = arith.constant 0 : i32
      %eq3A_44 = arith.cmpi eq, %jit3A_43, %eq3A : i32
      %jit3A_45 = arith.constant 1 : i32
      %select_n3A_46 = arith.select %eq3A_44, %jit3A_45, %jit3A_43 : i32
      %rem3A_47 = arith.remsi %scan3A_26, %select_n3A_46 : i32
      %ne3A_48 = arith.constant 0 : i32
      %ne3A_49 = arith.cmpi ne, %rem3A_47, %ne3A_48 : i32
      %lt3A = arith.constant 0 : i32
      %lt3A_50 = arith.cmpi slt, %rem3A_47, %lt3A : i32
      %lt3A_51 = arith.constant 0 : i32
      %lt3A_52 = arith.cmpi slt, %select_n3A_46, %lt3A_51 : i32
      %ne3A_53 = arith.xori %lt3A_50, %lt3A_52 : i1
      %and3A_54 = arith.andi %ne3A_53, %ne3A_49 : i1
      %add3A_55 = arith.addi %rem3A_47, %select_n3A_46 : i32
      %select_n3A_56 = arith.select %and3A_54, %add3A_55, %rem3A_47 : i32
      %mul3A_57 = arith.constant 16 : i32
      %mul3A_58 = arith.muli %select_n3A_56, %mul3A_57 : i32
      %swap3A = arith.index_cast %select_n3A : i32 to index
      %swap3A_59 = arith.index_cast %mul3A_58 : i32 to index
      %swap3A_60 = tpu.vector_load %arg8[%swap3A, %swap3A_59] {strides = array<i32>} : memref<128x128xf32, #tpu.memory_space<vmem>>, vector<1x16xf32>,
      %swap3A_61 = vector.shape_cast %swap3A_60 : vector<1x16xf32> to vector<16xf32>
      %swap3A_62 = vector.shape_cast %broadcast_in_dim3A_1 : vector<16xf32> to vector<1x16xf32>
      tpu.vector_store %arg8[%swap3A, %swap3A_59], %swap3A_62 {strides = array<i32>} : memref<128x128xf32, #tpu.memory_space<vmem>>, vector<1x16xf32>,
    }
    %scan3A_6 = arith.constant 1024 : i32
    %scan3A_7 = arith.constant 0 : i32
    %scan3A_8 = arith.constant 0 : i32
    %scan3A_9 = arith.constant 5 : i32
    %scan3A_10 = arith.addi %scan3A_8, %scan3A_9 : i32
    %scan3A_11 = arith.constant 1 : i32
    scf.for %scan3A_26 = %scan3A_8 to %scan3A_10 step %scan3A_11  : i32 {
      %mul3A_27 = arith.constant 640 : i32
      %mul3A_28 = arith.muli %arg1, %mul3A_27 : i32
      %mul3A_29 = arith.constant 128 : i32
      %mul3A_30 = arith.muli %scan3A_26, %mul3A_29 : i32
      %add3A_31 = arith.addi %mul3A_28, %mul3A_30 : i32
      "tpu.region"() ({
        %run_scoped3A = tpu.sem_alloc : memref<!tpu.dma_semaphore, #tpu.memory_space<semaphore_mem>>
        %dma_start3A = arith.constant 0 : i32
        %dma_start3A_32 = tpu.memref_slice %arg10[%add3A_31, %dma_start3A] : memref<10240x128xf32, #tpu.memory_space<vmem_shared>> -> memref<128x128xf32, #tpu.memory_space<vmem_shared>>
        %dma_start3A_33 = arith.constant 0 : i32
        %dma_start3A_34 = tpu.memref_slice %arg10[%add3A_31, %dma_start3A_33] : memref<10240x128xf32, #tpu.memory_space<vmem_shared>> -> memref<128x128xf32, #tpu.memory_space<vmem_shared>>
        tpu.enqueue_dma source(%arg8 : memref<128x128xf32, #tpu.memory_space<vmem>>) target(%dma_start3A_34 : memref<128x128xf32, #tpu.memory_space<vmem_shared>>) target_semaphore(%run_scoped3A : memref<!tpu.dma_semaphore, #tpu.memory_space<semaphore_mem>>)
        %dma_wait3A = arith.constant 0 : i32
        %dma_wait3A_35 = tpu.memref_slice %arg10[%add3A_31, %dma_wait3A] : memref<10240x128xf32, #tpu.memory_space<vmem_shared>> -> memref<128x128xf32, #tpu.memory_space<vmem_shared>>
        %dma_wait3A_36 = arith.constant 0 : i32
        %dma_wait3A_37 = tpu.memref_slice %arg10[%add3A_31, %dma_wait3A_36] : memref<10240x128xf32, #tpu.memory_space<vmem_shared>> -> memref<128x128xf32, #tpu.memory_space<vmem_shared>>
        tpu.wait_dma2 semaphore(%run_scoped3A : memref<!tpu.dma_semaphore, #tpu.memory_space<semaphore_mem>>) src(%arg8 : memref<128x128xf32, #tpu.memory_space<vmem>>) dst(%dma_wait3A_37 : memref<128x128xf32, #tpu.memory_space<vmem_shared>>)
        tpu.yield
      }) : () -> ()
    }
    %scan3A_12 = arith.constant 5 : i32
    %barrier3A = arith.constant 0 : index
    tpu.barrier barrier_id(%barrier3A)
    %scan3A_13 = arith.constant 0 : i32
    %scan3A_14 = arith.constant 0 : i32
    %scan3A_15 = arith.constant 10 : i32
    %scan3A_16 = arith.addi %scan3A_14, %scan3A_15 : i32
    %scan3A_17 = arith.constant 1 : i32
    scf.for %scan3A_26 = %scan3A_14 to %scan3A_16 step %scan3A_17  : i32 {
      %mul3A_27 = arith.constant 8 : i32
      %mul3A_28 = arith.muli %scan3A_26, %mul3A_27 : i32
      "tpu.region"() ({
        %run_scoped3A = tpu.sem_alloc : memref<!tpu.dma_semaphore, #tpu.memory_space<semaphore_mem>>
        %dma_start3A_253 = arith.constant 0 : i32
        %dma_start3A_254 = arith.constant 0 : i32
        %dma_start3A_255 = tpu.memref_slice %arg3[%add3A, %dma_start3A_253, %dma_start3A_254] : memref<32x80x128xi32, #tpu.memory_space<hbm>> -> memref<1x80x128xi32, #tpu.memory_space<hbm>>
        %dma_start3A_256 = tpu.memref_squeeze %dma_start3A_255 : memref<1x80x128xi32, #tpu.memory_space<hbm>> -> memref<80x128xi32, #tpu.memory_space<hbm>>
        %dma_start3A_257 = arith.constant 0 : i32
        %dma_start3A_258 = tpu.memref_slice %dma_start3A_256[%mul3A_28, %dma_start3A_257] : memref<80x128xi32, #tpu.memory_space<hbm>> -> memref<8x128xi32, #tpu.memory_space<hbm>>
        %dma_start3A_259 = arith.constant 0 : i32
        %dma_start3A_260 = arith.constant 0 : i32
        %dma_start3A_261 = tpu.memref_slice %arg3[%add3A, %dma_start3A_259, %dma_start3A_260] : memref<32x80x128xi32, #tpu.memory_space<hbm>> -> memref<1x80x128xi32, #tpu.memory_space<hbm>>
        %dma_start3A_262 = tpu.memref_squeeze %dma_start3A_261 : memref<1x80x128xi32, #tpu.memory_space<hbm>> -> memref<80x128xi32, #tpu.memory_space<hbm>>
        %dma_start3A_263 = arith.constant 0 : i32
        %dma_start3A_264 = tpu.memref_slice %dma_start3A_262[%mul3A_28, %dma_start3A_263] : memref<80x128xi32, #tpu.memory_space<hbm>> -> memref<8x128xi32, #tpu.memory_space<hbm>>
        tpu.enqueue_dma source(%dma_start3A_264 : memref<8x128xi32, #tpu.memory_space<hbm>>) target(%arg6 : memref<8x128xi32, #tpu.memory_space<vmem>>) target_semaphore(%run_scoped3A : memref<!tpu.dma_semaphore, #tpu.memory_space<semaphore_mem>>)
        %dma_wait3A_265 = arith.constant 0 : i32
        %dma_wait3A_266 = arith.constant 0 : i32
        %dma_wait3A_267 = tpu.memref_slice %arg3[%add3A, %dma_wait3A_265, %dma_wait3A_266] : memref<32x80x128xi32, #tpu.memory_space<hbm>> -> memref<1x80x128xi32, #tpu.memory_space<hbm>>
        %dma_wait3A_268 = tpu.memref_squeeze %dma_wait3A_267 : memref<1x80x128xi32, #tpu.memory_space<hbm>> -> memref<80x128xi32, #tpu.memory_space<hbm>>
        %dma_wait3A_269 = arith.constant 0 : i32
        %dma_wait3A_270 = tpu.memref_slice %dma_wait3A_268[%mul3A_28, %dma_wait3A_269] : memref<80x128xi32, #tpu.memory_space<hbm>> -> memref<8x128xi32, #tpu.memory_space<hbm>>
        %dma_wait3A_271 = arith.constant 0 : i32
        %dma_wait3A_272 = arith.constant 0 : i32
        %dma_wait3A_273 = tpu.memref_slice %arg3[%add3A, %dma_wait3A_271, %dma_wait3A_272] : memref<32x80x128xi32, #tpu.memory_space<hbm>> -> memref<1x80x128xi32, #tpu.memory_space<hbm>>
        %dma_wait3A_274 = tpu.memref_squeeze %dma_wait3A_273 : memref<1x80x128xi32, #tpu.memory_space<hbm>> -> memref<80x128xi32, #tpu.memory_space<hbm>>
        %dma_wait3A_275 = arith.constant 0 : i32
        %dma_wait3A_276 = tpu.memref_slice %dma_wait3A_274[%mul3A_28, %dma_wait3A_275] : memref<80x128xi32, #tpu.memory_space<hbm>> -> memref<8x128xi32, #tpu.memory_space<hbm>>
        tpu.wait_dma2 semaphore(%run_scoped3A : memref<!tpu.dma_semaphore, #tpu.memory_space<semaphore_mem>>) src(%dma_wait3A_276 : memref<8x128xi32, #tpu.memory_space<hbm>>) dst(%arg6 : memref<8x128xi32, #tpu.memory_space<vmem>>)
        tpu.yield
      }) : () -> ()
      %mul3A_29 = arith.constant 8 : i32
      %mul3A_30 = arith.muli %scan3A_26, %mul3A_29 : i32
      "tpu.region"() ({
        %run_scoped3A = tpu.sem_alloc : memref<!tpu.dma_semaphore, #tpu.memory_space<semaphore_mem>>
        %dma_start3A_253 = arith.constant 0 : i32
        %dma_start3A_254 = arith.constant 0 : i32
        %dma_start3A_255 = tpu.memref_slice %arg4[%add3A, %dma_start3A_253, %dma_start3A_254] : memref<32x80x128xi32, #tpu.memory_space<hbm>> -> memref<1x80x128xi32, #tpu.memory_space<hbm>>
        %dma_start3A_256 = tpu.memref_squeeze %dma_start3A_255 : memref<1x80x128xi32, #tpu.memory_space<hbm>> -> memref<80x128xi32, #tpu.memory_space<hbm>>
        %dma_start3A_257 = arith.constant 0 : i32
        %dma_start3A_258 = tpu.memref_slice %dma_start3A_256[%mul3A_30, %dma_start3A_257] : memref<80x128xi32, #tpu.memory_space<hbm>> -> memref<8x128xi32, #tpu.memory_space<hbm>>
        %dma_start3A_259 = arith.constant 0 : i32
        %dma_start3A_260 = arith.constant 0 : i32
        %dma_start3A_261 = tpu.memref_slice %arg4[%add3A, %dma_start3A_259, %dma_start3A_260] : memref<32x80x128xi32, #tpu.memory_space<hbm>> -> memref<1x80x128xi32, #tpu.memory_space<hbm>>
        %dma_start3A_262 = tpu.memref_squeeze %dma_start3A_261 : memref<1x80x128xi32, #tpu.memory_space<hbm>> -> memref<80x128xi32, #tpu.memory_space<hbm>>
        %dma_start3A_263 = arith.constant 0 : i32
        %dma_start3A_264 = tpu.memref_slice %dma_start3A_262[%mul3A_30, %dma_start3A_263] : memref<80x128xi32, #tpu.memory_space<hbm>> -> memref<8x128xi32, #tpu.memory_space<hbm>>
        tpu.enqueue_dma source(%dma_start3A_264 : memref<8x128xi32, #tpu.memory_space<hbm>>) target(%arg7 : memref<8x128xi32, #tpu.memory_space<vmem>>) target_semaphore(%run_scoped3A : memref<!tpu.dma_semaphore, #tpu.memory_space<semaphore_mem>>)
        %dma_wait3A_265 = arith.constant 0 : i32
        %dma_wait3A_266 = arith.constant 0 : i32
        %dma_wait3A_267 = tpu.memref_slice %arg4[%add3A, %dma_wait3A_265, %dma_wait3A_266] : memref<32x80x128xi32, #tpu.memory_space<hbm>> -> memref<1x80x128xi32, #tpu.memory_space<hbm>>
        %dma_wait3A_268 = tpu.memref_squeeze %dma_wait3A_267 : memref<1x80x128xi32, #tpu.memory_space<hbm>> -> memref<80x128xi32, #tpu.memory_space<hbm>>
        %dma_wait3A_269 = arith.constant 0 : i32
        %dma_wait3A_270 = tpu.memref_slice %dma_wait3A_268[%mul3A_30, %dma_wait3A_269] : memref<80x128xi32, #tpu.memory_space<hbm>> -> memref<8x128xi32, #tpu.memory_space<hbm>>
        %dma_wait3A_271 = arith.constant 0 : i32
        %dma_wait3A_272 = arith.constant 0 : i32
        %dma_wait3A_273 = tpu.memref_slice %arg4[%add3A, %dma_wait3A_271, %dma_wait3A_272] : memref<32x80x128xi32, #tpu.memory_space<hbm>> -> memref<1x80x128xi32, #tpu.memory_space<hbm>>
        %dma_wait3A_274 = tpu.memref_squeeze %dma_wait3A_273 : memref<1x80x128xi32, #tpu.memory_space<hbm>> -> memref<80x128xi32, #tpu.memory_space<hbm>>
        %dma_wait3A_275 = arith.constant 0 : i32
        %dma_wait3A_276 = tpu.memref_slice %dma_wait3A_274[%mul3A_30, %dma_wait3A_275] : memref<80x128xi32, #tpu.memory_space<hbm>> -> memref<8x128xi32, #tpu.memory_space<hbm>>
        tpu.wait_dma2 semaphore(%run_scoped3A : memref<!tpu.dma_semaphore, #tpu.memory_space<semaphore_mem>>) src(%dma_wait3A_276 : memref<8x128xi32, #tpu.memory_space<hbm>>) dst(%arg7 : memref<8x128xi32, #tpu.memory_space<vmem>>)
        tpu.yield
      }) : () -> ()
      %dma_start3A = arith.constant 0 : i32
      %dma_start3A_31 = arith.constant 0 : i32
      %dma_start3A_32 = tpu.memref_slice %arg6[%dma_start3A, %dma_start3A_31] : memref<8x128xi32, #tpu.memory_space<vmem>> -> memref<1x128xi32, #tpu.memory_space<vmem>>
      %dma_start3A_33 = tpu.memref_squeeze %dma_start3A_32 : memref<1x128xi32, #tpu.memory_space<vmem>> -> memref<128xi32, #tpu.memory_space<vmem>>
      %dma_start3A_34 = arith.constant 0 : i32
      %dma_start3A_35 = arith.constant 0 : i32
      %dma_start3A_36 = tpu.memref_slice %arg2[%dma_start3A_34, %dma_start3A_35] : memref<10240x128xf32, #tpu.memory_space<hbm>> -> memref<10240x128xf32, #tpu.memory_space<hbm>>
      tpu.enqueue_indirect_dma source(%dma_start3A_36 : memref<10240x128xf32, #tpu.memory_space<hbm>>) target(%arg8 : memref<128x128xf32, #tpu.memory_space<vmem>>) offsets(%dma_start3A_33 : memref<128xi32, #tpu.memory_space<vmem>>) semaphore(%arg11 : memref<!tpu.dma_semaphore, #tpu.memory_space<semaphore_mem>>)
      %dma_wait3A = arith.constant 0 : i32
      %dma_wait3A_37 = arith.constant 0 : i32
      %dma_wait3A_38 = tpu.memref_slice %arg6[%dma_wait3A, %dma_wait3A_37] : memref<8x128xi32, #tpu.memory_space<vmem>> -> memref<1x128xi32, #tpu.memory_space<vmem>>
      %dma_wait3A_39 = tpu.memref_squeeze %dma_wait3A_38 : memref<1x128xi32, #tpu.memory_space<vmem>> -> memref<128xi32, #tpu.memory_space<vmem>>
      %dma_wait3A_40 = arith.constant 0 : i32
      %dma_wait3A_41 = arith.constant 0 : i32
      %dma_wait3A_42 = tpu.memref_slice %arg2[%dma_wait3A_40, %dma_wait3A_41] : memref<10240x128xf32, #tpu.memory_space<hbm>> -> memref<10240x128xf32, #tpu.memory_space<hbm>>
      tpu.wait_indirect_dma semaphore(%arg11 : memref<!tpu.dma_semaphore, #tpu.memory_space<semaphore_mem>>) src(%dma_wait3A_42 : memref<10240x128xf32, #tpu.memory_space<hbm>>) dst(%arg8 : memref<128x128xf32, #tpu.memory_space<vmem>>)
      %dma_start3A_43 = arith.constant 0 : i32
      %dma_start3A_44 = arith.constant 0 : i32
      %dma_start3A_45 = tpu.memref_slice %arg7[%dma_start3A_43, %dma_start3A_44] : memref<8x128xi32, #tpu.memory_space<vmem>> -> memref<1x128xi32, #tpu.memory_space<vmem>>
      %dma_start3A_46 = tpu.memref_squeeze %dma_start3A_45 : memref<1x128xi32, #tpu.memory_space<vmem>> -> memref<128xi32, #tpu.memory_space<vmem>>
      %dma_start3A_47 = arith.constant 0 : i32
      %dma_start3A_48 = arith.constant 0 : i32
      %dma_start3A_49 = tpu.memref_slice %arg10[%dma_start3A_47, %dma_start3A_48] : memref<10240x128xf32, #tpu.memory_space<vmem_shared>> -> memref<10240x128xf32, #tpu.memory_space<vmem_shared>>
      tpu.enqueue_indirect_dma source(%arg8 : memref<128x128xf32, #tpu.memory_space<vmem>>) target(%dma_start3A_49 : memref<10240x128xf32, #tpu.memory_space<vmem_shared>>) offsets(%dma_start3A_46 : memref<128xi32, #tpu.memory_space<vmem>>) semaphore(%arg12 : memref<!tpu.dma_semaphore, #tpu.memory_space<semaphore_mem>>) {add = true}
      %dma_start3A_50 = arith.constant 1 : i32
      %dma_start3A_51 = arith.constant 0 : i32
      %dma_start3A_52 = tpu.memref_slice %arg6[%dma_start3A_50, %dma_start3A_51] : memref<8x128xi32, #tpu.memory_space<vmem>> -> memref<1x128xi32, #tpu.memory_space<vmem>>
      %dma_start3A_53 = tpu.memref_squeeze %dma_start3A_52 : memref<1x128xi32, #tpu.memory_space<vmem>> -> memref<128xi32, #tpu.memory_space<vmem>>
      %dma_start3A_54 = arith.constant 0 : i32
      %dma_start3A_55 = arith.constant 0 : i32
      %dma_start3A_56 = tpu.memref_slice %arg2[%dma_start3A_54, %dma_start3A_55] : memref<10240x128xf32, #tpu.memory_space<hbm>> -> memref<10240x128xf32, #tpu.memory_space<hbm>>
      tpu.enqueue_indirect_dma source(%dma_start3A_56 : memref<10240x128xf32, #tpu.memory_space<hbm>>) target(%arg9 : memref<128x128xf32, #tpu.memory_space<vmem>>) offsets(%dma_start3A_53 : memref<128xi32, #tpu.memory_space<vmem>>) semaphore(%arg11 : memref<!tpu.dma_semaphore, #tpu.memory_space<semaphore_mem>>)
      %dma_wait3A_57 = arith.constant 1 : i32
      %dma_wait3A_58 = arith.constant 0 : i32
      %dma_wait3A_59 = tpu.memref_slice %arg6[%dma_wait3A_57, %dma_wait3A_58] : memref<8x128xi32, #tpu.memory_space<vmem>> -> memref<1x128xi32, #tpu.memory_space<vmem>>
      %dma_wait3A_60 = tpu.memref_squeeze %dma_wait3A_59 : memref<1x128xi32, #tpu.memory_space<vmem>> -> memref<128xi32, #tpu.memory_space<vmem>>
      %dma_wait3A_61 = arith.constant 0 : i32
      %dma_wait3A_62 = arith.constant 0 : i32
      %dma_wait3A_63 = tpu.memref_slice %arg2[%dma_wait3A_61, %dma_wait3A_62] : memref<10240x128xf32, #tpu.memory_space<hbm>> -> memref<10240x128xf32, #tpu.memory_space<hbm>>
      tpu.wait_indirect_dma semaphore(%arg11 : memref<!tpu.dma_semaphore, #tpu.memory_space<semaphore_mem>>) src(%dma_wait3A_63 : memref<10240x128xf32, #tpu.memory_space<hbm>>) dst(%arg9 : memref<128x128xf32, #tpu.memory_space<vmem>>)
      %dma_start3A_64 = arith.constant 1 : i32
      %dma_start3A_65 = arith.constant 0 : i32
      %dma_start3A_66 = tpu.memref_slice %arg7[%dma_start3A_64, %dma_start3A_65] : memref<8x128xi32, #tpu.memory_space<vmem>> -> memref<1x128xi32, #tpu.memory_space<vmem>>
      %dma_start3A_67 = tpu.memref_squeeze %dma_start3A_66 : memref<1x128xi32, #tpu.memory_space<vmem>> -> memref<128xi32, #tpu.memory_space<vmem>>
      %dma_start3A_68 = arith.constant 0 : i32
      %dma_start3A_69 = arith.constant 0 : i32
      %dma_start3A_70 = tpu.memref_slice %arg10[%dma_start3A_68, %dma_start3A_69] : memref<10240x128xf32, #tpu.memory_space<vmem_shared>> -> memref<10240x128xf32, #tpu.memory_space<vmem_shared>>
      tpu.enqueue_indirect_dma source(%arg9 : memref<128x128xf32, #tpu.memory_space<vmem>>) target(%dma_start3A_70 : memref<10240x128xf32, #tpu.memory_space<vmem_shared>>) offsets(%dma_start3A_67 : memref<128xi32, #tpu.memory_space<vmem>>) semaphore(%arg12 : memref<!tpu.dma_semaphore, #tpu.memory_space<semaphore_mem>>) {add = true}
      %dma_wait3A_71 = arith.constant 0 : i32
      %dma_wait3A_72 = arith.constant 0 : i32
      %dma_wait3A_73 = tpu.memref_slice %arg7[%dma_wait3A_71, %dma_wait3A_72] : memref<8x128xi32, #tpu.memory_space<vmem>> -> memref<1x128xi32, #tpu.memory_space<vmem>>
      %dma_wait3A_74 = tpu.memref_squeeze %dma_wait3A_73 : memref<1x128xi32, #tpu.memory_space<vmem>> -> memref<128xi32, #tpu.memory_space<vmem>>
      %dma_wait3A_75 = arith.constant 0 : i32
      %dma_wait3A_76 = arith.constant 0 : i32
      %dma_wait3A_77 = tpu.memref_slice %arg10[%dma_wait3A_75, %dma_wait3A_76] : memref<10240x128xf32, #tpu.memory_space<vmem_shared>> -> memref<10240x128xf32, #tpu.memory_space<vmem_shared>>
      tpu.wait_indirect_dma semaphore(%arg12 : memref<!tpu.dma_semaphore, #tpu.memory_space<semaphore_mem>>) src(%arg8 : memref<128x128xf32, #tpu.memory_space<vmem>>) dst(%dma_wait3A_77 : memref<10240x128xf32, #tpu.memory_space<vmem_shared>>)
      %dma_start3A_78 = arith.constant 2 : i32
      %dma_start3A_79 = arith.constant 0 : i32
      %dma_start3A_80 = tpu.memref_slice %arg6[%dma_start3A_78, %dma_start3A_79] : memref<8x128xi32, #tpu.memory_space<vmem>> -> memref<1x128xi32, #tpu.memory_space<vmem>>
      %dma_start3A_81 = tpu.memref_squeeze %dma_start3A_80 : memref<1x128xi32, #tpu.memory_space<vmem>> -> memref<128xi32, #tpu.memory_space<vmem>>
      %dma_start3A_82 = arith.constant 0 : i32
      %dma_start3A_83 = arith.constant 0 : i32
      %dma_start3A_84 = tpu.memref_slice %arg2[%dma_start3A_82, %dma_start3A_83] : memref<10240x128xf32, #tpu.memory_space<hbm>> -> memref<10240x128xf32, #tpu.memory_space<hbm>>
      tpu.enqueue_indirect_dma source(%dma_start3A_84 : memref<10240x128xf32, #tpu.memory_space<hbm>>) target(%arg8 : memref<128x128xf32, #tpu.memory_space<vmem>>) offsets(%dma_start3A_81 : memref<128xi32, #tpu.memory_space<vmem>>) semaphore(%arg11 : memref<!tpu.dma_semaphore, #tpu.memory_space<semaphore_mem>>)
      %dma_wait3A_85 = arith.constant 2 : i32
      %dma_wait3A_86 = arith.constant 0 : i32
      %dma_wait3A_87 = tpu.memref_slice %arg6[%dma_wait3A_85, %dma_wait3A_86] : memref<8x128xi32, #tpu.memory_space<vmem>> -> memref<1x128xi32, #tpu.memory_space<vmem>>
      %dma_wait3A_88 = tpu.memref_squeeze %dma_wait3A_87 : memref<1x128xi32, #tpu.memory_space<vmem>> -> memref<128xi32, #tpu.memory_space<vmem>>
      %dma_wait3A_89 = arith.constant 0 : i32
      %dma_wait3A_90 = arith.constant 0 : i32
      %dma_wait3A_91 = tpu.memref_slice %arg2[%dma_wait3A_89, %dma_wait3A_90] : memref<10240x128xf32, #tpu.memory_space<hbm>> -> memref<10240x128xf32, #tpu.memory_space<hbm>>
      tpu.wait_indirect_dma semaphore(%arg11 : memref<!tpu.dma_semaphore, #tpu.memory_space<semaphore_mem>>) src(%dma_wait3A_91 : memref<10240x128xf32, #tpu.memory_space<hbm>>) dst(%arg8 : memref<128x128xf32, #tpu.memory_space<vmem>>)
      %dma_start3A_92 = arith.constant 2 : i32
      %dma_start3A_93 = arith.constant 0 : i32
      %dma_start3A_94 = tpu.memref_slice %arg7[%dma_start3A_92, %dma_start3A_93] : memref<8x128xi32, #tpu.memory_space<vmem>> -> memref<1x128xi32, #tpu.memory_space<vmem>>
      %dma_start3A_95 = tpu.memref_squeeze %dma_start3A_94 : memref<1x128xi32, #tpu.memory_space<vmem>> -> memref<128xi32, #tpu.memory_space<vmem>>
      %dma_start3A_96 = arith.constant 0 : i32
      %dma_start3A_97 = arith.constant 0 : i32
      %dma_start3A_98 = tpu.memref_slice %arg10[%dma_start3A_96, %dma_start3A_97] : memref<10240x128xf32, #tpu.memory_space<vmem_shared>> -> memref<10240x128xf32, #tpu.memory_space<vmem_shared>>
      tpu.enqueue_indirect_dma source(%arg8 : memref<128x128xf32, #tpu.memory_space<vmem>>) target(%dma_start3A_98 : memref<10240x128xf32, #tpu.memory_space<vmem_shared>>) offsets(%dma_start3A_95 : memref<128xi32, #tpu.memory_space<vmem>>) semaphore(%arg12 : memref<!tpu.dma_semaphore, #tpu.memory_space<semaphore_mem>>) {add = true}
      %dma_wait3A_99 = arith.constant 1 : i32
      %dma_wait3A_100 = arith.constant 0 : i32
      %dma_wait3A_101 = tpu.memref_slice %arg7[%dma_wait3A_99, %dma_wait3A_100] : memref<8x128xi32, #tpu.memory_space<vmem>> -> memref<1x128xi32, #tpu.memory_space<vmem>>
      %dma_wait3A_102 = tpu.memref_squeeze %dma_wait3A_101 : memref<1x128xi32, #tpu.memory_space<vmem>> -> memref<128xi32, #tpu.memory_space<vmem>>
      %dma_wait3A_103 = arith.constant 0 : i32
      %dma_wait3A_104 = arith.constant 0 : i32
      %dma_wait3A_105 = tpu.memref_slice %arg10[%dma_wait3A_103, %dma_wait3A_104] : memref<10240x128xf32, #tpu.memory_space<vmem_shared>> -> memref<10240x128xf32, #tpu.memory_space<vmem_shared>>
      tpu.wait_indirect_dma semaphore(%arg12 : memref<!tpu.dma_semaphore, #tpu.memory_space<semaphore_mem>>) src(%arg9 : memref<128x128xf32, #tpu.memory_space<vmem>>) dst(%dma_wait3A_105 : memref<10240x128xf32, #tpu.memory_space<vmem_shared>>)
      %dma_start3A_106 = arith.constant 3 : i32
      %dma_start3A_107 = arith.constant 0 : i32
      %dma_start3A_108 = tpu.memref_slice %arg6[%dma_start3A_106, %dma_start3A_107] : memref<8x128xi32, #tpu.memory_space<vmem>> -> memref<1x128xi32, #tpu.memory_space<vmem>>
      %dma_start3A_109 = tpu.memref_squeeze %dma_start3A_108 : memref<1x128xi32, #tpu.memory_space<vmem>> -> memref<128xi32, #tpu.memory_space<vmem>>
      %dma_start3A_110 = arith.constant 0 : i32
      %dma_start3A_111 = arith.constant 0 : i32
      %dma_start3A_112 = tpu.memref_slice %arg2[%dma_start3A_110, %dma_start3A_111] : memref<10240x128xf32, #tpu.memory_space<hbm>> -> memref<10240x128xf32, #tpu.memory_space<hbm>>
      tpu.enqueue_indirect_dma source(%dma_start3A_112 : memref<10240x128xf32, #tpu.memory_space<hbm>>) target(%arg9 : memref<128x128xf32, #tpu.memory_space<vmem>>) offsets(%dma_start3A_109 : memref<128xi32, #tpu.memory_space<vmem>>) semaphore(%arg11 : memref<!tpu.dma_semaphore, #tpu.memory_space<semaphore_mem>>)
      %dma_wait3A_113 = arith.constant 3 : i32
      %dma_wait3A_114 = arith.constant 0 : i32
      %dma_wait3A_115 = tpu.memref_slice %arg6[%dma_wait3A_113, %dma_wait3A_114] : memref<8x128xi32, #tpu.memory_space<vmem>> -> memref<1x128xi32, #tpu.memory_space<vmem>>
      %dma_wait3A_116 = tpu.memref_squeeze %dma_wait3A_115 : memref<1x128xi32, #tpu.memory_space<vmem>> -> memref<128xi32, #tpu.memory_space<vmem>>
      %dma_wait3A_117 = arith.constant 0 : i32
      %dma_wait3A_118 = arith.constant 0 : i32
      %dma_wait3A_119 = tpu.memref_slice %arg2[%dma_wait3A_117, %dma_wait3A_118] : memref<10240x128xf32, #tpu.memory_space<hbm>> -> memref<10240x128xf32, #tpu.memory_space<hbm>>
      tpu.wait_indirect_dma semaphore(%arg11 : memref<!tpu.dma_semaphore, #tpu.memory_space<semaphore_mem>>) src(%dma_wait3A_119 : memref<10240x128xf32, #tpu.memory_space<hbm>>) dst(%arg9 : memref<128x128xf32, #tpu.memory_space<vmem>>)
      %dma_start3A_120 = arith.constant 3 : i32
      %dma_start3A_121 = arith.constant 0 : i32
      %dma_start3A_122 = tpu.memref_slice %arg7[%dma_start3A_120, %dma_start3A_121] : memref<8x128xi32, #tpu.memory_space<vmem>> -> memref<1x128xi32, #tpu.memory_space<vmem>>
      %dma_start3A_123 = tpu.memref_squeeze %dma_start3A_122 : memref<1x128xi32, #tpu.memory_space<vmem>> -> memref<128xi32, #tpu.memory_space<vmem>>
      %dma_start3A_124 = arith.constant 0 : i32
      %dma_start3A_125 = arith.constant 0 : i32
      %dma_start3A_126 = tpu.memref_slice %arg10[%dma_start3A_124, %dma_start3A_125] : memref<10240x128xf32, #tpu.memory_space<vmem_shared>> -> memref<10240x128xf32, #tpu.memory_space<vmem_shared>>
      tpu.enqueue_indirect_dma source(%arg9 : memref<128x128xf32, #tpu.memory_space<vmem>>) target(%dma_start3A_126 : memref<10240x128xf32, #tpu.memory_space<vmem_shared>>) offsets(%dma_start3A_123 : memref<128xi32, #tpu.memory_space<vmem>>) semaphore(%arg12 : memref<!tpu.dma_semaphore, #tpu.memory_space<semaphore_mem>>) {add = true}
      %dma_wait3A_127 = arith.constant 2 : i32
      %dma_wait3A_128 = arith.constant 0 : i32
      %dma_wait3A_129 = tpu.memref_slice %arg7[%dma_wait3A_127, %dma_wait3A_128] : memref<8x128xi32, #tpu.memory_space<vmem>> -> memref<1x128xi32, #tpu.memory_space<vmem>>
      %dma_wait3A_130 = tpu.memref_squeeze %dma_wait3A_129 : memref<1x128xi32, #tpu.memory_space<vmem>> -> memref<128xi32, #tpu.memory_space<vmem>>
      %dma_wait3A_131 = arith.constant 0 : i32
      %dma_wait3A_132 = arith.constant 0 : i32
      %dma_wait3A_133 = tpu.memref_slice %arg10[%dma_wait3A_131, %dma_wait3A_132] : memref<10240x128xf32, #tpu.memory_space<vmem_shared>> -> memref<10240x128xf32, #tpu.memory_space<vmem_shared>>
      tpu.wait_indirect_dma semaphore(%arg12 : memref<!tpu.dma_semaphore, #tpu.memory_space<semaphore_mem>>) src(%arg8 : memref<128x128xf32, #tpu.memory_space<vmem>>) dst(%dma_wait3A_133 : memref<10240x128xf32, #tpu.memory_space<vmem_shared>>)
      %dma_start3A_134 = arith.constant 4 : i32
      %dma_start3A_135 = arith.constant 0 : i32
      %dma_start3A_136 = tpu.memref_slice %arg6[%dma_start3A_134, %dma_start3A_135] : memref<8x128xi32, #tpu.memory_space<vmem>> -> memref<1x128xi32, #tpu.memory_space<vmem>>
      %dma_start3A_137 = tpu.memref_squeeze %dma_start3A_136 : memref<1x128xi32, #tpu.memory_space<vmem>> -> memref<128xi32, #tpu.memory_space<vmem>>
      %dma_start3A_138 = arith.constant 0 : i32
      %dma_start3A_139 = arith.constant 0 : i32
      %dma_start3A_140 = tpu.memref_slice %arg2[%dma_start3A_138, %dma_start3A_139] : memref<10240x128xf32, #tpu.memory_space<hbm>> -> memref<10240x128xf32, #tpu.memory_space<hbm>>
      tpu.enqueue_indirect_dma source(%dma_start3A_140 : memref<10240x128xf32, #tpu.memory_space<hbm>>) target(%arg8 : memref<128x128xf32, #tpu.memory_space<vmem>>) offsets(%dma_start3A_137 : memref<128xi32, #tpu.memory_space<vmem>>) semaphore(%arg11 : memref<!tpu.dma_semaphore, #tpu.memory_space<semaphore_mem>>)
      %dma_wait3A_141 = arith.constant 4 : i32
      %dma_wait3A_142 = arith.constant 0 : i32
      %dma_wait3A_143 = tpu.memref_slice %arg6[%dma_wait3A_141, %dma_wait3A_142] : memref<8x128xi32, #tpu.memory_space<vmem>> -> memref<1x128xi32, #tpu.memory_space<vmem>>
      %dma_wait3A_144 = tpu.memref_squeeze %dma_wait3A_143 : memref<1x128xi32, #tpu.memory_space<vmem>> -> memref<128xi32, #tpu.memory_space<vmem>>
      %dma_wait3A_145 = arith.constant 0 : i32
      %dma_wait3A_146 = arith.constant 0 : i32
      %dma_wait3A_147 = tpu.memref_slice %arg2[%dma_wait3A_145, %dma_wait3A_146] : memref<10240x128xf32, #tpu.memory_space<hbm>> -> memref<10240x128xf32, #tpu.memory_space<hbm>>
      tpu.wait_indirect_dma semaphore(%arg11 : memref<!tpu.dma_semaphore, #tpu.memory_space<semaphore_mem>>) src(%dma_wait3A_147 : memref<10240x128xf32, #tpu.memory_space<hbm>>) dst(%arg8 : memref<128x128xf32, #tpu.memory_space<vmem>>)
      %dma_start3A_148 = arith.constant 4 : i32
      %dma_start3A_149 = arith.constant 0 : i32
      %dma_start3A_150 = tpu.memref_slice %arg7[%dma_start3A_148, %dma_start3A_149] : memref<8x128xi32, #tpu.memory_space<vmem>> -> memref<1x128xi32, #tpu.memory_space<vmem>>
      %dma_start3A_151 = tpu.memref_squeeze %dma_start3A_150 : memref<1x128xi32, #tpu.memory_space<vmem>> -> memref<128xi32, #tpu.memory_space<vmem>>
      %dma_start3A_152 = arith.constant 0 : i32
      %dma_start3A_153 = arith.constant 0 : i32
      %dma_start3A_154 = tpu.memref_slice %arg10[%dma_start3A_152, %dma_start3A_153] : memref<10240x128xf32, #tpu.memory_space<vmem_shared>> -> memref<10240x128xf32, #tpu.memory_space<vmem_shared>>
      tpu.enqueue_indirect_dma source(%arg8 : memref<128x128xf32, #tpu.memory_space<vmem>>) target(%dma_start3A_154 : memref<10240x128xf32, #tpu.memory_space<vmem_shared>>) offsets(%dma_start3A_151 : memref<128xi32, #tpu.memory_space<vmem>>) semaphore(%arg12 : memref<!tpu.dma_semaphore, #tpu.memory_space<semaphore_mem>>) {add = true}
      %dma_wait3A_155 = arith.constant 3 : i32
      %dma_wait3A_156 = arith.constant 0 : i32
      %dma_wait3A_157 = tpu.memref_slice %arg7[%dma_wait3A_155, %dma_wait3A_156] : memref<8x128xi32, #tpu.memory_space<vmem>> -> memref<1x128xi32, #tpu.memory_space<vmem>>
      %dma_wait3A_158 = tpu.memref_squeeze %dma_wait3A_157 : memref<1x128xi32, #tpu.memory_space<vmem>> -> memref<128xi32, #tpu.memory_space<vmem>>
      %dma_wait3A_159 = arith.constant 0 : i32
      %dma_wait3A_160 = arith.constant 0 : i32
      %dma_wait3A_161 = tpu.memref_slice %arg10[%dma_wait3A_159, %dma_wait3A_160] : memref<10240x128xf32, #tpu.memory_space<vmem_shared>> -> memref<10240x128xf32, #tpu.memory_space<vmem_shared>>
      tpu.wait_indirect_dma semaphore(%arg12 : memref<!tpu.dma_semaphore, #tpu.memory_space<semaphore_mem>>) src(%arg9 : memref<128x128xf32, #tpu.memory_space<vmem>>) dst(%dma_wait3A_161 : memref<10240x128xf32, #tpu.memory_space<vmem_shared>>)
      %dma_start3A_162 = arith.constant 5 : i32
      %dma_start3A_163 = arith.constant 0 : i32
      %dma_start3A_164 = tpu.memref_slice %arg6[%dma_start3A_162, %dma_start3A_163] : memref<8x128xi32, #tpu.memory_space<vmem>> -> memref<1x128xi32, #tpu.memory_space<vmem>>
      %dma_start3A_165 = tpu.memref_squeeze %dma_start3A_164 : memref<1x128xi32, #tpu.memory_space<vmem>> -> memref<128xi32, #tpu.memory_space<vmem>>
      %dma_start3A_166 = arith.constant 0 : i32
      %dma_start3A_167 = arith.constant 0 : i32
      %dma_start3A_168 = tpu.memref_slice %arg2[%dma_start3A_166, %dma_start3A_167] : memref<10240x128xf32, #tpu.memory_space<hbm>> -> memref<10240x128xf32, #tpu.memory_space<hbm>>
      tpu.enqueue_indirect_dma source(%dma_start3A_168 : memref<10240x128xf32, #tpu.memory_space<hbm>>) target(%arg9 : memref<128x128xf32, #tpu.memory_space<vmem>>) offsets(%dma_start3A_165 : memref<128xi32, #tpu.memory_space<vmem>>) semaphore(%arg11 : memref<!tpu.dma_semaphore, #tpu.memory_space<semaphore_mem>>)
      %dma_wait3A_169 = arith.constant 5 : i32
      %dma_wait3A_170 = arith.constant 0 : i32
      %dma_wait3A_171 = tpu.memref_slice %arg6[%dma_wait3A_169, %dma_wait3A_170] : memref<8x128xi32, #tpu.memory_space<vmem>> -> memref<1x128xi32, #tpu.memory_space<vmem>>
      %dma_wait3A_172 = tpu.memref_squeeze %dma_wait3A_171 : memref<1x128xi32, #tpu.memory_space<vmem>> -> memref<128xi32, #tpu.memory_space<vmem>>
      %dma_wait3A_173 = arith.constant 0 : i32
      %dma_wait3A_174 = arith.constant 0 : i32
      %dma_wait3A_175 = tpu.memref_slice %arg2[%dma_wait3A_173, %dma_wait3A_174] : memref<10240x128xf32, #tpu.memory_space<hbm>> -> memref<10240x128xf32, #tpu.memory_space<hbm>>
      tpu.wait_indirect_dma semaphore(%arg11 : memref<!tpu.dma_semaphore, #tpu.memory_space<semaphore_mem>>) src(%dma_wait3A_175 : memref<10240x128xf32, #tpu.memory_space<hbm>>) dst(%arg9 : memref<128x128xf32, #tpu.memory_space<vmem>>)
      %dma_start3A_176 = arith.constant 5 : i32
      %dma_start3A_177 = arith.constant 0 : i32
      %dma_start3A_178 = tpu.memref_slice %arg7[%dma_start3A_176, %dma_start3A_177] : memref<8x128xi32, #tpu.memory_space<vmem>> -> memref<1x128xi32, #tpu.memory_space<vmem>>
      %dma_start3A_179 = tpu.memref_squeeze %dma_start3A_178 : memref<1x128xi32, #tpu.memory_space<vmem>> -> memref<128xi32, #tpu.memory_space<vmem>>
      %dma_start3A_180 = arith.constant 0 : i32
      %dma_start3A_181 = arith.constant 0 : i32
      %dma_start3A_182 = tpu.memref_slice %arg10[%dma_start3A_180, %dma_start3A_181] : memref<10240x128xf32, #tpu.memory_space<vmem_shared>> -> memref<10240x128xf32, #tpu.memory_space<vmem_shared>>
      tpu.enqueue_indirect_dma source(%arg9 : memref<128x128xf32, #tpu.memory_space<vmem>>) target(%dma_start3A_182 : memref<10240x128xf32, #tpu.memory_space<vmem_shared>>) offsets(%dma_start3A_179 : memref<128xi32, #tpu.memory_space<vmem>>) semaphore(%arg12 : memref<!tpu.dma_semaphore, #tpu.memory_space<semaphore_mem>>) {add = true}
      %dma_wait3A_183 = arith.constant 4 : i32
      %dma_wait3A_184 = arith.constant 0 : i32
      %dma_wait3A_185 = tpu.memref_slice %arg7[%dma_wait3A_183, %dma_wait3A_184] : memref<8x128xi32, #tpu.memory_space<vmem>> -> memref<1x128xi32, #tpu.memory_space<vmem>>
      %dma_wait3A_186 = tpu.memref_squeeze %dma_wait3A_185 : memref<1x128xi32, #tpu.memory_space<vmem>> -> memref<128xi32, #tpu.memory_space<vmem>>
      %dma_wait3A_187 = arith.constant 0 : i32
      %dma_wait3A_188 = arith.constant 0 : i32
      %dma_wait3A_189 = tpu.memref_slice %arg10[%dma_wait3A_187, %dma_wait3A_188] : memref<10240x128xf32, #tpu.memory_space<vmem_shared>> -> memref<10240x128xf32, #tpu.memory_space<vmem_shared>>
      tpu.wait_indirect_dma semaphore(%arg12 : memref<!tpu.dma_semaphore, #tpu.memory_space<semaphore_mem>>) src(%arg8 : memref<128x128xf32, #tpu.memory_space<vmem>>) dst(%dma_wait3A_189 : memref<10240x128xf32, #tpu.memory_space<vmem_shared>>)
      %dma_start3A_190 = arith.constant 6 : i32
      %dma_start3A_191 = arith.constant 0 : i32
      %dma_start3A_192 = tpu.memref_slice %arg6[%dma_start3A_190, %dma_start3A_191] : memref<8x128xi32, #tpu.memory_space<vmem>> -> memref<1x128xi32, #tpu.memory_space<vmem>>
      %dma_start3A_193 = tpu.memref_squeeze %dma_start3A_192 : memref<1x128xi32, #tpu.memory_space<vmem>> -> memref<128xi32, #tpu.memory_space<vmem>>
      %dma_start3A_194 = arith.constant 0 : i32
      %dma_start3A_195 = arith.constant 0 : i32
      %dma_start3A_196 = tpu.memref_slice %arg2[%dma_start3A_194, %dma_start3A_195] : memref<10240x128xf32, #tpu.memory_space<hbm>> -> memref<10240x128xf32, #tpu.memory_space<hbm>>
      tpu.enqueue_indirect_dma source(%dma_start3A_196 : memref<10240x128xf32, #tpu.memory_space<hbm>>) target(%arg8 : memref<128x128xf32, #tpu.memory_space<vmem>>) offsets(%dma_start3A_193 : memref<128xi32, #tpu.memory_space<vmem>>) semaphore(%arg11 : memref<!tpu.dma_semaphore, #tpu.memory_space<semaphore_mem>>)
      %dma_wait3A_197 = arith.constant 6 : i32
      %dma_wait3A_198 = arith.constant 0 : i32
      %dma_wait3A_199 = tpu.memref_slice %arg6[%dma_wait3A_197, %dma_wait3A_198] : memref<8x128xi32, #tpu.memory_space<vmem>> -> memref<1x128xi32, #tpu.memory_space<vmem>>
      %dma_wait3A_200 = tpu.memref_squeeze %dma_wait3A_199 : memref<1x128xi32, #tpu.memory_space<vmem>> -> memref<128xi32, #tpu.memory_space<vmem>>
      %dma_wait3A_201 = arith.constant 0 : i32
      %dma_wait3A_202 = arith.constant 0 : i32
      %dma_wait3A_203 = tpu.memref_slice %arg2[%dma_wait3A_201, %dma_wait3A_202] : memref<10240x128xf32, #tpu.memory_space<hbm>> -> memref<10240x128xf32, #tpu.memory_space<hbm>>
      tpu.wait_indirect_dma semaphore(%arg11 : memref<!tpu.dma_semaphore, #tpu.memory_space<semaphore_mem>>) src(%dma_wait3A_203 : memref<10240x128xf32, #tpu.memory_space<hbm>>) dst(%arg8 : memref<128x128xf32, #tpu.memory_space<vmem>>)
      %dma_start3A_204 = arith.constant 6 : i32
      %dma_start3A_205 = arith.constant 0 : i32
      %dma_start3A_206 = tpu.memref_slice %arg7[%dma_start3A_204, %dma_start3A_205] : memref<8x128xi32, #tpu.memory_space<vmem>> -> memref<1x128xi32, #tpu.memory_space<vmem>>
      %dma_start3A_207 = tpu.memref_squeeze %dma_start3A_206 : memref<1x128xi32, #tpu.memory_space<vmem>> -> memref<128xi32, #tpu.memory_space<vmem>>
      %dma_start3A_208 = arith.constant 0 : i32
      %dma_start3A_209 = arith.constant 0 : i32
      %dma_start3A_210 = tpu.memref_slice %arg10[%dma_start3A_208, %dma_start3A_209] : memref<10240x128xf32, #tpu.memory_space<vmem_shared>> -> memref<10240x128xf32, #tpu.memory_space<vmem_shared>>
      tpu.enqueue_indirect_dma source(%arg8 : memref<128x128xf32, #tpu.memory_space<vmem>>) target(%dma_start3A_210 : memref<10240x128xf32, #tpu.memory_space<vmem_shared>>) offsets(%dma_start3A_207 : memref<128xi32, #tpu.memory_space<vmem>>) semaphore(%arg12 : memref<!tpu.dma_semaphore, #tpu.memory_space<semaphore_mem>>) {add = true}
      %dma_wait3A_211 = arith.constant 5 : i32
      %dma_wait3A_212 = arith.constant 0 : i32
      %dma_wait3A_213 = tpu.memref_slice %arg7[%dma_wait3A_211, %dma_wait3A_212] : memref<8x128xi32, #tpu.memory_space<vmem>> -> memref<1x128xi32, #tpu.memory_space<vmem>>
      %dma_wait3A_214 = tpu.memref_squeeze %dma_wait3A_213 : memref<1x128xi32, #tpu.memory_space<vmem>> -> memref<128xi32, #tpu.memory_space<vmem>>
      %dma_wait3A_215 = arith.constant 0 : i32
      %dma_wait3A_216 = arith.constant 0 : i32
      %dma_wait3A_217 = tpu.memref_slice %arg10[%dma_wait3A_215, %dma_wait3A_216] : memref<10240x128xf32, #tpu.memory_space<vmem_shared>> -> memref<10240x128xf32, #tpu.memory_space<vmem_shared>>
      tpu.wait_indirect_dma semaphore(%arg12 : memref<!tpu.dma_semaphore, #tpu.memory_space<semaphore_mem>>) src(%arg9 : memref<128x128xf32, #tpu.memory_space<vmem>>) dst(%dma_wait3A_217 : memref<10240x128xf32, #tpu.memory_space<vmem_shared>>)
      %dma_start3A_218 = arith.constant 7 : i32
      %dma_start3A_219 = arith.constant 0 : i32
      %dma_start3A_220 = tpu.memref_slice %arg6[%dma_start3A_218, %dma_start3A_219] : memref<8x128xi32, #tpu.memory_space<vmem>> -> memref<1x128xi32, #tpu.memory_space<vmem>>
      %dma_start3A_221 = tpu.memref_squeeze %dma_start3A_220 : memref<1x128xi32, #tpu.memory_space<vmem>> -> memref<128xi32, #tpu.memory_space<vmem>>
      %dma_start3A_222 = arith.constant 0 : i32
      %dma_start3A_223 = arith.constant 0 : i32
      %dma_start3A_224 = tpu.memref_slice %arg2[%dma_start3A_222, %dma_start3A_223] : memref<10240x128xf32, #tpu.memory_space<hbm>> -> memref<10240x128xf32, #tpu.memory_space<hbm>>
      tpu.enqueue_indirect_dma source(%dma_start3A_224 : memref<10240x128xf32, #tpu.memory_space<hbm>>) target(%arg9 : memref<128x128xf32, #tpu.memory_space<vmem>>) offsets(%dma_start3A_221 : memref<128xi32, #tpu.memory_space<vmem>>) semaphore(%arg11 : memref<!tpu.dma_semaphore, #tpu.memory_space<semaphore_mem>>)
      %dma_wait3A_225 = arith.constant 7 : i32
      %dma_wait3A_226 = arith.constant 0 : i32
      %dma_wait3A_227 = tpu.memref_slice %arg6[%dma_wait3A_225, %dma_wait3A_226] : memref<8x128xi32, #tpu.memory_space<vmem>> -> memref<1x128xi32, #tpu.memory_space<vmem>>
      %dma_wait3A_228 = tpu.memref_squeeze %dma_wait3A_227 : memref<1x128xi32, #tpu.memory_space<vmem>> -> memref<128xi32, #tpu.memory_space<vmem>>
      %dma_wait3A_229 = arith.constant 0 : i32
      %dma_wait3A_230 = arith.constant 0 : i32
      %dma_wait3A_231 = tpu.memref_slice %arg2[%dma_wait3A_229, %dma_wait3A_230] : memref<10240x128xf32, #tpu.memory_space<hbm>> -> memref<10240x128xf32, #tpu.memory_space<hbm>>
      tpu.wait_indirect_dma semaphore(%arg11 : memref<!tpu.dma_semaphore, #tpu.memory_space<semaphore_mem>>) src(%dma_wait3A_231 : memref<10240x128xf32, #tpu.memory_space<hbm>>) dst(%arg9 : memref<128x128xf32, #tpu.memory_space<vmem>>)
      %dma_start3A_232 = arith.constant 7 : i32
      %dma_start3A_233 = arith.constant 0 : i32
      %dma_start3A_234 = tpu.memref_slice %arg7[%dma_start3A_232, %dma_start3A_233] : memref<8x128xi32, #tpu.memory_space<vmem>> -> memref<1x128xi32, #tpu.memory_space<vmem>>
      %dma_start3A_235 = tpu.memref_squeeze %dma_start3A_234 : memref<1x128xi32, #tpu.memory_space<vmem>> -> memref<128xi32, #tpu.memory_space<vmem>>
      %dma_start3A_236 = arith.constant 0 : i32
      %dma_start3A_237 = arith.constant 0 : i32
      %dma_start3A_238 = tpu.memref_slice %arg10[%dma_start3A_236, %dma_start3A_237] : memref<10240x128xf32, #tpu.memory_space<vmem_shared>> -> memref<10240x128xf32, #tpu.memory_space<vmem_shared>>
      tpu.enqueue_indirect_dma source(%arg9 : memref<128x128xf32, #tpu.memory_space<vmem>>) target(%dma_start3A_238 : memref<10240x128xf32, #tpu.memory_space<vmem_shared>>) offsets(%dma_start3A_235 : memref<128xi32, #tpu.memory_space<vmem>>) semaphore(%arg12 : memref<!tpu.dma_semaphore, #tpu.memory_space<semaphore_mem>>) {add = true}
      %dma_wait3A_239 = arith.constant 6 : i32
      %dma_wait3A_240 = arith.constant 0 : i32
      %dma_wait3A_241 = tpu.memref_slice %arg7[%dma_wait3A_239, %dma_wait3A_240] : memref<8x128xi32, #tpu.memory_space<vmem>> -> memref<1x128xi32, #tpu.memory_space<vmem>>
      %dma_wait3A_242 = tpu.memref_squeeze %dma_wait3A_241 : memref<1x128xi32, #tpu.memory_space<vmem>> -> memref<128xi32, #tpu.memory_space<vmem>>
      %dma_wait3A_243 = arith.constant 0 : i32
      %dma_wait3A_244 = arith.constant 0 : i32
      %dma_wait3A_245 = tpu.memref_slice %arg10[%dma_wait3A_243, %dma_wait3A_244] : memref<10240x128xf32, #tpu.memory_space<vmem_shared>> -> memref<10240x128xf32, #tpu.memory_space<vmem_shared>>
      tpu.wait_indirect_dma semaphore(%arg12 : memref<!tpu.dma_semaphore, #tpu.memory_space<semaphore_mem>>) src(%arg8 : memref<128x128xf32, #tpu.memory_space<vmem>>) dst(%dma_wait3A_245 : memref<10240x128xf32, #tpu.memory_space<vmem_shared>>)
      %dma_wait3A_246 = arith.constant 7 : i32
      %dma_wait3A_247 = arith.constant 0 : i32
      %dma_wait3A_248 = tpu.memref_slice %arg7[%dma_wait3A_246, %dma_wait3A_247] : memref<8x128xi32, #tpu.memory_space<vmem>> -> memref<1x128xi32, #tpu.memory_space<vmem>>
      %dma_wait3A_249 = tpu.memref_squeeze %dma_wait3A_248 : memref<1x128xi32, #tpu.memory_space<vmem>> -> memref<128xi32, #tpu.memory_space<vmem>>
      %dma_wait3A_250 = arith.constant 0 : i32
      %dma_wait3A_251 = arith.constant 0 : i32
      %dma_wait3A_252 = tpu.memref_slice %arg10[%dma_wait3A_250, %dma_wait3A_251] : memref<10240x128xf32, #tpu.memory_space<vmem_shared>> -> memref<10240x128xf32, #tpu.memory_space<vmem_shared>>
      tpu.wait_indirect_dma semaphore(%arg12 : memref<!tpu.dma_semaphore, #tpu.memory_space<semaphore_mem>>) src(%arg9 : memref<128x128xf32, #tpu.memory_space<vmem>>) dst(%dma_wait3A_252 : memref<10240x128xf32, #tpu.memory_space<vmem_shared>>)
    }
    %scan3A_18 = arith.constant 10 : i32
    %barrier3A_19 = arith.constant 0 : index
    tpu.barrier barrier_id(%barrier3A_19)
    %scan3A_20 = arith.constant 0 : i32
    %scan3A_21 = arith.constant 0 : i32
    %scan3A_22 = arith.constant 5 : i32
    %scan3A_23 = arith.addi %scan3A_21, %scan3A_22 : i32
    %scan3A_24 = arith.constant 1 : i32
    scf.for %scan3A_26 = %scan3A_21 to %scan3A_23 step %scan3A_24  : i32 {
      %mul3A_27 = arith.constant 640 : i32
      %mul3A_28 = arith.muli %arg1, %mul3A_27 : i32
      %mul3A_29 = arith.constant 128 : i32
      %mul3A_30 = arith.muli %scan3A_26, %mul3A_29 : i32
      %add3A_31 = arith.addi %mul3A_28, %mul3A_30 : i32
      "tpu.region"() ({
        %run_scoped3A = tpu.sem_alloc : memref<!tpu.dma_semaphore, #tpu.memory_space<semaphore_mem>>
        %dma_start3A = arith.constant 0 : i32
        %dma_start3A_32 = tpu.memref_slice %arg10[%add3A_31, %dma_start3A] : memref<10240x128xf32, #tpu.memory_space<vmem_shared>> -> memref<128x128xf32, #tpu.memory_space<vmem_shared>>
        %dma_start3A_33 = arith.constant 0 : i32
        %dma_start3A_34 = tpu.memref_slice %arg10[%add3A_31, %dma_start3A_33] : memref<10240x128xf32, #tpu.memory_space<vmem_shared>> -> memref<128x128xf32, #tpu.memory_space<vmem_shared>>
        tpu.enqueue_dma source(%dma_start3A_34 : memref<128x128xf32, #tpu.memory_space<vmem_shared>>) target(%arg8 : memref<128x128xf32, #tpu.memory_space<vmem>>) target_semaphore(%run_scoped3A : memref<!tpu.dma_semaphore, #tpu.memory_space<semaphore_mem>>)
        %dma_wait3A = arith.constant 0 : i32
        %dma_wait3A_35 = tpu.memref_slice %arg10[%add3A_31, %dma_wait3A] : memref<10240x128xf32, #tpu.memory_space<vmem_shared>> -> memref<128x128xf32, #tpu.memory_space<vmem_shared>>
        %dma_wait3A_36 = arith.constant 0 : i32
        %dma_wait3A_37 = tpu.memref_slice %arg10[%add3A_31, %dma_wait3A_36] : memref<10240x128xf32, #tpu.memory_space<vmem_shared>> -> memref<128x128xf32, #tpu.memory_space<vmem_shared>>
        tpu.wait_dma2 semaphore(%run_scoped3A : memref<!tpu.dma_semaphore, #tpu.memory_space<semaphore_mem>>) src(%dma_wait3A_37 : memref<128x128xf32, #tpu.memory_space<vmem_shared>>) dst(%arg8 : memref<128x128xf32, #tpu.memory_space<vmem>>)
        tpu.yield
      }) : () -> ()
      "tpu.region"() ({
        %run_scoped3A = tpu.sem_alloc : memref<!tpu.dma_semaphore, #tpu.memory_space<semaphore_mem>>
        %dma_start3A = arith.constant 0 : i32
        %dma_start3A_32 = arith.constant 0 : i32
        %dma_start3A_33 = tpu.memref_slice %arg5[%arg0, %dma_start3A, %dma_start3A_32] : memref<2x10240x128xf32, #tpu.memory_space<hbm>> -> memref<1x10240x128xf32, #tpu.memory_space<hbm>>
        %dma_start3A_34 = tpu.memref_squeeze %dma_start3A_33 : memref<1x10240x128xf32, #tpu.memory_space<hbm>> -> memref<10240x128xf32, #tpu.memory_space<hbm>>
        %dma_start3A_35 = arith.constant 0 : i32
        %dma_start3A_36 = tpu.memref_slice %dma_start3A_34[%add3A_31, %dma_start3A_35] : memref<10240x128xf32, #tpu.memory_space<hbm>> -> memref<128x128xf32, #tpu.memory_space<hbm>>
        %dma_start3A_37 = arith.constant 0 : i32
        %dma_start3A_38 = arith.constant 0 : i32
        %dma_start3A_39 = tpu.memref_slice %arg5[%arg0, %dma_start3A_37, %dma_start3A_38] : memref<2x10240x128xf32, #tpu.memory_space<hbm>> -> memref<1x10240x128xf32, #tpu.memory_space<hbm>>
        %dma_start3A_40 = tpu.memref_squeeze %dma_start3A_39 : memref<1x10240x128xf32, #tpu.memory_space<hbm>> -> memref<10240x128xf32, #tpu.memory_space<hbm>>
        %dma_start3A_41 = arith.constant 0 : i32
        %dma_start3A_42 = tpu.memref_slice %dma_start3A_40[%add3A_31, %dma_start3A_41] : memref<10240x128xf32, #tpu.memory_space<hbm>> -> memref<128x128xf32, #tpu.memory_space<hbm>>
        tpu.enqueue_dma source(%arg8 : memref<128x128xf32, #tpu.memory_space<vmem>>) target(%dma_start3A_42 : memref<128x128xf32, #tpu.memory_space<hbm>>) target_semaphore(%run_scoped3A : memref<!tpu.dma_semaphore, #tpu.memory_space<semaphore_mem>>)
        %dma_wait3A = arith.constant 0 : i32
        %dma_wait3A_43 = arith.constant 0 : i32
        %dma_wait3A_44 = tpu.memref_slice %arg5[%arg0, %dma_wait3A, %dma_wait3A_43] : memref<2x10240x128xf32, #tpu.memory_space<hbm>> -> memref<1x10240x128xf32, #tpu.memory_space<hbm>>
        %dma_wait3A_45 = tpu.memref_squeeze %dma_wait3A_44 : memref<1x10240x128xf32, #tpu.memory_space<hbm>> -> memref<10240x128xf32, #tpu.memory_space<hbm>>
        %dma_wait3A_46 = arith.constant 0 : i32
        %dma_wait3A_47 = tpu.memref_slice %dma_wait3A_45[%add3A_31, %dma_wait3A_46] : memref<10240x128xf32, #tpu.memory_space<hbm>> -> memref<128x128xf32, #tpu.memory_space<hbm>>
        %dma_wait3A_48 = arith.constant 0 : i32
        %dma_wait3A_49 = arith.constant 0 : i32
        %dma_wait3A_50 = tpu.memref_slice %arg5[%arg0, %dma_wait3A_48, %dma_wait3A_49] : memref<2x10240x128xf32, #tpu.memory_space<hbm>> -> memref<1x10240x128xf32, #tpu.memory_space<hbm>>
        %dma_wait3A_51 = tpu.memref_squeeze %dma_wait3A_50 : memref<1x10240x128xf32, #tpu.memory_space<hbm>> -> memref<10240x128xf32, #tpu.memory_space<hbm>>
        %dma_wait3A_52 = arith.constant 0 : i32
        %dma_wait3A_53 = tpu.memref_slice %dma_wait3A_51[%add3A_31, %dma_wait3A_52] : memref<10240x128xf32, #tpu.memory_space<hbm>> -> memref<128x128xf32, #tpu.memory_space<hbm>>
        tpu.wait_dma2 semaphore(%run_scoped3A : memref<!tpu.dma_semaphore, #tpu.memory_space<semaphore_mem>>) src(%arg8 : memref<128x128xf32, #tpu.memory_space<vmem>>) dst(%dma_wait3A_53 : memref<128x128xf32, #tpu.memory_space<hbm>>)
        tpu.yield
      }) : () -> ()
    }
    %scan3A_25 = arith.constant 5 : i32
    return
  }
}

#map = affine_map<(d0, d1) -> (0, 0, 0)>
module attributes {stable_mosaic.version = 14 : i64} {
  func.func @deg_kernel(%arg0: i32, %arg1: i32, %arg2: memref<32x80x128xi32, #tpu.memory_space<hbm>>, %arg3: memref<2x10240x16xf32, #tpu.memory_space<hbm>>, %arg4: memref<8x128xi32, #tpu.memory_space<vmem>>, %arg5: memref<128x16xf32, #tpu.memory_space<vmem>>, %arg6: memref<640x16xf32, #tpu.memory_space<vmem>>, %arg7: memref<10240x16xf32, #tpu.memory_space<vmem_shared>>, %arg8: memref<!tpu.dma_semaphore, #tpu.memory_space<semaphore_mem>>) attributes {dimension_semantics = [#tpu.dimension_semantics<core_parallel>, #tpu.dimension_semantics<subcore_parallel>], iteration_bounds = array<i64: 2, 16>, scalar_prefetch = 0 : i64, scratch_operands = 5 : i64, tpu.core_type = #tpu.core_type<sc_vector_subcore>, window_params = [{transform_indices = #map}, {transform_indices = #map}]} {
    %mul3A = arith.constant 16 : i32
    %mul3A_0 = arith.muli %arg0, %mul3A : i32
    %add3A = arith.addi %mul3A_0, %arg1 : i32
    %broadcast_in_dim3A = arith.constant 1.000000e+00 : f32
    %broadcast_in_dim3A_1 = vector.broadcast %broadcast_in_dim3A : f32 to vector<16xf32>
    %scan3A = arith.constant 0 : i32
    %scan3A_2 = arith.constant 0 : i32
    %scan3A_3 = arith.constant 128 : i32
    %scan3A_4 = arith.addi %scan3A_2, %scan3A_3 : i32
    %scan3A_5 = arith.constant 1 : i32
    scf.for %scan3A_28 = %scan3A_2 to %scan3A_4 step %scan3A_5  : i32 {
      %jit3A = arith.constant 1 : i32
      %div3A = arith.divsi %scan3A_28, %jit3A : i32
      %sign3A = arith.constant 0 : i32
      %sign3A_29 = arith.cmpi sgt, %scan3A_28, %sign3A : i32
      %sign3A_30 = arith.extui %sign3A_29 : i1 to i32
      %sign3A_31 = arith.constant 0 : i32
      %sign3A_32 = arith.cmpi slt, %scan3A_28, %sign3A_31 : i32
      %sign3A_33 = arith.extui %sign3A_32 : i1 to i32
      %sign3A_34 = arith.subi %sign3A_30, %sign3A_33 : i32
      %sign3A_35 = arith.constant 0 : i32
      %sign3A_36 = arith.cmpi sgt, %jit3A, %sign3A_35 : i32
      %sign3A_37 = arith.extui %sign3A_36 : i1 to i32
      %sign3A_38 = arith.constant 0 : i32
      %sign3A_39 = arith.cmpi slt, %jit3A, %sign3A_38 : i32
      %sign3A_40 = arith.extui %sign3A_39 : i1 to i32
      %sign3A_41 = arith.subi %sign3A_37, %sign3A_40 : i32
      %ne3A = arith.cmpi ne, %sign3A_34, %sign3A_41 : i32
      %rem3A = arith.remsi %scan3A_28, %jit3A : i32
      %ne3A_42 = arith.constant 0 : i32
      %ne3A_43 = arith.cmpi ne, %rem3A, %ne3A_42 : i32
      %and3A = arith.andi %ne3A, %ne3A_43 : i1
      %sub3A = arith.constant 1 : i32
      %sub3A_44 = arith.subi %div3A, %sub3A : i32
      %select_n3A = arith.select %and3A, %sub3A_44, %div3A : i32
      %jit3A_45 = arith.constant 1 : i32
      %eq3A = arith.constant 0 : i32
      %eq3A_46 = arith.cmpi eq, %jit3A_45, %eq3A : i32
      %jit3A_47 = arith.constant 1 : i32
      %select_n3A_48 = arith.select %eq3A_46, %jit3A_47, %jit3A_45 : i32
      %rem3A_49 = arith.remsi %scan3A_28, %select_n3A_48 : i32
      %ne3A_50 = arith.constant 0 : i32
      %ne3A_51 = arith.cmpi ne, %rem3A_49, %ne3A_50 : i32
      %lt3A = arith.constant 0 : i32
      %lt3A_52 = arith.cmpi slt, %rem3A_49, %lt3A : i32
      %lt3A_53 = arith.constant 0 : i32
      %lt3A_54 = arith.cmpi slt, %select_n3A_48, %lt3A_53 : i32
      %ne3A_55 = arith.xori %lt3A_52, %lt3A_54 : i1
      %and3A_56 = arith.andi %ne3A_55, %ne3A_51 : i1
      %add3A_57 = arith.addi %rem3A_49, %select_n3A_48 : i32
      %select_n3A_58 = arith.select %and3A_56, %add3A_57, %rem3A_49 : i32
      %mul3A_59 = arith.constant 16 : i32
      %mul3A_60 = arith.muli %select_n3A_58, %mul3A_59 : i32
      %swap3A = arith.index_cast %select_n3A : i32 to index
      %swap3A_61 = arith.index_cast %mul3A_60 : i32 to index
      %swap3A_62 = tpu.vector_load %arg5[%swap3A, %swap3A_61] {strides = array<i32>} : memref<128x16xf32, #tpu.memory_space<vmem>>, vector<1x16xf32>,
      %swap3A_63 = vector.shape_cast %swap3A_62 : vector<1x16xf32> to vector<16xf32>
      %swap3A_64 = vector.shape_cast %broadcast_in_dim3A_1 : vector<16xf32> to vector<1x16xf32>
      tpu.vector_store %arg5[%swap3A, %swap3A_61], %swap3A_64 {strides = array<i32>} : memref<128x16xf32, #tpu.memory_space<vmem>>, vector<1x16xf32>,
    }
    %scan3A_6 = arith.constant 128 : i32
    %broadcast_in_dim3A_7 = arith.constant 0.000000e+00 : f32
    %broadcast_in_dim3A_8 = vector.broadcast %broadcast_in_dim3A_7 : f32 to vector<16xf32>
    %scan3A_9 = arith.constant 0 : i32
    %scan3A_10 = arith.constant 0 : i32
    %scan3A_11 = arith.constant 640 : i32
    %scan3A_12 = arith.addi %scan3A_10, %scan3A_11 : i32
    %scan3A_13 = arith.constant 1 : i32
    scf.for %scan3A_28 = %scan3A_10 to %scan3A_12 step %scan3A_13  : i32 {
      %jit3A = arith.constant 1 : i32
      %div3A = arith.divsi %scan3A_28, %jit3A : i32
      %sign3A = arith.constant 0 : i32
      %sign3A_29 = arith.cmpi sgt, %scan3A_28, %sign3A : i32
      %sign3A_30 = arith.extui %sign3A_29 : i1 to i32
      %sign3A_31 = arith.constant 0 : i32
      %sign3A_32 = arith.cmpi slt, %scan3A_28, %sign3A_31 : i32
      %sign3A_33 = arith.extui %sign3A_32 : i1 to i32
      %sign3A_34 = arith.subi %sign3A_30, %sign3A_33 : i32
      %sign3A_35 = arith.constant 0 : i32
      %sign3A_36 = arith.cmpi sgt, %jit3A, %sign3A_35 : i32
      %sign3A_37 = arith.extui %sign3A_36 : i1 to i32
      %sign3A_38 = arith.constant 0 : i32
      %sign3A_39 = arith.cmpi slt, %jit3A, %sign3A_38 : i32
      %sign3A_40 = arith.extui %sign3A_39 : i1 to i32
      %sign3A_41 = arith.subi %sign3A_37, %sign3A_40 : i32
      %ne3A = arith.cmpi ne, %sign3A_34, %sign3A_41 : i32
      %rem3A = arith.remsi %scan3A_28, %jit3A : i32
      %ne3A_42 = arith.constant 0 : i32
      %ne3A_43 = arith.cmpi ne, %rem3A, %ne3A_42 : i32
      %and3A = arith.andi %ne3A, %ne3A_43 : i1
      %sub3A = arith.constant 1 : i32
      %sub3A_44 = arith.subi %div3A, %sub3A : i32
      %select_n3A = arith.select %and3A, %sub3A_44, %div3A : i32
      %jit3A_45 = arith.constant 1 : i32
      %eq3A = arith.constant 0 : i32
      %eq3A_46 = arith.cmpi eq, %jit3A_45, %eq3A : i32
      %jit3A_47 = arith.constant 1 : i32
      %select_n3A_48 = arith.select %eq3A_46, %jit3A_47, %jit3A_45 : i32
      %rem3A_49 = arith.remsi %scan3A_28, %select_n3A_48 : i32
      %ne3A_50 = arith.constant 0 : i32
      %ne3A_51 = arith.cmpi ne, %rem3A_49, %ne3A_50 : i32
      %lt3A = arith.constant 0 : i32
      %lt3A_52 = arith.cmpi slt, %rem3A_49, %lt3A : i32
      %lt3A_53 = arith.constant 0 : i32
      %lt3A_54 = arith.cmpi slt, %select_n3A_48, %lt3A_53 : i32
      %ne3A_55 = arith.xori %lt3A_52, %lt3A_54 : i1
      %and3A_56 = arith.andi %ne3A_55, %ne3A_51 : i1
      %add3A_57 = arith.addi %rem3A_49, %select_n3A_48 : i32
      %select_n3A_58 = arith.select %and3A_56, %add3A_57, %rem3A_49 : i32
      %mul3A_59 = arith.constant 16 : i32
      %mul3A_60 = arith.muli %select_n3A_58, %mul3A_59 : i32
      %swap3A = arith.index_cast %select_n3A : i32 to index
      %swap3A_61 = arith.index_cast %mul3A_60 : i32 to index
      %swap3A_62 = tpu.vector_load %arg6[%swap3A, %swap3A_61] {strides = array<i32>} : memref<640x16xf32, #tpu.memory_space<vmem>>, vector<1x16xf32>,
      %swap3A_63 = vector.shape_cast %swap3A_62 : vector<1x16xf32> to vector<16xf32>
      %swap3A_64 = vector.shape_cast %broadcast_in_dim3A_8 : vector<16xf32> to vector<1x16xf32>
      tpu.vector_store %arg6[%swap3A, %swap3A_61], %swap3A_64 {strides = array<i32>} : memref<640x16xf32, #tpu.memory_space<vmem>>, vector<1x16xf32>,
    }
    %scan3A_14 = arith.constant 640 : i32
    %mul3A_15 = arith.constant 640 : i32
    %mul3A_16 = arith.muli %arg1, %mul3A_15 : i32
    "tpu.region"() ({
      %run_scoped3A = tpu.sem_alloc : memref<!tpu.dma_semaphore, #tpu.memory_space<semaphore_mem>>
      %dma_start3A = arith.constant 0 : i32
      %dma_start3A_28 = tpu.memref_slice %arg7[%mul3A_16, %dma_start3A] : memref<10240x16xf32, #tpu.memory_space<vmem_shared>> -> memref<640x16xf32, #tpu.memory_space<vmem_shared>>
      %dma_start3A_29 = arith.constant 0 : i32
      %dma_start3A_30 = tpu.memref_slice %arg7[%mul3A_16, %dma_start3A_29] : memref<10240x16xf32, #tpu.memory_space<vmem_shared>> -> memref<640x16xf32, #tpu.memory_space<vmem_shared>>
      tpu.enqueue_dma source(%arg6 : memref<640x16xf32, #tpu.memory_space<vmem>>) target(%dma_start3A_30 : memref<640x16xf32, #tpu.memory_space<vmem_shared>>) target_semaphore(%run_scoped3A : memref<!tpu.dma_semaphore, #tpu.memory_space<semaphore_mem>>)
      %dma_wait3A = arith.constant 0 : i32
      %dma_wait3A_31 = tpu.memref_slice %arg7[%mul3A_16, %dma_wait3A] : memref<10240x16xf32, #tpu.memory_space<vmem_shared>> -> memref<640x16xf32, #tpu.memory_space<vmem_shared>>
      %dma_wait3A_32 = arith.constant 0 : i32
      %dma_wait3A_33 = tpu.memref_slice %arg7[%mul3A_16, %dma_wait3A_32] : memref<10240x16xf32, #tpu.memory_space<vmem_shared>> -> memref<640x16xf32, #tpu.memory_space<vmem_shared>>
      tpu.wait_dma2 semaphore(%run_scoped3A : memref<!tpu.dma_semaphore, #tpu.memory_space<semaphore_mem>>) src(%arg6 : memref<640x16xf32, #tpu.memory_space<vmem>>) dst(%dma_wait3A_33 : memref<640x16xf32, #tpu.memory_space<vmem_shared>>)
      tpu.yield
    }) : () -> ()
    %barrier3A = arith.constant 0 : index
    tpu.barrier barrier_id(%barrier3A)
    %scan3A_17 = arith.constant 0 : i32
    %scan3A_18 = arith.constant 0 : i32
    %scan3A_19 = arith.constant 10 : i32
    %scan3A_20 = arith.addi %scan3A_18, %scan3A_19 : i32
    %scan3A_21 = arith.constant 1 : i32
    scf.for %scan3A_28 = %scan3A_18 to %scan3A_20 step %scan3A_21  : i32 {
      %mul3A_29 = arith.constant 8 : i32
      %mul3A_30 = arith.muli %scan3A_28, %mul3A_29 : i32
      "tpu.region"() ({
        %run_scoped3A = tpu.sem_alloc : memref<!tpu.dma_semaphore, #tpu.memory_space<semaphore_mem>>
        %dma_start3A_141 = arith.constant 0 : i32
        %dma_start3A_142 = arith.constant 0 : i32
        %dma_start3A_143 = tpu.memref_slice %arg2[%add3A, %dma_start3A_141, %dma_start3A_142] : memref<32x80x128xi32, #tpu.memory_space<hbm>> -> memref<1x80x128xi32, #tpu.memory_space<hbm>>
        %dma_start3A_144 = tpu.memref_squeeze %dma_start3A_143 : memref<1x80x128xi32, #tpu.memory_space<hbm>> -> memref<80x128xi32, #tpu.memory_space<hbm>>
        %dma_start3A_145 = arith.constant 0 : i32
        %dma_start3A_146 = tpu.memref_slice %dma_start3A_144[%mul3A_30, %dma_start3A_145] : memref<80x128xi32, #tpu.memory_space<hbm>> -> memref<8x128xi32, #tpu.memory_space<hbm>>
        %dma_start3A_147 = arith.constant 0 : i32
        %dma_start3A_148 = arith.constant 0 : i32
        %dma_start3A_149 = tpu.memref_slice %arg2[%add3A, %dma_start3A_147, %dma_start3A_148] : memref<32x80x128xi32, #tpu.memory_space<hbm>> -> memref<1x80x128xi32, #tpu.memory_space<hbm>>
        %dma_start3A_150 = tpu.memref_squeeze %dma_start3A_149 : memref<1x80x128xi32, #tpu.memory_space<hbm>> -> memref<80x128xi32, #tpu.memory_space<hbm>>
        %dma_start3A_151 = arith.constant 0 : i32
        %dma_start3A_152 = tpu.memref_slice %dma_start3A_150[%mul3A_30, %dma_start3A_151] : memref<80x128xi32, #tpu.memory_space<hbm>> -> memref<8x128xi32, #tpu.memory_space<hbm>>
        tpu.enqueue_dma source(%dma_start3A_152 : memref<8x128xi32, #tpu.memory_space<hbm>>) target(%arg4 : memref<8x128xi32, #tpu.memory_space<vmem>>) target_semaphore(%run_scoped3A : memref<!tpu.dma_semaphore, #tpu.memory_space<semaphore_mem>>)
        %dma_wait3A_153 = arith.constant 0 : i32
        %dma_wait3A_154 = arith.constant 0 : i32
        %dma_wait3A_155 = tpu.memref_slice %arg2[%add3A, %dma_wait3A_153, %dma_wait3A_154] : memref<32x80x128xi32, #tpu.memory_space<hbm>> -> memref<1x80x128xi32, #tpu.memory_space<hbm>>
        %dma_wait3A_156 = tpu.memref_squeeze %dma_wait3A_155 : memref<1x80x128xi32, #tpu.memory_space<hbm>> -> memref<80x128xi32, #tpu.memory_space<hbm>>
        %dma_wait3A_157 = arith.constant 0 : i32
        %dma_wait3A_158 = tpu.memref_slice %dma_wait3A_156[%mul3A_30, %dma_wait3A_157] : memref<80x128xi32, #tpu.memory_space<hbm>> -> memref<8x128xi32, #tpu.memory_space<hbm>>
        %dma_wait3A_159 = arith.constant 0 : i32
        %dma_wait3A_160 = arith.constant 0 : i32
        %dma_wait3A_161 = tpu.memref_slice %arg2[%add3A, %dma_wait3A_159, %dma_wait3A_160] : memref<32x80x128xi32, #tpu.memory_space<hbm>> -> memref<1x80x128xi32, #tpu.memory_space<hbm>>
        %dma_wait3A_162 = tpu.memref_squeeze %dma_wait3A_161 : memref<1x80x128xi32, #tpu.memory_space<hbm>> -> memref<80x128xi32, #tpu.memory_space<hbm>>
        %dma_wait3A_163 = arith.constant 0 : i32
        %dma_wait3A_164 = tpu.memref_slice %dma_wait3A_162[%mul3A_30, %dma_wait3A_163] : memref<80x128xi32, #tpu.memory_space<hbm>> -> memref<8x128xi32, #tpu.memory_space<hbm>>
        tpu.wait_dma2 semaphore(%run_scoped3A : memref<!tpu.dma_semaphore, #tpu.memory_space<semaphore_mem>>) src(%dma_wait3A_164 : memref<8x128xi32, #tpu.memory_space<hbm>>) dst(%arg4 : memref<8x128xi32, #tpu.memory_space<vmem>>)
        tpu.yield
      }) : () -> ()
      %dma_start3A = arith.constant 0 : i32
      %dma_start3A_31 = arith.constant 0 : i32
      %dma_start3A_32 = tpu.memref_slice %arg4[%dma_start3A, %dma_start3A_31] : memref<8x128xi32, #tpu.memory_space<vmem>> -> memref<1x128xi32, #tpu.memory_space<vmem>>
      %dma_start3A_33 = tpu.memref_squeeze %dma_start3A_32 : memref<1x128xi32, #tpu.memory_space<vmem>> -> memref<128xi32, #tpu.memory_space<vmem>>
      %dma_start3A_34 = arith.constant 0 : i32
      %dma_start3A_35 = arith.constant 0 : i32
      %dma_start3A_36 = tpu.memref_slice %arg7[%dma_start3A_34, %dma_start3A_35] : memref<10240x16xf32, #tpu.memory_space<vmem_shared>> -> memref<10240x16xf32, #tpu.memory_space<vmem_shared>>
      tpu.enqueue_indirect_dma source(%arg5 : memref<128x16xf32, #tpu.memory_space<vmem>>) target(%dma_start3A_36 : memref<10240x16xf32, #tpu.memory_space<vmem_shared>>) offsets(%dma_start3A_33 : memref<128xi32, #tpu.memory_space<vmem>>) semaphore(%arg8 : memref<!tpu.dma_semaphore, #tpu.memory_space<semaphore_mem>>) {add = true}
      %dma_start3A_37 = arith.constant 1 : i32
      %dma_start3A_38 = arith.constant 0 : i32
      %dma_start3A_39 = tpu.memref_slice %arg4[%dma_start3A_37, %dma_start3A_38] : memref<8x128xi32, #tpu.memory_space<vmem>> -> memref<1x128xi32, #tpu.memory_space<vmem>>
      %dma_start3A_40 = tpu.memref_squeeze %dma_start3A_39 : memref<1x128xi32, #tpu.memory_space<vmem>> -> memref<128xi32, #tpu.memory_space<vmem>>
      %dma_start3A_41 = arith.constant 0 : i32
      %dma_start3A_42 = arith.constant 0 : i32
      %dma_start3A_43 = tpu.memref_slice %arg7[%dma_start3A_41, %dma_start3A_42] : memref<10240x16xf32, #tpu.memory_space<vmem_shared>> -> memref<10240x16xf32, #tpu.memory_space<vmem_shared>>
      tpu.enqueue_indirect_dma source(%arg5 : memref<128x16xf32, #tpu.memory_space<vmem>>) target(%dma_start3A_43 : memref<10240x16xf32, #tpu.memory_space<vmem_shared>>) offsets(%dma_start3A_40 : memref<128xi32, #tpu.memory_space<vmem>>) semaphore(%arg8 : memref<!tpu.dma_semaphore, #tpu.memory_space<semaphore_mem>>) {add = true}
      %dma_start3A_44 = arith.constant 2 : i32
      %dma_start3A_45 = arith.constant 0 : i32
      %dma_start3A_46 = tpu.memref_slice %arg4[%dma_start3A_44, %dma_start3A_45] : memref<8x128xi32, #tpu.memory_space<vmem>> -> memref<1x128xi32, #tpu.memory_space<vmem>>
      %dma_start3A_47 = tpu.memref_squeeze %dma_start3A_46 : memref<1x128xi32, #tpu.memory_space<vmem>> -> memref<128xi32, #tpu.memory_space<vmem>>
      %dma_start3A_48 = arith.constant 0 : i32
      %dma_start3A_49 = arith.constant 0 : i32
      %dma_start3A_50 = tpu.memref_slice %arg7[%dma_start3A_48, %dma_start3A_49] : memref<10240x16xf32, #tpu.memory_space<vmem_shared>> -> memref<10240x16xf32, #tpu.memory_space<vmem_shared>>
      tpu.enqueue_indirect_dma source(%arg5 : memref<128x16xf32, #tpu.memory_space<vmem>>) target(%dma_start3A_50 : memref<10240x16xf32, #tpu.memory_space<vmem_shared>>) offsets(%dma_start3A_47 : memref<128xi32, #tpu.memory_space<vmem>>) semaphore(%arg8 : memref<!tpu.dma_semaphore, #tpu.memory_space<semaphore_mem>>) {add = true}
      %dma_start3A_51 = arith.constant 3 : i32
      %dma_start3A_52 = arith.constant 0 : i32
      %dma_start3A_53 = tpu.memref_slice %arg4[%dma_start3A_51, %dma_start3A_52] : memref<8x128xi32, #tpu.memory_space<vmem>> -> memref<1x128xi32, #tpu.memory_space<vmem>>
      %dma_start3A_54 = tpu.memref_squeeze %dma_start3A_53 : memref<1x128xi32, #tpu.memory_space<vmem>> -> memref<128xi32, #tpu.memory_space<vmem>>
      %dma_start3A_55 = arith.constant 0 : i32
      %dma_start3A_56 = arith.constant 0 : i32
      %dma_start3A_57 = tpu.memref_slice %arg7[%dma_start3A_55, %dma_start3A_56] : memref<10240x16xf32, #tpu.memory_space<vmem_shared>> -> memref<10240x16xf32, #tpu.memory_space<vmem_shared>>
      tpu.enqueue_indirect_dma source(%arg5 : memref<128x16xf32, #tpu.memory_space<vmem>>) target(%dma_start3A_57 : memref<10240x16xf32, #tpu.memory_space<vmem_shared>>) offsets(%dma_start3A_54 : memref<128xi32, #tpu.memory_space<vmem>>) semaphore(%arg8 : memref<!tpu.dma_semaphore, #tpu.memory_space<semaphore_mem>>) {add = true}
      %dma_start3A_58 = arith.constant 4 : i32
      %dma_start3A_59 = arith.constant 0 : i32
      %dma_start3A_60 = tpu.memref_slice %arg4[%dma_start3A_58, %dma_start3A_59] : memref<8x128xi32, #tpu.memory_space<vmem>> -> memref<1x128xi32, #tpu.memory_space<vmem>>
      %dma_start3A_61 = tpu.memref_squeeze %dma_start3A_60 : memref<1x128xi32, #tpu.memory_space<vmem>> -> memref<128xi32, #tpu.memory_space<vmem>>
      %dma_start3A_62 = arith.constant 0 : i32
      %dma_start3A_63 = arith.constant 0 : i32
      %dma_start3A_64 = tpu.memref_slice %arg7[%dma_start3A_62, %dma_start3A_63] : memref<10240x16xf32, #tpu.memory_space<vmem_shared>> -> memref<10240x16xf32, #tpu.memory_space<vmem_shared>>
      tpu.enqueue_indirect_dma source(%arg5 : memref<128x16xf32, #tpu.memory_space<vmem>>) target(%dma_start3A_64 : memref<10240x16xf32, #tpu.memory_space<vmem_shared>>) offsets(%dma_start3A_61 : memref<128xi32, #tpu.memory_space<vmem>>) semaphore(%arg8 : memref<!tpu.dma_semaphore, #tpu.memory_space<semaphore_mem>>) {add = true}
      %dma_start3A_65 = arith.constant 5 : i32
      %dma_start3A_66 = arith.constant 0 : i32
      %dma_start3A_67 = tpu.memref_slice %arg4[%dma_start3A_65, %dma_start3A_66] : memref<8x128xi32, #tpu.memory_space<vmem>> -> memref<1x128xi32, #tpu.memory_space<vmem>>
      %dma_start3A_68 = tpu.memref_squeeze %dma_start3A_67 : memref<1x128xi32, #tpu.memory_space<vmem>> -> memref<128xi32, #tpu.memory_space<vmem>>
      %dma_start3A_69 = arith.constant 0 : i32
      %dma_start3A_70 = arith.constant 0 : i32
      %dma_start3A_71 = tpu.memref_slice %arg7[%dma_start3A_69, %dma_start3A_70] : memref<10240x16xf32, #tpu.memory_space<vmem_shared>> -> memref<10240x16xf32, #tpu.memory_space<vmem_shared>>
      tpu.enqueue_indirect_dma source(%arg5 : memref<128x16xf32, #tpu.memory_space<vmem>>) target(%dma_start3A_71 : memref<10240x16xf32, #tpu.memory_space<vmem_shared>>) offsets(%dma_start3A_68 : memref<128xi32, #tpu.memory_space<vmem>>) semaphore(%arg8 : memref<!tpu.dma_semaphore, #tpu.memory_space<semaphore_mem>>) {add = true}
      %dma_start3A_72 = arith.constant 6 : i32
      %dma_start3A_73 = arith.constant 0 : i32
      %dma_start3A_74 = tpu.memref_slice %arg4[%dma_start3A_72, %dma_start3A_73] : memref<8x128xi32, #tpu.memory_space<vmem>> -> memref<1x128xi32, #tpu.memory_space<vmem>>
      %dma_start3A_75 = tpu.memref_squeeze %dma_start3A_74 : memref<1x128xi32, #tpu.memory_space<vmem>> -> memref<128xi32, #tpu.memory_space<vmem>>
      %dma_start3A_76 = arith.constant 0 : i32
      %dma_start3A_77 = arith.constant 0 : i32
      %dma_start3A_78 = tpu.memref_slice %arg7[%dma_start3A_76, %dma_start3A_77] : memref<10240x16xf32, #tpu.memory_space<vmem_shared>> -> memref<10240x16xf32, #tpu.memory_space<vmem_shared>>
      tpu.enqueue_indirect_dma source(%arg5 : memref<128x16xf32, #tpu.memory_space<vmem>>) target(%dma_start3A_78 : memref<10240x16xf32, #tpu.memory_space<vmem_shared>>) offsets(%dma_start3A_75 : memref<128xi32, #tpu.memory_space<vmem>>) semaphore(%arg8 : memref<!tpu.dma_semaphore, #tpu.memory_space<semaphore_mem>>) {add = true}
      %dma_start3A_79 = arith.constant 7 : i32
      %dma_start3A_80 = arith.constant 0 : i32
      %dma_start3A_81 = tpu.memref_slice %arg4[%dma_start3A_79, %dma_start3A_80] : memref<8x128xi32, #tpu.memory_space<vmem>> -> memref<1x128xi32, #tpu.memory_space<vmem>>
      %dma_start3A_82 = tpu.memref_squeeze %dma_start3A_81 : memref<1x128xi32, #tpu.memory_space<vmem>> -> memref<128xi32, #tpu.memory_space<vmem>>
      %dma_start3A_83 = arith.constant 0 : i32
      %dma_start3A_84 = arith.constant 0 : i32
      %dma_start3A_85 = tpu.memref_slice %arg7[%dma_start3A_83, %dma_start3A_84] : memref<10240x16xf32, #tpu.memory_space<vmem_shared>> -> memref<10240x16xf32, #tpu.memory_space<vmem_shared>>
      tpu.enqueue_indirect_dma source(%arg5 : memref<128x16xf32, #tpu.memory_space<vmem>>) target(%dma_start3A_85 : memref<10240x16xf32, #tpu.memory_space<vmem_shared>>) offsets(%dma_start3A_82 : memref<128xi32, #tpu.memory_space<vmem>>) semaphore(%arg8 : memref<!tpu.dma_semaphore, #tpu.memory_space<semaphore_mem>>) {add = true}
      %dma_wait3A = arith.constant 0 : i32
      %dma_wait3A_86 = arith.constant 0 : i32
      %dma_wait3A_87 = tpu.memref_slice %arg4[%dma_wait3A, %dma_wait3A_86] : memref<8x128xi32, #tpu.memory_space<vmem>> -> memref<1x128xi32, #tpu.memory_space<vmem>>
      %dma_wait3A_88 = tpu.memref_squeeze %dma_wait3A_87 : memref<1x128xi32, #tpu.memory_space<vmem>> -> memref<128xi32, #tpu.memory_space<vmem>>
      %dma_wait3A_89 = arith.constant 0 : i32
      %dma_wait3A_90 = arith.constant 0 : i32
      %dma_wait3A_91 = tpu.memref_slice %arg7[%dma_wait3A_89, %dma_wait3A_90] : memref<10240x16xf32, #tpu.memory_space<vmem_shared>> -> memref<10240x16xf32, #tpu.memory_space<vmem_shared>>
      tpu.wait_indirect_dma semaphore(%arg8 : memref<!tpu.dma_semaphore, #tpu.memory_space<semaphore_mem>>) src(%arg5 : memref<128x16xf32, #tpu.memory_space<vmem>>) dst(%dma_wait3A_91 : memref<10240x16xf32, #tpu.memory_space<vmem_shared>>)
      %dma_wait3A_92 = arith.constant 1 : i32
      %dma_wait3A_93 = arith.constant 0 : i32
      %dma_wait3A_94 = tpu.memref_slice %arg4[%dma_wait3A_92, %dma_wait3A_93] : memref<8x128xi32, #tpu.memory_space<vmem>> -> memref<1x128xi32, #tpu.memory_space<vmem>>
      %dma_wait3A_95 = tpu.memref_squeeze %dma_wait3A_94 : memref<1x128xi32, #tpu.memory_space<vmem>> -> memref<128xi32, #tpu.memory_space<vmem>>
      %dma_wait3A_96 = arith.constant 0 : i32
      %dma_wait3A_97 = arith.constant 0 : i32
      %dma_wait3A_98 = tpu.memref_slice %arg7[%dma_wait3A_96, %dma_wait3A_97] : memref<10240x16xf32, #tpu.memory_space<vmem_shared>> -> memref<10240x16xf32, #tpu.memory_space<vmem_shared>>
      tpu.wait_indirect_dma semaphore(%arg8 : memref<!tpu.dma_semaphore, #tpu.memory_space<semaphore_mem>>) src(%arg5 : memref<128x16xf32, #tpu.memory_space<vmem>>) dst(%dma_wait3A_98 : memref<10240x16xf32, #tpu.memory_space<vmem_shared>>)
      %dma_wait3A_99 = arith.constant 2 : i32
      %dma_wait3A_100 = arith.constant 0 : i32
      %dma_wait3A_101 = tpu.memref_slice %arg4[%dma_wait3A_99, %dma_wait3A_100] : memref<8x128xi32, #tpu.memory_space<vmem>> -> memref<1x128xi32, #tpu.memory_space<vmem>>
      %dma_wait3A_102 = tpu.memref_squeeze %dma_wait3A_101 : memref<1x128xi32, #tpu.memory_space<vmem>> -> memref<128xi32, #tpu.memory_space<vmem>>
      %dma_wait3A_103 = arith.constant 0 : i32
      %dma_wait3A_104 = arith.constant 0 : i32
      %dma_wait3A_105 = tpu.memref_slice %arg7[%dma_wait3A_103, %dma_wait3A_104] : memref<10240x16xf32, #tpu.memory_space<vmem_shared>> -> memref<10240x16xf32, #tpu.memory_space<vmem_shared>>
      tpu.wait_indirect_dma semaphore(%arg8 : memref<!tpu.dma_semaphore, #tpu.memory_space<semaphore_mem>>) src(%arg5 : memref<128x16xf32, #tpu.memory_space<vmem>>) dst(%dma_wait3A_105 : memref<10240x16xf32, #tpu.memory_space<vmem_shared>>)
      %dma_wait3A_106 = arith.constant 3 : i32
      %dma_wait3A_107 = arith.constant 0 : i32
      %dma_wait3A_108 = tpu.memref_slice %arg4[%dma_wait3A_106, %dma_wait3A_107] : memref<8x128xi32, #tpu.memory_space<vmem>> -> memref<1x128xi32, #tpu.memory_space<vmem>>
      %dma_wait3A_109 = tpu.memref_squeeze %dma_wait3A_108 : memref<1x128xi32, #tpu.memory_space<vmem>> -> memref<128xi32, #tpu.memory_space<vmem>>
      %dma_wait3A_110 = arith.constant 0 : i32
      %dma_wait3A_111 = arith.constant 0 : i32
      %dma_wait3A_112 = tpu.memref_slice %arg7[%dma_wait3A_110, %dma_wait3A_111] : memref<10240x16xf32, #tpu.memory_space<vmem_shared>> -> memref<10240x16xf32, #tpu.memory_space<vmem_shared>>
      tpu.wait_indirect_dma semaphore(%arg8 : memref<!tpu.dma_semaphore, #tpu.memory_space<semaphore_mem>>) src(%arg5 : memref<128x16xf32, #tpu.memory_space<vmem>>) dst(%dma_wait3A_112 : memref<10240x16xf32, #tpu.memory_space<vmem_shared>>)
      %dma_wait3A_113 = arith.constant 4 : i32
      %dma_wait3A_114 = arith.constant 0 : i32
      %dma_wait3A_115 = tpu.memref_slice %arg4[%dma_wait3A_113, %dma_wait3A_114] : memref<8x128xi32, #tpu.memory_space<vmem>> -> memref<1x128xi32, #tpu.memory_space<vmem>>
      %dma_wait3A_116 = tpu.memref_squeeze %dma_wait3A_115 : memref<1x128xi32, #tpu.memory_space<vmem>> -> memref<128xi32, #tpu.memory_space<vmem>>
      %dma_wait3A_117 = arith.constant 0 : i32
      %dma_wait3A_118 = arith.constant 0 : i32
      %dma_wait3A_119 = tpu.memref_slice %arg7[%dma_wait3A_117, %dma_wait3A_118] : memref<10240x16xf32, #tpu.memory_space<vmem_shared>> -> memref<10240x16xf32, #tpu.memory_space<vmem_shared>>
      tpu.wait_indirect_dma semaphore(%arg8 : memref<!tpu.dma_semaphore, #tpu.memory_space<semaphore_mem>>) src(%arg5 : memref<128x16xf32, #tpu.memory_space<vmem>>) dst(%dma_wait3A_119 : memref<10240x16xf32, #tpu.memory_space<vmem_shared>>)
      %dma_wait3A_120 = arith.constant 5 : i32
      %dma_wait3A_121 = arith.constant 0 : i32
      %dma_wait3A_122 = tpu.memref_slice %arg4[%dma_wait3A_120, %dma_wait3A_121] : memref<8x128xi32, #tpu.memory_space<vmem>> -> memref<1x128xi32, #tpu.memory_space<vmem>>
      %dma_wait3A_123 = tpu.memref_squeeze %dma_wait3A_122 : memref<1x128xi32, #tpu.memory_space<vmem>> -> memref<128xi32, #tpu.memory_space<vmem>>
      %dma_wait3A_124 = arith.constant 0 : i32
      %dma_wait3A_125 = arith.constant 0 : i32
      %dma_wait3A_126 = tpu.memref_slice %arg7[%dma_wait3A_124, %dma_wait3A_125] : memref<10240x16xf32, #tpu.memory_space<vmem_shared>> -> memref<10240x16xf32, #tpu.memory_space<vmem_shared>>
      tpu.wait_indirect_dma semaphore(%arg8 : memref<!tpu.dma_semaphore, #tpu.memory_space<semaphore_mem>>) src(%arg5 : memref<128x16xf32, #tpu.memory_space<vmem>>) dst(%dma_wait3A_126 : memref<10240x16xf32, #tpu.memory_space<vmem_shared>>)
      %dma_wait3A_127 = arith.constant 6 : i32
      %dma_wait3A_128 = arith.constant 0 : i32
      %dma_wait3A_129 = tpu.memref_slice %arg4[%dma_wait3A_127, %dma_wait3A_128] : memref<8x128xi32, #tpu.memory_space<vmem>> -> memref<1x128xi32, #tpu.memory_space<vmem>>
      %dma_wait3A_130 = tpu.memref_squeeze %dma_wait3A_129 : memref<1x128xi32, #tpu.memory_space<vmem>> -> memref<128xi32, #tpu.memory_space<vmem>>
      %dma_wait3A_131 = arith.constant 0 : i32
      %dma_wait3A_132 = arith.constant 0 : i32
      %dma_wait3A_133 = tpu.memref_slice %arg7[%dma_wait3A_131, %dma_wait3A_132] : memref<10240x16xf32, #tpu.memory_space<vmem_shared>> -> memref<10240x16xf32, #tpu.memory_space<vmem_shared>>
      tpu.wait_indirect_dma semaphore(%arg8 : memref<!tpu.dma_semaphore, #tpu.memory_space<semaphore_mem>>) src(%arg5 : memref<128x16xf32, #tpu.memory_space<vmem>>) dst(%dma_wait3A_133 : memref<10240x16xf32, #tpu.memory_space<vmem_shared>>)
      %dma_wait3A_134 = arith.constant 7 : i32
      %dma_wait3A_135 = arith.constant 0 : i32
      %dma_wait3A_136 = tpu.memref_slice %arg4[%dma_wait3A_134, %dma_wait3A_135] : memref<8x128xi32, #tpu.memory_space<vmem>> -> memref<1x128xi32, #tpu.memory_space<vmem>>
      %dma_wait3A_137 = tpu.memref_squeeze %dma_wait3A_136 : memref<1x128xi32, #tpu.memory_space<vmem>> -> memref<128xi32, #tpu.memory_space<vmem>>
      %dma_wait3A_138 = arith.constant 0 : i32
      %dma_wait3A_139 = arith.constant 0 : i32
      %dma_wait3A_140 = tpu.memref_slice %arg7[%dma_wait3A_138, %dma_wait3A_139] : memref<10240x16xf32, #tpu.memory_space<vmem_shared>> -> memref<10240x16xf32, #tpu.memory_space<vmem_shared>>
      tpu.wait_indirect_dma semaphore(%arg8 : memref<!tpu.dma_semaphore, #tpu.memory_space<semaphore_mem>>) src(%arg5 : memref<128x16xf32, #tpu.memory_space<vmem>>) dst(%dma_wait3A_140 : memref<10240x16xf32, #tpu.memory_space<vmem_shared>>)
    }
    %scan3A_22 = arith.constant 10 : i32
    %barrier3A_23 = arith.constant 0 : index
    tpu.barrier barrier_id(%barrier3A_23)
    %mul3A_24 = arith.constant 640 : i32
    %mul3A_25 = arith.muli %arg1, %mul3A_24 : i32
    "tpu.region"() ({
      %run_scoped3A = tpu.sem_alloc : memref<!tpu.dma_semaphore, #tpu.memory_space<semaphore_mem>>
      %dma_start3A = arith.constant 0 : i32
      %dma_start3A_28 = tpu.memref_slice %arg7[%mul3A_25, %dma_start3A] : memref<10240x16xf32, #tpu.memory_space<vmem_shared>> -> memref<640x16xf32, #tpu.memory_space<vmem_shared>>
      %dma_start3A_29 = arith.constant 0 : i32
      %dma_start3A_30 = tpu.memref_slice %arg7[%mul3A_25, %dma_start3A_29] : memref<10240x16xf32, #tpu.memory_space<vmem_shared>> -> memref<640x16xf32, #tpu.memory_space<vmem_shared>>
      tpu.enqueue_dma source(%dma_start3A_30 : memref<640x16xf32, #tpu.memory_space<vmem_shared>>) target(%arg6 : memref<640x16xf32, #tpu.memory_space<vmem>>) target_semaphore(%run_scoped3A : memref<!tpu.dma_semaphore, #tpu.memory_space<semaphore_mem>>)
      %dma_wait3A = arith.constant 0 : i32
      %dma_wait3A_31 = tpu.memref_slice %arg7[%mul3A_25, %dma_wait3A] : memref<10240x16xf32, #tpu.memory_space<vmem_shared>> -> memref<640x16xf32, #tpu.memory_space<vmem_shared>>
      %dma_wait3A_32 = arith.constant 0 : i32
      %dma_wait3A_33 = tpu.memref_slice %arg7[%mul3A_25, %dma_wait3A_32] : memref<10240x16xf32, #tpu.memory_space<vmem_shared>> -> memref<640x16xf32, #tpu.memory_space<vmem_shared>>
      tpu.wait_dma2 semaphore(%run_scoped3A : memref<!tpu.dma_semaphore, #tpu.memory_space<semaphore_mem>>) src(%dma_wait3A_33 : memref<640x16xf32, #tpu.memory_space<vmem_shared>>) dst(%arg6 : memref<640x16xf32, #tpu.memory_space<vmem>>)
      tpu.yield
    }) : () -> ()
    %mul3A_26 = arith.constant 640 : i32
    %mul3A_27 = arith.muli %arg1, %mul3A_26 : i32
    "tpu.region"() ({
      %run_scoped3A = tpu.sem_alloc : memref<!tpu.dma_semaphore, #tpu.memory_space<semaphore_mem>>
      %dma_start3A = arith.constant 0 : i32
      %dma_start3A_28 = arith.constant 0 : i32
      %dma_start3A_29 = tpu.memref_slice %arg3[%arg0, %dma_start3A, %dma_start3A_28] : memref<2x10240x16xf32, #tpu.memory_space<hbm>> -> memref<1x10240x16xf32, #tpu.memory_space<hbm>>
      %dma_start3A_30 = tpu.memref_squeeze %dma_start3A_29 : memref<1x10240x16xf32, #tpu.memory_space<hbm>> -> memref<10240x16xf32, #tpu.memory_space<hbm>>
      %dma_start3A_31 = arith.constant 0 : i32
      %dma_start3A_32 = tpu.memref_slice %dma_start3A_30[%mul3A_27, %dma_start3A_31] : memref<10240x16xf32, #tpu.memory_space<hbm>> -> memref<640x16xf32, #tpu.memory_space<hbm>>
      %dma_start3A_33 = arith.constant 0 : i32
      %dma_start3A_34 = arith.constant 0 : i32
      %dma_start3A_35 = tpu.memref_slice %arg3[%arg0, %dma_start3A_33, %dma_start3A_34] : memref<2x10240x16xf32, #tpu.memory_space<hbm>> -> memref<1x10240x16xf32, #tpu.memory_space<hbm>>
      %dma_start3A_36 = tpu.memref_squeeze %dma_start3A_35 : memref<1x10240x16xf32, #tpu.memory_space<hbm>> -> memref<10240x16xf32, #tpu.memory_space<hbm>>
      %dma_start3A_37 = arith.constant 0 : i32
      %dma_start3A_38 = tpu.memref_slice %dma_start3A_36[%mul3A_27, %dma_start3A_37] : memref<10240x16xf32, #tpu.memory_space<hbm>> -> memref<640x16xf32, #tpu.memory_space<hbm>>
      tpu.enqueue_dma source(%arg6 : memref<640x16xf32, #tpu.memory_space<vmem>>) target(%dma_start3A_38 : memref<640x16xf32, #tpu.memory_space<hbm>>) target_semaphore(%run_scoped3A : memref<!tpu.dma_semaphore, #tpu.memory_space<semaphore_mem>>)
      %dma_wait3A = arith.constant 0 : i32
      %dma_wait3A_39 = arith.constant 0 : i32
      %dma_wait3A_40 = tpu.memref_slice %arg3[%arg0, %dma_wait3A, %dma_wait3A_39] : memref<2x10240x16xf32, #tpu.memory_space<hbm>> -> memref<1x10240x16xf32, #tpu.memory_space<hbm>>
      %dma_wait3A_41 = tpu.memref_squeeze %dma_wait3A_40 : memref<1x10240x16xf32, #tpu.memory_space<hbm>> -> memref<10240x16xf32, #tpu.memory_space<hbm>>
      %dma_wait3A_42 = arith.constant 0 : i32
      %dma_wait3A_43 = tpu.memref_slice %dma_wait3A_41[%mul3A_27, %dma_wait3A_42] : memref<10240x16xf32, #tpu.memory_space<hbm>> -> memref<640x16xf32, #tpu.memory_space<hbm>>
      %dma_wait3A_44 = arith.constant 0 : i32
      %dma_wait3A_45 = arith.constant 0 : i32
      %dma_wait3A_46 = tpu.memref_slice %arg3[%arg0, %dma_wait3A_44, %dma_wait3A_45] : memref<2x10240x16xf32, #tpu.memory_space<hbm>> -> memref<1x10240x16xf32, #tpu.memory_space<hbm>>
      %dma_wait3A_47 = tpu.memref_squeeze %dma_wait3A_46 : memref<1x10240x16xf32, #tpu.memory_space<hbm>> -> memref<10240x16xf32, #tpu.memory_space<hbm>>
      %dma_wait3A_48 = arith.constant 0 : i32
      %dma_wait3A_49 = tpu.memref_slice %dma_wait3A_47[%mul3A_27, %dma_wait3A_48] : memref<10240x16xf32, #tpu.memory_space<hbm>> -> memref<640x16xf32, #tpu.memory_space<hbm>>
      tpu.wait_dma2 semaphore(%run_scoped3A : memref<!tpu.dma_semaphore, #tpu.memory_space<semaphore_mem>>) src(%arg6 : memref<640x16xf32, #tpu.memory_space<vmem>>) dst(%dma_wait3A_49 : memref<640x16xf32, #tpu.memory_space<hbm>>)
      tpu.yield
    }) : () -> ()
    return
  }
}

#map = affine_map<(d0, d1) -> (0, 0)>
#map1 = affine_map<(d0, d1) -> (0, 0, 0)>
module attributes {stable_mosaic.version = 14 : i64} {
  func.func @edge_kernel(%arg0: i32, %arg1: i32, %arg2: memref<10240x128xf32, #tpu.memory_space<hbm>>, %arg3: memref<32x80x128xi32, #tpu.memory_space<hbm>>, %arg4: memref<32x80x128xi32, #tpu.memory_space<hbm>>, %arg5: memref<2x10240x128xf32, #tpu.memory_space<hbm>>, %arg6: memref<8x128xi32, #tpu.memory_space<vmem>>, %arg7: memref<8x128xi32, #tpu.memory_space<vmem>>, %arg8: memref<128x128xf32, #tpu.memory_space<vmem>>, %arg9: memref<128x128xf32, #tpu.memory_space<vmem>>, %arg10: memref<10240x128xf32, #tpu.memory_space<vmem_shared>>, %arg11: memref<!tpu.dma_semaphore, #tpu.memory_space<semaphore_mem>>, %arg12: memref<!tpu.dma_semaphore, #tpu.memory_space<semaphore_mem>>) attributes {dimension_semantics = [#tpu.dimension_semantics<core_parallel>, #tpu.dimension_semantics<subcore_parallel>], iteration_bounds = array<i64: 2, 16>, scalar_prefetch = 0 : i64, scratch_operands = 7 : i64, tpu.core_type = #tpu.core_type<sc_vector_subcore>, window_params = [{transform_indices = #map}, {transform_indices = #map1}, {transform_indices = #map1}, {transform_indices = #map1}]} {
    %mul3A = arith.constant 16 : i32
    %mul3A_0 = arith.muli %arg0, %mul3A : i32
    %add3A = arith.addi %mul3A_0, %arg1 : i32
    %broadcast_in_dim3A = arith.constant 0.000000e+00 : f32
    %broadcast_in_dim3A_1 = vector.broadcast %broadcast_in_dim3A : f32 to vector<16xf32>
    %scan3A = arith.constant 0 : i32
    %scan3A_2 = arith.constant 0 : i32
    %scan3A_3 = arith.constant 1024 : i32
    %scan3A_4 = arith.addi %scan3A_2, %scan3A_3 : i32
    %scan3A_5 = arith.constant 1 : i32
    scf.for %scan3A_26 = %scan3A_2 to %scan3A_4 step %scan3A_5  : i32 {
      %jit3A = arith.constant 8 : i32
      %div3A = arith.divsi %scan3A_26, %jit3A : i32
      %sign3A = arith.constant 0 : i32
      %sign3A_27 = arith.cmpi sgt, %scan3A_26, %sign3A : i32
      %sign3A_28 = arith.extui %sign3A_27 : i1 to i32
      %sign3A_29 = arith.constant 0 : i32
      %sign3A_30 = arith.cmpi slt, %scan3A_26, %sign3A_29 : i32
      %sign3A_31 = arith.extui %sign3A_30 : i1 to i32
      %sign3A_32 = arith.subi %sign3A_28, %sign3A_31 : i32
      %sign3A_33 = arith.constant 0 : i32
      %sign3A_34 = arith.cmpi sgt, %jit3A, %sign3A_33 : i32
      %sign3A_35 = arith.extui %sign3A_34 : i1 to i32
      %sign3A_36 = arith.constant 0 : i32
      %sign3A_37 = arith.cmpi slt, %jit3A, %sign3A_36 : i32
      %sign3A_38 = arith.extui %sign3A_37 : i1 to i32
      %sign3A_39 = arith.subi %sign3A_35, %sign3A_38 : i32
      %ne3A = arith.cmpi ne, %sign3A_32, %sign3A_39 : i32
      %rem3A = arith.remsi %scan3A_26, %jit3A : i32
      %ne3A_40 = arith.constant 0 : i32
      %ne3A_41 = arith.cmpi ne, %rem3A, %ne3A_40 : i32
      %and3A = arith.andi %ne3A, %ne3A_41 : i1
      %sub3A = arith.constant 1 : i32
      %sub3A_42 = arith.subi %div3A, %sub3A : i32
      %select_n3A = arith.select %and3A, %sub3A_42, %div3A : i32
      %jit3A_43 = arith.constant 8 : i32
      %eq3A = arith.constant 0 : i32
      %eq3A_44 = arith.cmpi eq, %jit3A_43, %eq3A : i32
      %jit3A_45 = arith.constant 1 : i32
      %select_n3A_46 = arith.select %eq3A_44, %jit3A_45, %jit3A_43 : i32
      %rem3A_47 = arith.remsi %scan3A_26, %select_n3A_46 : i32
      %ne3A_48 = arith.constant 0 : i32
      %ne3A_49 = arith.cmpi ne, %rem3A_47, %ne3A_48 : i32
      %lt3A = arith.constant 0 : i32
      %lt3A_50 = arith.cmpi slt, %rem3A_47, %lt3A : i32
      %lt3A_51 = arith.constant 0 : i32
      %lt3A_52 = arith.cmpi slt, %select_n3A_46, %lt3A_51 : i32
      %ne3A_53 = arith.xori %lt3A_50, %lt3A_52 : i1
      %and3A_54 = arith.andi %ne3A_53, %ne3A_49 : i1
      %add3A_55 = arith.addi %rem3A_47, %select_n3A_46 : i32
      %select_n3A_56 = arith.select %and3A_54, %add3A_55, %rem3A_47 : i32
      %mul3A_57 = arith.constant 16 : i32
      %mul3A_58 = arith.muli %select_n3A_56, %mul3A_57 : i32
      %swap3A = arith.index_cast %select_n3A : i32 to index
      %swap3A_59 = arith.index_cast %mul3A_58 : i32 to index
      %swap3A_60 = tpu.vector_load %arg8[%swap3A, %swap3A_59] {strides = array<i32>} : memref<128x128xf32, #tpu.memory_space<vmem>>, vector<1x16xf32>,
      %swap3A_61 = vector.shape_cast %swap3A_60 : vector<1x16xf32> to vector<16xf32>
      %swap3A_62 = vector.shape_cast %broadcast_in_dim3A_1 : vector<16xf32> to vector<1x16xf32>
      tpu.vector_store %arg8[%swap3A, %swap3A_59], %swap3A_62 {strides = array<i32>} : memref<128x128xf32, #tpu.memory_space<vmem>>, vector<1x16xf32>,
    }
    %scan3A_6 = arith.constant 1024 : i32
    %scan3A_7 = arith.constant 0 : i32
    %scan3A_8 = arith.constant 0 : i32
    %scan3A_9 = arith.constant 5 : i32
    %scan3A_10 = arith.addi %scan3A_8, %scan3A_9 : i32
    %scan3A_11 = arith.constant 1 : i32
    scf.for %scan3A_26 = %scan3A_8 to %scan3A_10 step %scan3A_11  : i32 {
      %mul3A_27 = arith.constant 640 : i32
      %mul3A_28 = arith.muli %arg1, %mul3A_27 : i32
      %mul3A_29 = arith.constant 128 : i32
      %mul3A_30 = arith.muli %scan3A_26, %mul3A_29 : i32
      %add3A_31 = arith.addi %mul3A_28, %mul3A_30 : i32
      "tpu.region"() ({
        %run_scoped3A = tpu.sem_alloc : memref<!tpu.dma_semaphore, #tpu.memory_space<semaphore_mem>>
        %dma_start3A = arith.constant 0 : i32
        %dma_start3A_32 = tpu.memref_slice %arg10[%add3A_31, %dma_start3A] : memref<10240x128xf32, #tpu.memory_space<vmem_shared>> -> memref<128x128xf32, #tpu.memory_space<vmem_shared>>
        %dma_start3A_33 = arith.constant 0 : i32
        %dma_start3A_34 = tpu.memref_slice %arg10[%add3A_31, %dma_start3A_33] : memref<10240x128xf32, #tpu.memory_space<vmem_shared>> -> memref<128x128xf32, #tpu.memory_space<vmem_shared>>
        tpu.enqueue_dma source(%arg8 : memref<128x128xf32, #tpu.memory_space<vmem>>) target(%dma_start3A_34 : memref<128x128xf32, #tpu.memory_space<vmem_shared>>) target_semaphore(%run_scoped3A : memref<!tpu.dma_semaphore, #tpu.memory_space<semaphore_mem>>)
        %dma_wait3A = arith.constant 0 : i32
        %dma_wait3A_35 = tpu.memref_slice %arg10[%add3A_31, %dma_wait3A] : memref<10240x128xf32, #tpu.memory_space<vmem_shared>> -> memref<128x128xf32, #tpu.memory_space<vmem_shared>>
        %dma_wait3A_36 = arith.constant 0 : i32
        %dma_wait3A_37 = tpu.memref_slice %arg10[%add3A_31, %dma_wait3A_36] : memref<10240x128xf32, #tpu.memory_space<vmem_shared>> -> memref<128x128xf32, #tpu.memory_space<vmem_shared>>
        tpu.wait_dma2 semaphore(%run_scoped3A : memref<!tpu.dma_semaphore, #tpu.memory_space<semaphore_mem>>) src(%arg8 : memref<128x128xf32, #tpu.memory_space<vmem>>) dst(%dma_wait3A_37 : memref<128x128xf32, #tpu.memory_space<vmem_shared>>)
        tpu.yield
      }) : () -> ()
    }
    %scan3A_12 = arith.constant 5 : i32
    %barrier3A = arith.constant 0 : index
    tpu.barrier barrier_id(%barrier3A)
    %scan3A_13 = arith.constant 0 : i32
    %scan3A_14 = arith.constant 0 : i32
    %scan3A_15 = arith.constant 10 : i32
    %scan3A_16 = arith.addi %scan3A_14, %scan3A_15 : i32
    %scan3A_17 = arith.constant 1 : i32
    scf.for %scan3A_26 = %scan3A_14 to %scan3A_16 step %scan3A_17  : i32 {
      %mul3A_27 = arith.constant 8 : i32
      %mul3A_28 = arith.muli %scan3A_26, %mul3A_27 : i32
      "tpu.region"() ({
        %run_scoped3A = tpu.sem_alloc : memref<!tpu.dma_semaphore, #tpu.memory_space<semaphore_mem>>
        %dma_start3A_253 = arith.constant 0 : i32
        %dma_start3A_254 = arith.constant 0 : i32
        %dma_start3A_255 = tpu.memref_slice %arg3[%add3A, %dma_start3A_253, %dma_start3A_254] : memref<32x80x128xi32, #tpu.memory_space<hbm>> -> memref<1x80x128xi32, #tpu.memory_space<hbm>>
        %dma_start3A_256 = tpu.memref_squeeze %dma_start3A_255 : memref<1x80x128xi32, #tpu.memory_space<hbm>> -> memref<80x128xi32, #tpu.memory_space<hbm>>
        %dma_start3A_257 = arith.constant 0 : i32
        %dma_start3A_258 = tpu.memref_slice %dma_start3A_256[%mul3A_28, %dma_start3A_257] : memref<80x128xi32, #tpu.memory_space<hbm>> -> memref<8x128xi32, #tpu.memory_space<hbm>>
        %dma_start3A_259 = arith.constant 0 : i32
        %dma_start3A_260 = arith.constant 0 : i32
        %dma_start3A_261 = tpu.memref_slice %arg3[%add3A, %dma_start3A_259, %dma_start3A_260] : memref<32x80x128xi32, #tpu.memory_space<hbm>> -> memref<1x80x128xi32, #tpu.memory_space<hbm>>
        %dma_start3A_262 = tpu.memref_squeeze %dma_start3A_261 : memref<1x80x128xi32, #tpu.memory_space<hbm>> -> memref<80x128xi32, #tpu.memory_space<hbm>>
        %dma_start3A_263 = arith.constant 0 : i32
        %dma_start3A_264 = tpu.memref_slice %dma_start3A_262[%mul3A_28, %dma_start3A_263] : memref<80x128xi32, #tpu.memory_space<hbm>> -> memref<8x128xi32, #tpu.memory_space<hbm>>
        tpu.enqueue_dma source(%dma_start3A_264 : memref<8x128xi32, #tpu.memory_space<hbm>>) target(%arg6 : memref<8x128xi32, #tpu.memory_space<vmem>>) target_semaphore(%run_scoped3A : memref<!tpu.dma_semaphore, #tpu.memory_space<semaphore_mem>>)
        %dma_wait3A_265 = arith.constant 0 : i32
        %dma_wait3A_266 = arith.constant 0 : i32
        %dma_wait3A_267 = tpu.memref_slice %arg3[%add3A, %dma_wait3A_265, %dma_wait3A_266] : memref<32x80x128xi32, #tpu.memory_space<hbm>> -> memref<1x80x128xi32, #tpu.memory_space<hbm>>
        %dma_wait3A_268 = tpu.memref_squeeze %dma_wait3A_267 : memref<1x80x128xi32, #tpu.memory_space<hbm>> -> memref<80x128xi32, #tpu.memory_space<hbm>>
        %dma_wait3A_269 = arith.constant 0 : i32
        %dma_wait3A_270 = tpu.memref_slice %dma_wait3A_268[%mul3A_28, %dma_wait3A_269] : memref<80x128xi32, #tpu.memory_space<hbm>> -> memref<8x128xi32, #tpu.memory_space<hbm>>
        %dma_wait3A_271 = arith.constant 0 : i32
        %dma_wait3A_272 = arith.constant 0 : i32
        %dma_wait3A_273 = tpu.memref_slice %arg3[%add3A, %dma_wait3A_271, %dma_wait3A_272] : memref<32x80x128xi32, #tpu.memory_space<hbm>> -> memref<1x80x128xi32, #tpu.memory_space<hbm>>
        %dma_wait3A_274 = tpu.memref_squeeze %dma_wait3A_273 : memref<1x80x128xi32, #tpu.memory_space<hbm>> -> memref<80x128xi32, #tpu.memory_space<hbm>>
        %dma_wait3A_275 = arith.constant 0 : i32
        %dma_wait3A_276 = tpu.memref_slice %dma_wait3A_274[%mul3A_28, %dma_wait3A_275] : memref<80x128xi32, #tpu.memory_space<hbm>> -> memref<8x128xi32, #tpu.memory_space<hbm>>
        tpu.wait_dma2 semaphore(%run_scoped3A : memref<!tpu.dma_semaphore, #tpu.memory_space<semaphore_mem>>) src(%dma_wait3A_276 : memref<8x128xi32, #tpu.memory_space<hbm>>) dst(%arg6 : memref<8x128xi32, #tpu.memory_space<vmem>>)
        tpu.yield
      }) : () -> ()
      %mul3A_29 = arith.constant 8 : i32
      %mul3A_30 = arith.muli %scan3A_26, %mul3A_29 : i32
      "tpu.region"() ({
        %run_scoped3A = tpu.sem_alloc : memref<!tpu.dma_semaphore, #tpu.memory_space<semaphore_mem>>
        %dma_start3A_253 = arith.constant 0 : i32
        %dma_start3A_254 = arith.constant 0 : i32
        %dma_start3A_255 = tpu.memref_slice %arg4[%add3A, %dma_start3A_253, %dma_start3A_254] : memref<32x80x128xi32, #tpu.memory_space<hbm>> -> memref<1x80x128xi32, #tpu.memory_space<hbm>>
        %dma_start3A_256 = tpu.memref_squeeze %dma_start3A_255 : memref<1x80x128xi32, #tpu.memory_space<hbm>> -> memref<80x128xi32, #tpu.memory_space<hbm>>
        %dma_start3A_257 = arith.constant 0 : i32
        %dma_start3A_258 = tpu.memref_slice %dma_start3A_256[%mul3A_30, %dma_start3A_257] : memref<80x128xi32, #tpu.memory_space<hbm>> -> memref<8x128xi32, #tpu.memory_space<hbm>>
        %dma_start3A_259 = arith.constant 0 : i32
        %dma_start3A_260 = arith.constant 0 : i32
        %dma_start3A_261 = tpu.memref_slice %arg4[%add3A, %dma_start3A_259, %dma_start3A_260] : memref<32x80x128xi32, #tpu.memory_space<hbm>> -> memref<1x80x128xi32, #tpu.memory_space<hbm>>
        %dma_start3A_262 = tpu.memref_squeeze %dma_start3A_261 : memref<1x80x128xi32, #tpu.memory_space<hbm>> -> memref<80x128xi32, #tpu.memory_space<hbm>>
        %dma_start3A_263 = arith.constant 0 : i32
        %dma_start3A_264 = tpu.memref_slice %dma_start3A_262[%mul3A_30, %dma_start3A_263] : memref<80x128xi32, #tpu.memory_space<hbm>> -> memref<8x128xi32, #tpu.memory_space<hbm>>
        tpu.enqueue_dma source(%dma_start3A_264 : memref<8x128xi32, #tpu.memory_space<hbm>>) target(%arg7 : memref<8x128xi32, #tpu.memory_space<vmem>>) target_semaphore(%run_scoped3A : memref<!tpu.dma_semaphore, #tpu.memory_space<semaphore_mem>>)
        %dma_wait3A_265 = arith.constant 0 : i32
        %dma_wait3A_266 = arith.constant 0 : i32
        %dma_wait3A_267 = tpu.memref_slice %arg4[%add3A, %dma_wait3A_265, %dma_wait3A_266] : memref<32x80x128xi32, #tpu.memory_space<hbm>> -> memref<1x80x128xi32, #tpu.memory_space<hbm>>
        %dma_wait3A_268 = tpu.memref_squeeze %dma_wait3A_267 : memref<1x80x128xi32, #tpu.memory_space<hbm>> -> memref<80x128xi32, #tpu.memory_space<hbm>>
        %dma_wait3A_269 = arith.constant 0 : i32
        %dma_wait3A_270 = tpu.memref_slice %dma_wait3A_268[%mul3A_30, %dma_wait3A_269] : memref<80x128xi32, #tpu.memory_space<hbm>> -> memref<8x128xi32, #tpu.memory_space<hbm>>
        %dma_wait3A_271 = arith.constant 0 : i32
        %dma_wait3A_272 = arith.constant 0 : i32
        %dma_wait3A_273 = tpu.memref_slice %arg4[%add3A, %dma_wait3A_271, %dma_wait3A_272] : memref<32x80x128xi32, #tpu.memory_space<hbm>> -> memref<1x80x128xi32, #tpu.memory_space<hbm>>
        %dma_wait3A_274 = tpu.memref_squeeze %dma_wait3A_273 : memref<1x80x128xi32, #tpu.memory_space<hbm>> -> memref<80x128xi32, #tpu.memory_space<hbm>>
        %dma_wait3A_275 = arith.constant 0 : i32
        %dma_wait3A_276 = tpu.memref_slice %dma_wait3A_274[%mul3A_30, %dma_wait3A_275] : memref<80x128xi32, #tpu.memory_space<hbm>> -> memref<8x128xi32, #tpu.memory_space<hbm>>
        tpu.wait_dma2 semaphore(%run_scoped3A : memref<!tpu.dma_semaphore, #tpu.memory_space<semaphore_mem>>) src(%dma_wait3A_276 : memref<8x128xi32, #tpu.memory_space<hbm>>) dst(%arg7 : memref<8x128xi32, #tpu.memory_space<vmem>>)
        tpu.yield
      }) : () -> ()
      %dma_start3A = arith.constant 0 : i32
      %dma_start3A_31 = arith.constant 0 : i32
      %dma_start3A_32 = tpu.memref_slice %arg6[%dma_start3A, %dma_start3A_31] : memref<8x128xi32, #tpu.memory_space<vmem>> -> memref<1x128xi32, #tpu.memory_space<vmem>>
      %dma_start3A_33 = tpu.memref_squeeze %dma_start3A_32 : memref<1x128xi32, #tpu.memory_space<vmem>> -> memref<128xi32, #tpu.memory_space<vmem>>
      %dma_start3A_34 = arith.constant 0 : i32
      %dma_start3A_35 = arith.constant 0 : i32
      %dma_start3A_36 = tpu.memref_slice %arg2[%dma_start3A_34, %dma_start3A_35] : memref<10240x128xf32, #tpu.memory_space<hbm>> -> memref<10240x128xf32, #tpu.memory_space<hbm>>
      tpu.enqueue_indirect_dma source(%dma_start3A_36 : memref<10240x128xf32, #tpu.memory_space<hbm>>) target(%arg8 : memref<128x128xf32, #tpu.memory_space<vmem>>) offsets(%dma_start3A_33 : memref<128xi32, #tpu.memory_space<vmem>>) semaphore(%arg11 : memref<!tpu.dma_semaphore, #tpu.memory_space<semaphore_mem>>)
      %dma_wait3A = arith.constant 0 : i32
      %dma_wait3A_37 = arith.constant 0 : i32
      %dma_wait3A_38 = tpu.memref_slice %arg6[%dma_wait3A, %dma_wait3A_37] : memref<8x128xi32, #tpu.memory_space<vmem>> -> memref<1x128xi32, #tpu.memory_space<vmem>>
      %dma_wait3A_39 = tpu.memref_squeeze %dma_wait3A_38 : memref<1x128xi32, #tpu.memory_space<vmem>> -> memref<128xi32, #tpu.memory_space<vmem>>
      %dma_wait3A_40 = arith.constant 0 : i32
      %dma_wait3A_41 = arith.constant 0 : i32
      %dma_wait3A_42 = tpu.memref_slice %arg2[%dma_wait3A_40, %dma_wait3A_41] : memref<10240x128xf32, #tpu.memory_space<hbm>> -> memref<10240x128xf32, #tpu.memory_space<hbm>>
      tpu.wait_indirect_dma semaphore(%arg11 : memref<!tpu.dma_semaphore, #tpu.memory_space<semaphore_mem>>) src(%dma_wait3A_42 : memref<10240x128xf32, #tpu.memory_space<hbm>>) dst(%arg8 : memref<128x128xf32, #tpu.memory_space<vmem>>)
      %dma_start3A_43 = arith.constant 0 : i32
      %dma_start3A_44 = arith.constant 0 : i32
      %dma_start3A_45 = tpu.memref_slice %arg7[%dma_start3A_43, %dma_start3A_44] : memref<8x128xi32, #tpu.memory_space<vmem>> -> memref<1x128xi32, #tpu.memory_space<vmem>>
      %dma_start3A_46 = tpu.memref_squeeze %dma_start3A_45 : memref<1x128xi32, #tpu.memory_space<vmem>> -> memref<128xi32, #tpu.memory_space<vmem>>
      %dma_start3A_47 = arith.constant 0 : i32
      %dma_start3A_48 = arith.constant 0 : i32
      %dma_start3A_49 = tpu.memref_slice %arg10[%dma_start3A_47, %dma_start3A_48] : memref<10240x128xf32, #tpu.memory_space<vmem_shared>> -> memref<10240x128xf32, #tpu.memory_space<vmem_shared>>
      tpu.enqueue_indirect_dma source(%arg8 : memref<128x128xf32, #tpu.memory_space<vmem>>) target(%dma_start3A_49 : memref<10240x128xf32, #tpu.memory_space<vmem_shared>>) offsets(%dma_start3A_46 : memref<128xi32, #tpu.memory_space<vmem>>) semaphore(%arg12 : memref<!tpu.dma_semaphore, #tpu.memory_space<semaphore_mem>>) {add = true}
      %dma_start3A_50 = arith.constant 1 : i32
      %dma_start3A_51 = arith.constant 0 : i32
      %dma_start3A_52 = tpu.memref_slice %arg6[%dma_start3A_50, %dma_start3A_51] : memref<8x128xi32, #tpu.memory_space<vmem>> -> memref<1x128xi32, #tpu.memory_space<vmem>>
      %dma_start3A_53 = tpu.memref_squeeze %dma_start3A_52 : memref<1x128xi32, #tpu.memory_space<vmem>> -> memref<128xi32, #tpu.memory_space<vmem>>
      %dma_start3A_54 = arith.constant 0 : i32
      %dma_start3A_55 = arith.constant 0 : i32
      %dma_start3A_56 = tpu.memref_slice %arg2[%dma_start3A_54, %dma_start3A_55] : memref<10240x128xf32, #tpu.memory_space<hbm>> -> memref<10240x128xf32, #tpu.memory_space<hbm>>
      tpu.enqueue_indirect_dma source(%dma_start3A_56 : memref<10240x128xf32, #tpu.memory_space<hbm>>) target(%arg9 : memref<128x128xf32, #tpu.memory_space<vmem>>) offsets(%dma_start3A_53 : memref<128xi32, #tpu.memory_space<vmem>>) semaphore(%arg11 : memref<!tpu.dma_semaphore, #tpu.memory_space<semaphore_mem>>)
      %dma_wait3A_57 = arith.constant 1 : i32
      %dma_wait3A_58 = arith.constant 0 : i32
      %dma_wait3A_59 = tpu.memref_slice %arg6[%dma_wait3A_57, %dma_wait3A_58] : memref<8x128xi32, #tpu.memory_space<vmem>> -> memref<1x128xi32, #tpu.memory_space<vmem>>
      %dma_wait3A_60 = tpu.memref_squeeze %dma_wait3A_59 : memref<1x128xi32, #tpu.memory_space<vmem>> -> memref<128xi32, #tpu.memory_space<vmem>>
      %dma_wait3A_61 = arith.constant 0 : i32
      %dma_wait3A_62 = arith.constant 0 : i32
      %dma_wait3A_63 = tpu.memref_slice %arg2[%dma_wait3A_61, %dma_wait3A_62] : memref<10240x128xf32, #tpu.memory_space<hbm>> -> memref<10240x128xf32, #tpu.memory_space<hbm>>
      tpu.wait_indirect_dma semaphore(%arg11 : memref<!tpu.dma_semaphore, #tpu.memory_space<semaphore_mem>>) src(%dma_wait3A_63 : memref<10240x128xf32, #tpu.memory_space<hbm>>) dst(%arg9 : memref<128x128xf32, #tpu.memory_space<vmem>>)
      %dma_start3A_64 = arith.constant 1 : i32
      %dma_start3A_65 = arith.constant 0 : i32
      %dma_start3A_66 = tpu.memref_slice %arg7[%dma_start3A_64, %dma_start3A_65] : memref<8x128xi32, #tpu.memory_space<vmem>> -> memref<1x128xi32, #tpu.memory_space<vmem>>
      %dma_start3A_67 = tpu.memref_squeeze %dma_start3A_66 : memref<1x128xi32, #tpu.memory_space<vmem>> -> memref<128xi32, #tpu.memory_space<vmem>>
      %dma_start3A_68 = arith.constant 0 : i32
      %dma_start3A_69 = arith.constant 0 : i32
      %dma_start3A_70 = tpu.memref_slice %arg10[%dma_start3A_68, %dma_start3A_69] : memref<10240x128xf32, #tpu.memory_space<vmem_shared>> -> memref<10240x128xf32, #tpu.memory_space<vmem_shared>>
      tpu.enqueue_indirect_dma source(%arg9 : memref<128x128xf32, #tpu.memory_space<vmem>>) target(%dma_start3A_70 : memref<10240x128xf32, #tpu.memory_space<vmem_shared>>) offsets(%dma_start3A_67 : memref<128xi32, #tpu.memory_space<vmem>>) semaphore(%arg12 : memref<!tpu.dma_semaphore, #tpu.memory_space<semaphore_mem>>) {add = true}
      %dma_wait3A_71 = arith.constant 0 : i32
      %dma_wait3A_72 = arith.constant 0 : i32
      %dma_wait3A_73 = tpu.memref_slice %arg7[%dma_wait3A_71, %dma_wait3A_72] : memref<8x128xi32, #tpu.memory_space<vmem>> -> memref<1x128xi32, #tpu.memory_space<vmem>>
      %dma_wait3A_74 = tpu.memref_squeeze %dma_wait3A_73 : memref<1x128xi32, #tpu.memory_space<vmem>> -> memref<128xi32, #tpu.memory_space<vmem>>
      %dma_wait3A_75 = arith.constant 0 : i32
      %dma_wait3A_76 = arith.constant 0 : i32
      %dma_wait3A_77 = tpu.memref_slice %arg10[%dma_wait3A_75, %dma_wait3A_76] : memref<10240x128xf32, #tpu.memory_space<vmem_shared>> -> memref<10240x128xf32, #tpu.memory_space<vmem_shared>>
      tpu.wait_indirect_dma semaphore(%arg12 : memref<!tpu.dma_semaphore, #tpu.memory_space<semaphore_mem>>) src(%arg8 : memref<128x128xf32, #tpu.memory_space<vmem>>) dst(%dma_wait3A_77 : memref<10240x128xf32, #tpu.memory_space<vmem_shared>>)
      %dma_start3A_78 = arith.constant 2 : i32
      %dma_start3A_79 = arith.constant 0 : i32
      %dma_start3A_80 = tpu.memref_slice %arg6[%dma_start3A_78, %dma_start3A_79] : memref<8x128xi32, #tpu.memory_space<vmem>> -> memref<1x128xi32, #tpu.memory_space<vmem>>
      %dma_start3A_81 = tpu.memref_squeeze %dma_start3A_80 : memref<1x128xi32, #tpu.memory_space<vmem>> -> memref<128xi32, #tpu.memory_space<vmem>>
      %dma_start3A_82 = arith.constant 0 : i32
      %dma_start3A_83 = arith.constant 0 : i32
      %dma_start3A_84 = tpu.memref_slice %arg2[%dma_start3A_82, %dma_start3A_83] : memref<10240x128xf32, #tpu.memory_space<hbm>> -> memref<10240x128xf32, #tpu.memory_space<hbm>>
      tpu.enqueue_indirect_dma source(%dma_start3A_84 : memref<10240x128xf32, #tpu.memory_space<hbm>>) target(%arg8 : memref<128x128xf32, #tpu.memory_space<vmem>>) offsets(%dma_start3A_81 : memref<128xi32, #tpu.memory_space<vmem>>) semaphore(%arg11 : memref<!tpu.dma_semaphore, #tpu.memory_space<semaphore_mem>>)
      %dma_wait3A_85 = arith.constant 2 : i32
      %dma_wait3A_86 = arith.constant 0 : i32
      %dma_wait3A_87 = tpu.memref_slice %arg6[%dma_wait3A_85, %dma_wait3A_86] : memref<8x128xi32, #tpu.memory_space<vmem>> -> memref<1x128xi32, #tpu.memory_space<vmem>>
      %dma_wait3A_88 = tpu.memref_squeeze %dma_wait3A_87 : memref<1x128xi32, #tpu.memory_space<vmem>> -> memref<128xi32, #tpu.memory_space<vmem>>
      %dma_wait3A_89 = arith.constant 0 : i32
      %dma_wait3A_90 = arith.constant 0 : i32
      %dma_wait3A_91 = tpu.memref_slice %arg2[%dma_wait3A_89, %dma_wait3A_90] : memref<10240x128xf32, #tpu.memory_space<hbm>> -> memref<10240x128xf32, #tpu.memory_space<hbm>>
      tpu.wait_indirect_dma semaphore(%arg11 : memref<!tpu.dma_semaphore, #tpu.memory_space<semaphore_mem>>) src(%dma_wait3A_91 : memref<10240x128xf32, #tpu.memory_space<hbm>>) dst(%arg8 : memref<128x128xf32, #tpu.memory_space<vmem>>)
      %dma_start3A_92 = arith.constant 2 : i32
      %dma_start3A_93 = arith.constant 0 : i32
      %dma_start3A_94 = tpu.memref_slice %arg7[%dma_start3A_92, %dma_start3A_93] : memref<8x128xi32, #tpu.memory_space<vmem>> -> memref<1x128xi32, #tpu.memory_space<vmem>>
      %dma_start3A_95 = tpu.memref_squeeze %dma_start3A_94 : memref<1x128xi32, #tpu.memory_space<vmem>> -> memref<128xi32, #tpu.memory_space<vmem>>
      %dma_start3A_96 = arith.constant 0 : i32
      %dma_start3A_97 = arith.constant 0 : i32
      %dma_start3A_98 = tpu.memref_slice %arg10[%dma_start3A_96, %dma_start3A_97] : memref<10240x128xf32, #tpu.memory_space<vmem_shared>> -> memref<10240x128xf32, #tpu.memory_space<vmem_shared>>
      tpu.enqueue_indirect_dma source(%arg8 : memref<128x128xf32, #tpu.memory_space<vmem>>) target(%dma_start3A_98 : memref<10240x128xf32, #tpu.memory_space<vmem_shared>>) offsets(%dma_start3A_95 : memref<128xi32, #tpu.memory_space<vmem>>) semaphore(%arg12 : memref<!tpu.dma_semaphore, #tpu.memory_space<semaphore_mem>>) {add = true}
      %dma_wait3A_99 = arith.constant 1 : i32
      %dma_wait3A_100 = arith.constant 0 : i32
      %dma_wait3A_101 = tpu.memref_slice %arg7[%dma_wait3A_99, %dma_wait3A_100] : memref<8x128xi32, #tpu.memory_space<vmem>> -> memref<1x128xi32, #tpu.memory_space<vmem>>
      %dma_wait3A_102 = tpu.memref_squeeze %dma_wait3A_101 : memref<1x128xi32, #tpu.memory_space<vmem>> -> memref<128xi32, #tpu.memory_space<vmem>>
      %dma_wait3A_103 = arith.constant 0 : i32
      %dma_wait3A_104 = arith.constant 0 : i32
      %dma_wait3A_105 = tpu.memref_slice %arg10[%dma_wait3A_103, %dma_wait3A_104] : memref<10240x128xf32, #tpu.memory_space<vmem_shared>> -> memref<10240x128xf32, #tpu.memory_space<vmem_shared>>
      tpu.wait_indirect_dma semaphore(%arg12 : memref<!tpu.dma_semaphore, #tpu.memory_space<semaphore_mem>>) src(%arg9 : memref<128x128xf32, #tpu.memory_space<vmem>>) dst(%dma_wait3A_105 : memref<10240x128xf32, #tpu.memory_space<vmem_shared>>)
      %dma_start3A_106 = arith.constant 3 : i32
      %dma_start3A_107 = arith.constant 0 : i32
      %dma_start3A_108 = tpu.memref_slice %arg6[%dma_start3A_106, %dma_start3A_107] : memref<8x128xi32, #tpu.memory_space<vmem>> -> memref<1x128xi32, #tpu.memory_space<vmem>>
      %dma_start3A_109 = tpu.memref_squeeze %dma_start3A_108 : memref<1x128xi32, #tpu.memory_space<vmem>> -> memref<128xi32, #tpu.memory_space<vmem>>
      %dma_start3A_110 = arith.constant 0 : i32
      %dma_start3A_111 = arith.constant 0 : i32
      %dma_start3A_112 = tpu.memref_slice %arg2[%dma_start3A_110, %dma_start3A_111] : memref<10240x128xf32, #tpu.memory_space<hbm>> -> memref<10240x128xf32, #tpu.memory_space<hbm>>
      tpu.enqueue_indirect_dma source(%dma_start3A_112 : memref<10240x128xf32, #tpu.memory_space<hbm>>) target(%arg9 : memref<128x128xf32, #tpu.memory_space<vmem>>) offsets(%dma_start3A_109 : memref<128xi32, #tpu.memory_space<vmem>>) semaphore(%arg11 : memref<!tpu.dma_semaphore, #tpu.memory_space<semaphore_mem>>)
      %dma_wait3A_113 = arith.constant 3 : i32
      %dma_wait3A_114 = arith.constant 0 : i32
      %dma_wait3A_115 = tpu.memref_slice %arg6[%dma_wait3A_113, %dma_wait3A_114] : memref<8x128xi32, #tpu.memory_space<vmem>> -> memref<1x128xi32, #tpu.memory_space<vmem>>
      %dma_wait3A_116 = tpu.memref_squeeze %dma_wait3A_115 : memref<1x128xi32, #tpu.memory_space<vmem>> -> memref<128xi32, #tpu.memory_space<vmem>>
      %dma_wait3A_117 = arith.constant 0 : i32
      %dma_wait3A_118 = arith.constant 0 : i32
      %dma_wait3A_119 = tpu.memref_slice %arg2[%dma_wait3A_117, %dma_wait3A_118] : memref<10240x128xf32, #tpu.memory_space<hbm>> -> memref<10240x128xf32, #tpu.memory_space<hbm>>
      tpu.wait_indirect_dma semaphore(%arg11 : memref<!tpu.dma_semaphore, #tpu.memory_space<semaphore_mem>>) src(%dma_wait3A_119 : memref<10240x128xf32, #tpu.memory_space<hbm>>) dst(%arg9 : memref<128x128xf32, #tpu.memory_space<vmem>>)
      %dma_start3A_120 = arith.constant 3 : i32
      %dma_start3A_121 = arith.constant 0 : i32
      %dma_start3A_122 = tpu.memref_slice %arg7[%dma_start3A_120, %dma_start3A_121] : memref<8x128xi32, #tpu.memory_space<vmem>> -> memref<1x128xi32, #tpu.memory_space<vmem>>
      %dma_start3A_123 = tpu.memref_squeeze %dma_start3A_122 : memref<1x128xi32, #tpu.memory_space<vmem>> -> memref<128xi32, #tpu.memory_space<vmem>>
      %dma_start3A_124 = arith.constant 0 : i32
      %dma_start3A_125 = arith.constant 0 : i32
      %dma_start3A_126 = tpu.memref_slice %arg10[%dma_start3A_124, %dma_start3A_125] : memref<10240x128xf32, #tpu.memory_space<vmem_shared>> -> memref<10240x128xf32, #tpu.memory_space<vmem_shared>>
      tpu.enqueue_indirect_dma source(%arg9 : memref<128x128xf32, #tpu.memory_space<vmem>>) target(%dma_start3A_126 : memref<10240x128xf32, #tpu.memory_space<vmem_shared>>) offsets(%dma_start3A_123 : memref<128xi32, #tpu.memory_space<vmem>>) semaphore(%arg12 : memref<!tpu.dma_semaphore, #tpu.memory_space<semaphore_mem>>) {add = true}
      %dma_wait3A_127 = arith.constant 2 : i32
      %dma_wait3A_128 = arith.constant 0 : i32
      %dma_wait3A_129 = tpu.memref_slice %arg7[%dma_wait3A_127, %dma_wait3A_128] : memref<8x128xi32, #tpu.memory_space<vmem>> -> memref<1x128xi32, #tpu.memory_space<vmem>>
      %dma_wait3A_130 = tpu.memref_squeeze %dma_wait3A_129 : memref<1x128xi32, #tpu.memory_space<vmem>> -> memref<128xi32, #tpu.memory_space<vmem>>
      %dma_wait3A_131 = arith.constant 0 : i32
      %dma_wait3A_132 = arith.constant 0 : i32
      %dma_wait3A_133 = tpu.memref_slice %arg10[%dma_wait3A_131, %dma_wait3A_132] : memref<10240x128xf32, #tpu.memory_space<vmem_shared>> -> memref<10240x128xf32, #tpu.memory_space<vmem_shared>>
      tpu.wait_indirect_dma semaphore(%arg12 : memref<!tpu.dma_semaphore, #tpu.memory_space<semaphore_mem>>) src(%arg8 : memref<128x128xf32, #tpu.memory_space<vmem>>) dst(%dma_wait3A_133 : memref<10240x128xf32, #tpu.memory_space<vmem_shared>>)
      %dma_start3A_134 = arith.constant 4 : i32
      %dma_start3A_135 = arith.constant 0 : i32
      %dma_start3A_136 = tpu.memref_slice %arg6[%dma_start3A_134, %dma_start3A_135] : memref<8x128xi32, #tpu.memory_space<vmem>> -> memref<1x128xi32, #tpu.memory_space<vmem>>
      %dma_start3A_137 = tpu.memref_squeeze %dma_start3A_136 : memref<1x128xi32, #tpu.memory_space<vmem>> -> memref<128xi32, #tpu.memory_space<vmem>>
      %dma_start3A_138 = arith.constant 0 : i32
      %dma_start3A_139 = arith.constant 0 : i32
      %dma_start3A_140 = tpu.memref_slice %arg2[%dma_start3A_138, %dma_start3A_139] : memref<10240x128xf32, #tpu.memory_space<hbm>> -> memref<10240x128xf32, #tpu.memory_space<hbm>>
      tpu.enqueue_indirect_dma source(%dma_start3A_140 : memref<10240x128xf32, #tpu.memory_space<hbm>>) target(%arg8 : memref<128x128xf32, #tpu.memory_space<vmem>>) offsets(%dma_start3A_137 : memref<128xi32, #tpu.memory_space<vmem>>) semaphore(%arg11 : memref<!tpu.dma_semaphore, #tpu.memory_space<semaphore_mem>>)
      %dma_wait3A_141 = arith.constant 4 : i32
      %dma_wait3A_142 = arith.constant 0 : i32
      %dma_wait3A_143 = tpu.memref_slice %arg6[%dma_wait3A_141, %dma_wait3A_142] : memref<8x128xi32, #tpu.memory_space<vmem>> -> memref<1x128xi32, #tpu.memory_space<vmem>>
      %dma_wait3A_144 = tpu.memref_squeeze %dma_wait3A_143 : memref<1x128xi32, #tpu.memory_space<vmem>> -> memref<128xi32, #tpu.memory_space<vmem>>
      %dma_wait3A_145 = arith.constant 0 : i32
      %dma_wait3A_146 = arith.constant 0 : i32
      %dma_wait3A_147 = tpu.memref_slice %arg2[%dma_wait3A_145, %dma_wait3A_146] : memref<10240x128xf32, #tpu.memory_space<hbm>> -> memref<10240x128xf32, #tpu.memory_space<hbm>>
      tpu.wait_indirect_dma semaphore(%arg11 : memref<!tpu.dma_semaphore, #tpu.memory_space<semaphore_mem>>) src(%dma_wait3A_147 : memref<10240x128xf32, #tpu.memory_space<hbm>>) dst(%arg8 : memref<128x128xf32, #tpu.memory_space<vmem>>)
      %dma_start3A_148 = arith.constant 4 : i32
      %dma_start3A_149 = arith.constant 0 : i32
      %dma_start3A_150 = tpu.memref_slice %arg7[%dma_start3A_148, %dma_start3A_149] : memref<8x128xi32, #tpu.memory_space<vmem>> -> memref<1x128xi32, #tpu.memory_space<vmem>>
      %dma_start3A_151 = tpu.memref_squeeze %dma_start3A_150 : memref<1x128xi32, #tpu.memory_space<vmem>> -> memref<128xi32, #tpu.memory_space<vmem>>
      %dma_start3A_152 = arith.constant 0 : i32
      %dma_start3A_153 = arith.constant 0 : i32
      %dma_start3A_154 = tpu.memref_slice %arg10[%dma_start3A_152, %dma_start3A_153] : memref<10240x128xf32, #tpu.memory_space<vmem_shared>> -> memref<10240x128xf32, #tpu.memory_space<vmem_shared>>
      tpu.enqueue_indirect_dma source(%arg8 : memref<128x128xf32, #tpu.memory_space<vmem>>) target(%dma_start3A_154 : memref<10240x128xf32, #tpu.memory_space<vmem_shared>>) offsets(%dma_start3A_151 : memref<128xi32, #tpu.memory_space<vmem>>) semaphore(%arg12 : memref<!tpu.dma_semaphore, #tpu.memory_space<semaphore_mem>>) {add = true}
      %dma_wait3A_155 = arith.constant 3 : i32
      %dma_wait3A_156 = arith.constant 0 : i32
      %dma_wait3A_157 = tpu.memref_slice %arg7[%dma_wait3A_155, %dma_wait3A_156] : memref<8x128xi32, #tpu.memory_space<vmem>> -> memref<1x128xi32, #tpu.memory_space<vmem>>
      %dma_wait3A_158 = tpu.memref_squeeze %dma_wait3A_157 : memref<1x128xi32, #tpu.memory_space<vmem>> -> memref<128xi32, #tpu.memory_space<vmem>>
      %dma_wait3A_159 = arith.constant 0 : i32
      %dma_wait3A_160 = arith.constant 0 : i32
      %dma_wait3A_161 = tpu.memref_slice %arg10[%dma_wait3A_159, %dma_wait3A_160] : memref<10240x128xf32, #tpu.memory_space<vmem_shared>> -> memref<10240x128xf32, #tpu.memory_space<vmem_shared>>
      tpu.wait_indirect_dma semaphore(%arg12 : memref<!tpu.dma_semaphore, #tpu.memory_space<semaphore_mem>>) src(%arg9 : memref<128x128xf32, #tpu.memory_space<vmem>>) dst(%dma_wait3A_161 : memref<10240x128xf32, #tpu.memory_space<vmem_shared>>)
      %dma_start3A_162 = arith.constant 5 : i32
      %dma_start3A_163 = arith.constant 0 : i32
      %dma_start3A_164 = tpu.memref_slice %arg6[%dma_start3A_162, %dma_start3A_163] : memref<8x128xi32, #tpu.memory_space<vmem>> -> memref<1x128xi32, #tpu.memory_space<vmem>>
      %dma_start3A_165 = tpu.memref_squeeze %dma_start3A_164 : memref<1x128xi32, #tpu.memory_space<vmem>> -> memref<128xi32, #tpu.memory_space<vmem>>
      %dma_start3A_166 = arith.constant 0 : i32
      %dma_start3A_167 = arith.constant 0 : i32
      %dma_start3A_168 = tpu.memref_slice %arg2[%dma_start3A_166, %dma_start3A_167] : memref<10240x128xf32, #tpu.memory_space<hbm>> -> memref<10240x128xf32, #tpu.memory_space<hbm>>
      tpu.enqueue_indirect_dma source(%dma_start3A_168 : memref<10240x128xf32, #tpu.memory_space<hbm>>) target(%arg9 : memref<128x128xf32, #tpu.memory_space<vmem>>) offsets(%dma_start3A_165 : memref<128xi32, #tpu.memory_space<vmem>>) semaphore(%arg11 : memref<!tpu.dma_semaphore, #tpu.memory_space<semaphore_mem>>)
      %dma_wait3A_169 = arith.constant 5 : i32
      %dma_wait3A_170 = arith.constant 0 : i32
      %dma_wait3A_171 = tpu.memref_slice %arg6[%dma_wait3A_169, %dma_wait3A_170] : memref<8x128xi32, #tpu.memory_space<vmem>> -> memref<1x128xi32, #tpu.memory_space<vmem>>
      %dma_wait3A_172 = tpu.memref_squeeze %dma_wait3A_171 : memref<1x128xi32, #tpu.memory_space<vmem>> -> memref<128xi32, #tpu.memory_space<vmem>>
      %dma_wait3A_173 = arith.constant 0 : i32
      %dma_wait3A_174 = arith.constant 0 : i32
      %dma_wait3A_175 = tpu.memref_slice %arg2[%dma_wait3A_173, %dma_wait3A_174] : memref<10240x128xf32, #tpu.memory_space<hbm>> -> memref<10240x128xf32, #tpu.memory_space<hbm>>
      tpu.wait_indirect_dma semaphore(%arg11 : memref<!tpu.dma_semaphore, #tpu.memory_space<semaphore_mem>>) src(%dma_wait3A_175 : memref<10240x128xf32, #tpu.memory_space<hbm>>) dst(%arg9 : memref<128x128xf32, #tpu.memory_space<vmem>>)
      %dma_start3A_176 = arith.constant 5 : i32
      %dma_start3A_177 = arith.constant 0 : i32
      %dma_start3A_178 = tpu.memref_slice %arg7[%dma_start3A_176, %dma_start3A_177] : memref<8x128xi32, #tpu.memory_space<vmem>> -> memref<1x128xi32, #tpu.memory_space<vmem>>
      %dma_start3A_179 = tpu.memref_squeeze %dma_start3A_178 : memref<1x128xi32, #tpu.memory_space<vmem>> -> memref<128xi32, #tpu.memory_space<vmem>>
      %dma_start3A_180 = arith.constant 0 : i32
      %dma_start3A_181 = arith.constant 0 : i32
      %dma_start3A_182 = tpu.memref_slice %arg10[%dma_start3A_180, %dma_start3A_181] : memref<10240x128xf32, #tpu.memory_space<vmem_shared>> -> memref<10240x128xf32, #tpu.memory_space<vmem_shared>>
      tpu.enqueue_indirect_dma source(%arg9 : memref<128x128xf32, #tpu.memory_space<vmem>>) target(%dma_start3A_182 : memref<10240x128xf32, #tpu.memory_space<vmem_shared>>) offsets(%dma_start3A_179 : memref<128xi32, #tpu.memory_space<vmem>>) semaphore(%arg12 : memref<!tpu.dma_semaphore, #tpu.memory_space<semaphore_mem>>) {add = true}
      %dma_wait3A_183 = arith.constant 4 : i32
      %dma_wait3A_184 = arith.constant 0 : i32
      %dma_wait3A_185 = tpu.memref_slice %arg7[%dma_wait3A_183, %dma_wait3A_184] : memref<8x128xi32, #tpu.memory_space<vmem>> -> memref<1x128xi32, #tpu.memory_space<vmem>>
      %dma_wait3A_186 = tpu.memref_squeeze %dma_wait3A_185 : memref<1x128xi32, #tpu.memory_space<vmem>> -> memref<128xi32, #tpu.memory_space<vmem>>
      %dma_wait3A_187 = arith.constant 0 : i32
      %dma_wait3A_188 = arith.constant 0 : i32
      %dma_wait3A_189 = tpu.memref_slice %arg10[%dma_wait3A_187, %dma_wait3A_188] : memref<10240x128xf32, #tpu.memory_space<vmem_shared>> -> memref<10240x128xf32, #tpu.memory_space<vmem_shared>>
      tpu.wait_indirect_dma semaphore(%arg12 : memref<!tpu.dma_semaphore, #tpu.memory_space<semaphore_mem>>) src(%arg8 : memref<128x128xf32, #tpu.memory_space<vmem>>) dst(%dma_wait3A_189 : memref<10240x128xf32, #tpu.memory_space<vmem_shared>>)
      %dma_start3A_190 = arith.constant 6 : i32
      %dma_start3A_191 = arith.constant 0 : i32
      %dma_start3A_192 = tpu.memref_slice %arg6[%dma_start3A_190, %dma_start3A_191] : memref<8x128xi32, #tpu.memory_space<vmem>> -> memref<1x128xi32, #tpu.memory_space<vmem>>
      %dma_start3A_193 = tpu.memref_squeeze %dma_start3A_192 : memref<1x128xi32, #tpu.memory_space<vmem>> -> memref<128xi32, #tpu.memory_space<vmem>>
      %dma_start3A_194 = arith.constant 0 : i32
      %dma_start3A_195 = arith.constant 0 : i32
      %dma_start3A_196 = tpu.memref_slice %arg2[%dma_start3A_194, %dma_start3A_195] : memref<10240x128xf32, #tpu.memory_space<hbm>> -> memref<10240x128xf32, #tpu.memory_space<hbm>>
      tpu.enqueue_indirect_dma source(%dma_start3A_196 : memref<10240x128xf32, #tpu.memory_space<hbm>>) target(%arg8 : memref<128x128xf32, #tpu.memory_space<vmem>>) offsets(%dma_start3A_193 : memref<128xi32, #tpu.memory_space<vmem>>) semaphore(%arg11 : memref<!tpu.dma_semaphore, #tpu.memory_space<semaphore_mem>>)
      %dma_wait3A_197 = arith.constant 6 : i32
      %dma_wait3A_198 = arith.constant 0 : i32
      %dma_wait3A_199 = tpu.memref_slice %arg6[%dma_wait3A_197, %dma_wait3A_198] : memref<8x128xi32, #tpu.memory_space<vmem>> -> memref<1x128xi32, #tpu.memory_space<vmem>>
      %dma_wait3A_200 = tpu.memref_squeeze %dma_wait3A_199 : memref<1x128xi32, #tpu.memory_space<vmem>> -> memref<128xi32, #tpu.memory_space<vmem>>
      %dma_wait3A_201 = arith.constant 0 : i32
      %dma_wait3A_202 = arith.constant 0 : i32
      %dma_wait3A_203 = tpu.memref_slice %arg2[%dma_wait3A_201, %dma_wait3A_202] : memref<10240x128xf32, #tpu.memory_space<hbm>> -> memref<10240x128xf32, #tpu.memory_space<hbm>>
      tpu.wait_indirect_dma semaphore(%arg11 : memref<!tpu.dma_semaphore, #tpu.memory_space<semaphore_mem>>) src(%dma_wait3A_203 : memref<10240x128xf32, #tpu.memory_space<hbm>>) dst(%arg8 : memref<128x128xf32, #tpu.memory_space<vmem>>)
      %dma_start3A_204 = arith.constant 6 : i32
      %dma_start3A_205 = arith.constant 0 : i32
      %dma_start3A_206 = tpu.memref_slice %arg7[%dma_start3A_204, %dma_start3A_205] : memref<8x128xi32, #tpu.memory_space<vmem>> -> memref<1x128xi32, #tpu.memory_space<vmem>>
      %dma_start3A_207 = tpu.memref_squeeze %dma_start3A_206 : memref<1x128xi32, #tpu.memory_space<vmem>> -> memref<128xi32, #tpu.memory_space<vmem>>
      %dma_start3A_208 = arith.constant 0 : i32
      %dma_start3A_209 = arith.constant 0 : i32
      %dma_start3A_210 = tpu.memref_slice %arg10[%dma_start3A_208, %dma_start3A_209] : memref<10240x128xf32, #tpu.memory_space<vmem_shared>> -> memref<10240x128xf32, #tpu.memory_space<vmem_shared>>
      tpu.enqueue_indirect_dma source(%arg8 : memref<128x128xf32, #tpu.memory_space<vmem>>) target(%dma_start3A_210 : memref<10240x128xf32, #tpu.memory_space<vmem_shared>>) offsets(%dma_start3A_207 : memref<128xi32, #tpu.memory_space<vmem>>) semaphore(%arg12 : memref<!tpu.dma_semaphore, #tpu.memory_space<semaphore_mem>>) {add = true}
      %dma_wait3A_211 = arith.constant 5 : i32
      %dma_wait3A_212 = arith.constant 0 : i32
      %dma_wait3A_213 = tpu.memref_slice %arg7[%dma_wait3A_211, %dma_wait3A_212] : memref<8x128xi32, #tpu.memory_space<vmem>> -> memref<1x128xi32, #tpu.memory_space<vmem>>
      %dma_wait3A_214 = tpu.memref_squeeze %dma_wait3A_213 : memref<1x128xi32, #tpu.memory_space<vmem>> -> memref<128xi32, #tpu.memory_space<vmem>>
      %dma_wait3A_215 = arith.constant 0 : i32
      %dma_wait3A_216 = arith.constant 0 : i32
      %dma_wait3A_217 = tpu.memref_slice %arg10[%dma_wait3A_215, %dma_wait3A_216] : memref<10240x128xf32, #tpu.memory_space<vmem_shared>> -> memref<10240x128xf32, #tpu.memory_space<vmem_shared>>
      tpu.wait_indirect_dma semaphore(%arg12 : memref<!tpu.dma_semaphore, #tpu.memory_space<semaphore_mem>>) src(%arg9 : memref<128x128xf32, #tpu.memory_space<vmem>>) dst(%dma_wait3A_217 : memref<10240x128xf32, #tpu.memory_space<vmem_shared>>)
      %dma_start3A_218 = arith.constant 7 : i32
      %dma_start3A_219 = arith.constant 0 : i32
      %dma_start3A_220 = tpu.memref_slice %arg6[%dma_start3A_218, %dma_start3A_219] : memref<8x128xi32, #tpu.memory_space<vmem>> -> memref<1x128xi32, #tpu.memory_space<vmem>>
      %dma_start3A_221 = tpu.memref_squeeze %dma_start3A_220 : memref<1x128xi32, #tpu.memory_space<vmem>> -> memref<128xi32, #tpu.memory_space<vmem>>
      %dma_start3A_222 = arith.constant 0 : i32
      %dma_start3A_223 = arith.constant 0 : i32
      %dma_start3A_224 = tpu.memref_slice %arg2[%dma_start3A_222, %dma_start3A_223] : memref<10240x128xf32, #tpu.memory_space<hbm>> -> memref<10240x128xf32, #tpu.memory_space<hbm>>
      tpu.enqueue_indirect_dma source(%dma_start3A_224 : memref<10240x128xf32, #tpu.memory_space<hbm>>) target(%arg9 : memref<128x128xf32, #tpu.memory_space<vmem>>) offsets(%dma_start3A_221 : memref<128xi32, #tpu.memory_space<vmem>>) semaphore(%arg11 : memref<!tpu.dma_semaphore, #tpu.memory_space<semaphore_mem>>)
      %dma_wait3A_225 = arith.constant 7 : i32
      %dma_wait3A_226 = arith.constant 0 : i32
      %dma_wait3A_227 = tpu.memref_slice %arg6[%dma_wait3A_225, %dma_wait3A_226] : memref<8x128xi32, #tpu.memory_space<vmem>> -> memref<1x128xi32, #tpu.memory_space<vmem>>
      %dma_wait3A_228 = tpu.memref_squeeze %dma_wait3A_227 : memref<1x128xi32, #tpu.memory_space<vmem>> -> memref<128xi32, #tpu.memory_space<vmem>>
      %dma_wait3A_229 = arith.constant 0 : i32
      %dma_wait3A_230 = arith.constant 0 : i32
      %dma_wait3A_231 = tpu.memref_slice %arg2[%dma_wait3A_229, %dma_wait3A_230] : memref<10240x128xf32, #tpu.memory_space<hbm>> -> memref<10240x128xf32, #tpu.memory_space<hbm>>
      tpu.wait_indirect_dma semaphore(%arg11 : memref<!tpu.dma_semaphore, #tpu.memory_space<semaphore_mem>>) src(%dma_wait3A_231 : memref<10240x128xf32, #tpu.memory_space<hbm>>) dst(%arg9 : memref<128x128xf32, #tpu.memory_space<vmem>>)
      %dma_start3A_232 = arith.constant 7 : i32
      %dma_start3A_233 = arith.constant 0 : i32
      %dma_start3A_234 = tpu.memref_slice %arg7[%dma_start3A_232, %dma_start3A_233] : memref<8x128xi32, #tpu.memory_space<vmem>> -> memref<1x128xi32, #tpu.memory_space<vmem>>
      %dma_start3A_235 = tpu.memref_squeeze %dma_start3A_234 : memref<1x128xi32, #tpu.memory_space<vmem>> -> memref<128xi32, #tpu.memory_space<vmem>>
      %dma_start3A_236 = arith.constant 0 : i32
      %dma_start3A_237 = arith.constant 0 : i32
      %dma_start3A_238 = tpu.memref_slice %arg10[%dma_start3A_236, %dma_start3A_237] : memref<10240x128xf32, #tpu.memory_space<vmem_shared>> -> memref<10240x128xf32, #tpu.memory_space<vmem_shared>>
      tpu.enqueue_indirect_dma source(%arg9 : memref<128x128xf32, #tpu.memory_space<vmem>>) target(%dma_start3A_238 : memref<10240x128xf32, #tpu.memory_space<vmem_shared>>) offsets(%dma_start3A_235 : memref<128xi32, #tpu.memory_space<vmem>>) semaphore(%arg12 : memref<!tpu.dma_semaphore, #tpu.memory_space<semaphore_mem>>) {add = true}
      %dma_wait3A_239 = arith.constant 6 : i32
      %dma_wait3A_240 = arith.constant 0 : i32
      %dma_wait3A_241 = tpu.memref_slice %arg7[%dma_wait3A_239, %dma_wait3A_240] : memref<8x128xi32, #tpu.memory_space<vmem>> -> memref<1x128xi32, #tpu.memory_space<vmem>>
      %dma_wait3A_242 = tpu.memref_squeeze %dma_wait3A_241 : memref<1x128xi32, #tpu.memory_space<vmem>> -> memref<128xi32, #tpu.memory_space<vmem>>
      %dma_wait3A_243 = arith.constant 0 : i32
      %dma_wait3A_244 = arith.constant 0 : i32
      %dma_wait3A_245 = tpu.memref_slice %arg10[%dma_wait3A_243, %dma_wait3A_244] : memref<10240x128xf32, #tpu.memory_space<vmem_shared>> -> memref<10240x128xf32, #tpu.memory_space<vmem_shared>>
      tpu.wait_indirect_dma semaphore(%arg12 : memref<!tpu.dma_semaphore, #tpu.memory_space<semaphore_mem>>) src(%arg8 : memref<128x128xf32, #tpu.memory_space<vmem>>) dst(%dma_wait3A_245 : memref<10240x128xf32, #tpu.memory_space<vmem_shared>>)
      %dma_wait3A_246 = arith.constant 7 : i32
      %dma_wait3A_247 = arith.constant 0 : i32
      %dma_wait3A_248 = tpu.memref_slice %arg7[%dma_wait3A_246, %dma_wait3A_247] : memref<8x128xi32, #tpu.memory_space<vmem>> -> memref<1x128xi32, #tpu.memory_space<vmem>>
      %dma_wait3A_249 = tpu.memref_squeeze %dma_wait3A_248 : memref<1x128xi32, #tpu.memory_space<vmem>> -> memref<128xi32, #tpu.memory_space<vmem>>
      %dma_wait3A_250 = arith.constant 0 : i32
      %dma_wait3A_251 = arith.constant 0 : i32
      %dma_wait3A_252 = tpu.memref_slice %arg10[%dma_wait3A_250, %dma_wait3A_251] : memref<10240x128xf32, #tpu.memory_space<vmem_shared>> -> memref<10240x128xf32, #tpu.memory_space<vmem_shared>>
      tpu.wait_indirect_dma semaphore(%arg12 : memref<!tpu.dma_semaphore, #tpu.memory_space<semaphore_mem>>) src(%arg9 : memref<128x128xf32, #tpu.memory_space<vmem>>) dst(%dma_wait3A_252 : memref<10240x128xf32, #tpu.memory_space<vmem_shared>>)
    }
    %scan3A_18 = arith.constant 10 : i32
    %barrier3A_19 = arith.constant 0 : index
    tpu.barrier barrier_id(%barrier3A_19)
    %scan3A_20 = arith.constant 0 : i32
    %scan3A_21 = arith.constant 0 : i32
    %scan3A_22 = arith.constant 5 : i32
    %scan3A_23 = arith.addi %scan3A_21, %scan3A_22 : i32
    %scan3A_24 = arith.constant 1 : i32
    scf.for %scan3A_26 = %scan3A_21 to %scan3A_23 step %scan3A_24  : i32 {
      %mul3A_27 = arith.constant 640 : i32
      %mul3A_28 = arith.muli %arg1, %mul3A_27 : i32
      %mul3A_29 = arith.constant 128 : i32
      %mul3A_30 = arith.muli %scan3A_26, %mul3A_29 : i32
      %add3A_31 = arith.addi %mul3A_28, %mul3A_30 : i32
      "tpu.region"() ({
        %run_scoped3A = tpu.sem_alloc : memref<!tpu.dma_semaphore, #tpu.memory_space<semaphore_mem>>
        %dma_start3A = arith.constant 0 : i32
        %dma_start3A_32 = tpu.memref_slice %arg10[%add3A_31, %dma_start3A] : memref<10240x128xf32, #tpu.memory_space<vmem_shared>> -> memref<128x128xf32, #tpu.memory_space<vmem_shared>>
        %dma_start3A_33 = arith.constant 0 : i32
        %dma_start3A_34 = tpu.memref_slice %arg10[%add3A_31, %dma_start3A_33] : memref<10240x128xf32, #tpu.memory_space<vmem_shared>> -> memref<128x128xf32, #tpu.memory_space<vmem_shared>>
        tpu.enqueue_dma source(%dma_start3A_34 : memref<128x128xf32, #tpu.memory_space<vmem_shared>>) target(%arg8 : memref<128x128xf32, #tpu.memory_space<vmem>>) target_semaphore(%run_scoped3A : memref<!tpu.dma_semaphore, #tpu.memory_space<semaphore_mem>>)
        %dma_wait3A = arith.constant 0 : i32
        %dma_wait3A_35 = tpu.memref_slice %arg10[%add3A_31, %dma_wait3A] : memref<10240x128xf32, #tpu.memory_space<vmem_shared>> -> memref<128x128xf32, #tpu.memory_space<vmem_shared>>
        %dma_wait3A_36 = arith.constant 0 : i32
        %dma_wait3A_37 = tpu.memref_slice %arg10[%add3A_31, %dma_wait3A_36] : memref<10240x128xf32, #tpu.memory_space<vmem_shared>> -> memref<128x128xf32, #tpu.memory_space<vmem_shared>>
        tpu.wait_dma2 semaphore(%run_scoped3A : memref<!tpu.dma_semaphore, #tpu.memory_space<semaphore_mem>>) src(%dma_wait3A_37 : memref<128x128xf32, #tpu.memory_space<vmem_shared>>) dst(%arg8 : memref<128x128xf32, #tpu.memory_space<vmem>>)
        tpu.yield
      }) : () -> ()
      "tpu.region"() ({
        %run_scoped3A = tpu.sem_alloc : memref<!tpu.dma_semaphore, #tpu.memory_space<semaphore_mem>>
        %dma_start3A = arith.constant 0 : i32
        %dma_start3A_32 = arith.constant 0 : i32
        %dma_start3A_33 = tpu.memref_slice %arg5[%arg0, %dma_start3A, %dma_start3A_32] : memref<2x10240x128xf32, #tpu.memory_space<hbm>> -> memref<1x10240x128xf32, #tpu.memory_space<hbm>>
        %dma_start3A_34 = tpu.memref_squeeze %dma_start3A_33 : memref<1x10240x128xf32, #tpu.memory_space<hbm>> -> memref<10240x128xf32, #tpu.memory_space<hbm>>
        %dma_start3A_35 = arith.constant 0 : i32
        %dma_start3A_36 = tpu.memref_slice %dma_start3A_34[%add3A_31, %dma_start3A_35] : memref<10240x128xf32, #tpu.memory_space<hbm>> -> memref<128x128xf32, #tpu.memory_space<hbm>>
        %dma_start3A_37 = arith.constant 0 : i32
        %dma_start3A_38 = arith.constant 0 : i32
        %dma_start3A_39 = tpu.memref_slice %arg5[%arg0, %dma_start3A_37, %dma_start3A_38] : memref<2x10240x128xf32, #tpu.memory_space<hbm>> -> memref<1x10240x128xf32, #tpu.memory_space<hbm>>
        %dma_start3A_40 = tpu.memref_squeeze %dma_start3A_39 : memref<1x10240x128xf32, #tpu.memory_space<hbm>> -> memref<10240x128xf32, #tpu.memory_space<hbm>>
        %dma_start3A_41 = arith.constant 0 : i32
        %dma_start3A_42 = tpu.memref_slice %dma_start3A_40[%add3A_31, %dma_start3A_41] : memref<10240x128xf32, #tpu.memory_space<hbm>> -> memref<128x128xf32, #tpu.memory_space<hbm>>
        tpu.enqueue_dma source(%arg8 : memref<128x128xf32, #tpu.memory_space<vmem>>) target(%dma_start3A_42 : memref<128x128xf32, #tpu.memory_space<hbm>>) target_semaphore(%run_scoped3A : memref<!tpu.dma_semaphore, #tpu.memory_space<semaphore_mem>>)
        %dma_wait3A = arith.constant 0 : i32
        %dma_wait3A_43 = arith.constant 0 : i32
        %dma_wait3A_44 = tpu.memref_slice %arg5[%arg0, %dma_wait3A, %dma_wait3A_43] : memref<2x10240x128xf32, #tpu.memory_space<hbm>> -> memref<1x10240x128xf32, #tpu.memory_space<hbm>>
        %dma_wait3A_45 = tpu.memref_squeeze %dma_wait3A_44 : memref<1x10240x128xf32, #tpu.memory_space<hbm>> -> memref<10240x128xf32, #tpu.memory_space<hbm>>
        %dma_wait3A_46 = arith.constant 0 : i32
        %dma_wait3A_47 = tpu.memref_slice %dma_wait3A_45[%add3A_31, %dma_wait3A_46] : memref<10240x128xf32, #tpu.memory_space<hbm>> -> memref<128x128xf32, #tpu.memory_space<hbm>>
        %dma_wait3A_48 = arith.constant 0 : i32
        %dma_wait3A_49 = arith.constant 0 : i32
        %dma_wait3A_50 = tpu.memref_slice %arg5[%arg0, %dma_wait3A_48, %dma_wait3A_49] : memref<2x10240x128xf32, #tpu.memory_space<hbm>> -> memref<1x10240x128xf32, #tpu.memory_space<hbm>>
        %dma_wait3A_51 = tpu.memref_squeeze %dma_wait3A_50 : memref<1x10240x128xf32, #tpu.memory_space<hbm>> -> memref<10240x128xf32, #tpu.memory_space<hbm>>
        %dma_wait3A_52 = arith.constant 0 : i32
        %dma_wait3A_53 = tpu.memref_slice %dma_wait3A_51[%add3A_31, %dma_wait3A_52] : memref<10240x128xf32, #tpu.memory_space<hbm>> -> memref<128x128xf32, #tpu.memory_space<hbm>>
        tpu.wait_dma2 semaphore(%run_scoped3A : memref<!tpu.dma_semaphore, #tpu.memory_space<semaphore_mem>>) src(%arg8 : memref<128x128xf32, #tpu.memory_space<vmem>>) dst(%dma_wait3A_53 : memref<128x128xf32, #tpu.memory_space<hbm>>)
        tpu.yield
      }) : () -> ()
    }
    %scan3A_25 = arith.constant 5 : i32
    return
  }
}

module attributes {stable_mosaic.version = 14 : i64} {
  func.func @_tc_pre_body(%arg0: i32, %arg1: memref<256x128xf32, #tpu.memory_space<vmem>>, %arg2: memref<128x128xf32, #tpu.memory_space<vmem>>, %arg3: memref<256x16xf32, #tpu.memory_space<vmem>>, %arg4: memref<256x16xf32, #tpu.memory_space<vmem>>, %arg5: memref<256x128xf32, #tpu.memory_space<vmem>>) attributes {dimension_semantics = [#tpu.dimension_semantics<arbitrary>], iteration_bounds = array<i64: 40>, scalar_prefetch = 0 : i64, scratch_operands = 0 : i64, tpu.core_type = #tpu.core_type<tc>, window_params = [{transform_indices = @transform_0, window_bounds = array<i64: 256, 128>}, {pipeline_mode = #tpu.pipeline_mode<synchronous>, transform_indices = @transform_1, window_bounds = array<i64: 128, 128>}, {transform_indices = @transform_2, window_bounds = array<i64: 256, 16>}, {transform_indices = @transform_3, window_bounds = array<i64: 256, 16>}, {transform_indices = @transform_4, window_bounds = array<i64: 256, 128>}]} {
    %get3A = arith.constant 0 : index
    %get3A_0 = arith.constant 0 : index
    %get3A_1 = vector.load %arg3[%get3A, %get3A_0] : memref<256x16xf32, #tpu.memory_space<vmem>>, vector<256x1xf32>
    %get3A_2 = arith.constant 0 : index
    %get3A_3 = arith.constant 0 : index
    %get3A_4 = vector.load %arg4[%get3A_2, %get3A_3] : memref<256x16xf32, #tpu.memory_space<vmem>>, vector<256x1xf32>
    %add3A = arith.addf %get3A_1, %get3A_4 : vector<256x1xf32>
    %add3A_5 = arith.constant 1.000000e+00 : f32
    %add3A_6 = vector.broadcast %add3A_5 : f32 to vector<256x1xf32>
    %add3A_7 = arith.addf %add3A, %add3A_6 : vector<256x1xf32>
    %rsqrt3A = math.rsqrt %add3A_7 : vector<256x1xf32>
    %get3A_8 = arith.constant 0 : index
    %get3A_9 = arith.constant 0 : index
    %get3A_10 = vector.load %arg1[%get3A_8, %get3A_9] : memref<256x128xf32, #tpu.memory_space<vmem>>, vector<256x128xf32>
    %get3A_11 = arith.constant 0 : index
    %get3A_12 = arith.constant 0 : index
    %get3A_13 = vector.load %arg2[%get3A_11, %get3A_12] : memref<128x128xf32, #tpu.memory_space<vmem>>, vector<128x128xf32>
    %dot_general3A = arith.constant dense<0.000000e+00> : vector<256x128xf32>
    %dot_general3A_14 = tpu.matmul %get3A_10, %get3A_13, %dot_general3A {dimension_numbers = #tpu.dot_dimension_numbers<[1], [0], [0], [1], [0, 0, 1, 1], [], []>, transpose_lhs_hint = false} : vector<256x128xf32>, vector<128x128xf32>, vector<256x128xf32> -> vector<256x128xf32>
    %mul3A = vector.broadcast %rsqrt3A : vector<256x1xf32> to vector<256x128xf32>
    %mul3A_15 = arith.mulf %dot_general3A_14, %mul3A : vector<256x128xf32>
    %swap3A = arith.constant 0 : index
    %swap3A_16 = arith.constant 0 : index
    %swap3A_17 = vector.load %arg5[%swap3A, %swap3A_16] : memref<256x128xf32, #tpu.memory_space<vmem>>, vector<256x128xf32>
    tpu.vector_store %arg5[%swap3A, %swap3A_16], %mul3A_15 {strides = array<i32>} : memref<256x128xf32, #tpu.memory_space<vmem>>, vector<256x128xf32>,
    return
  }
  func.func @transform_0(%arg0: i32) -> (i32, i32) {
    %c0_i32 = arith.constant 0 : i32
    %c0_i32_0 = arith.constant 0 : i32
    return %arg0, %c0_i32 : i32, i32
  }
  func.func @transform_1(%arg0: i32) -> (i32, i32) {
    %c0_i32 = arith.constant 0 : i32
    %c0_i32_0 = arith.constant 0 : i32
    %c0_i32_1 = arith.constant 0 : i32
    return %c0_i32, %c0_i32_0 : i32, i32
  }
  func.func @transform_2(%arg0: i32) -> (i32, i32) {
    %c0_i32 = arith.constant 0 : i32
    %c0_i32_0 = arith.constant 0 : i32
    return %arg0, %c0_i32 : i32, i32
  }
  func.func @transform_3(%arg0: i32) -> (i32, i32) {
    %c0_i32 = arith.constant 0 : i32
    %c0_i32_0 = arith.constant 0 : i32
    return %arg0, %c0_i32 : i32, i32
  }
  func.func @transform_4(%arg0: i32) -> (i32, i32) {
    %c0_i32 = arith.constant 0 : i32
    %c0_i32_0 = arith.constant 0 : i32
    return %arg0, %c0_i32 : i32, i32
  }
}

module attributes {stable_mosaic.version = 14 : i64} {
  func.func @_tc_mid_body(%arg0: i32, %arg1: memref<256x128xf32, #tpu.memory_space<vmem>>, %arg2: memref<256x128xf32, #tpu.memory_space<vmem>>, %arg3: memref<256x128xf32, #tpu.memory_space<vmem>>, %arg4: memref<256x16xf32, #tpu.memory_space<vmem>>, %arg5: memref<256x16xf32, #tpu.memory_space<vmem>>, %arg6: memref<1x128xf32, #tpu.memory_space<vmem>>, %arg7: memref<128x128xf32, #tpu.memory_space<vmem>>, %arg8: memref<256x128xf32, #tpu.memory_space<vmem>>) attributes {dimension_semantics = [#tpu.dimension_semantics<arbitrary>], iteration_bounds = array<i64: 40>, scalar_prefetch = 0 : i64, scratch_operands = 0 : i64, tpu.core_type = #tpu.core_type<tc>, window_params = [{transform_indices = @transform_0, window_bounds = array<i64: 256, 128>}, {transform_indices = @transform_1, window_bounds = array<i64: 256, 128>}, {transform_indices = @transform_2, window_bounds = array<i64: 256, 128>}, {transform_indices = @transform_3, window_bounds = array<i64: 256, 16>}, {transform_indices = @transform_4, window_bounds = array<i64: 256, 16>}, {pipeline_mode = #tpu.pipeline_mode<synchronous>, transform_indices = @transform_5, window_bounds = array<i64: 1, 128>}, {pipeline_mode = #tpu.pipeline_mode<synchronous>, transform_indices = @transform_6, window_bounds = array<i64: 128, 128>}, {transform_indices = @transform_7, window_bounds = array<i64: 256, 128>}]} {
    %get3A = arith.constant 0 : index
    %get3A_0 = arith.constant 0 : index
    %get3A_1 = vector.load %arg4[%get3A, %get3A_0] : memref<256x16xf32, #tpu.memory_space<vmem>>, vector<256x1xf32>
    %get3A_2 = arith.constant 0 : index
    %get3A_3 = arith.constant 0 : index
    %get3A_4 = vector.load %arg5[%get3A_2, %get3A_3] : memref<256x16xf32, #tpu.memory_space<vmem>>, vector<256x1xf32>
    %add3A = arith.addf %get3A_1, %get3A_4 : vector<256x1xf32>
    %add3A_5 = arith.constant 1.000000e+00 : f32
    %add3A_6 = vector.broadcast %add3A_5 : f32 to vector<256x1xf32>
    %add3A_7 = arith.addf %add3A, %add3A_6 : vector<256x1xf32>
    %rsqrt3A = math.rsqrt %add3A_7 : vector<256x1xf32>
    %get3A_8 = arith.constant 0 : index
    %get3A_9 = arith.constant 0 : index
    %get3A_10 = vector.load %arg1[%get3A_8, %get3A_9] : memref<256x128xf32, #tpu.memory_space<vmem>>, vector<256x128xf32>
    %get3A_11 = arith.constant 0 : index
    %get3A_12 = arith.constant 0 : index
    %get3A_13 = vector.load %arg2[%get3A_11, %get3A_12] : memref<256x128xf32, #tpu.memory_space<vmem>>, vector<256x128xf32>
    %add3A_14 = arith.addf %get3A_10, %get3A_13 : vector<256x128xf32>
    %get3A_15 = arith.constant 0 : index
    %get3A_16 = arith.constant 0 : index
    %get3A_17 = vector.load %arg3[%get3A_15, %get3A_16] : memref<256x128xf32, #tpu.memory_space<vmem>>, vector<256x128xf32>
    %add3A_18 = arith.addf %add3A_14, %get3A_17 : vector<256x128xf32>
    %mul3A = vector.broadcast %rsqrt3A : vector<256x1xf32> to vector<256x128xf32>
    %mul3A_19 = arith.mulf %add3A_18, %mul3A : vector<256x128xf32>
    %get3A_20 = arith.constant 0 : index
    %get3A_21 = arith.constant 0 : index
    %get3A_22 = vector.load %arg6[%get3A_20, %get3A_21] : memref<1x128xf32, #tpu.memory_space<vmem>>, vector<1x128xf32>
    %add3A_23 = vector.broadcast %get3A_22 : vector<1x128xf32> to vector<256x128xf32>
    %add3A_24 = arith.addf %mul3A_19, %add3A_23 : vector<256x128xf32>
    %max3A = arith.constant 0.000000e+00 : f32
    %max3A_25 = vector.broadcast %max3A : f32 to vector<256x128xf32>
    %max3A_26 = arith.maximumf %add3A_24, %max3A_25 : vector<256x128xf32>
    %get3A_27 = arith.constant 0 : index
    %get3A_28 = arith.constant 0 : index
    %get3A_29 = vector.load %arg7[%get3A_27, %get3A_28] : memref<128x128xf32, #tpu.memory_space<vmem>>, vector<128x128xf32>
    %dot_general3A = arith.constant dense<0.000000e+00> : vector<256x128xf32>
    %dot_general3A_30 = tpu.matmul %max3A_26, %get3A_29, %dot_general3A {dimension_numbers = #tpu.dot_dimension_numbers<[1], [0], [0], [1], [0, 0, 1, 1], [], []>, transpose_lhs_hint = false} : vector<256x128xf32>, vector<128x128xf32>, vector<256x128xf32> -> vector<256x128xf32>
    %mul3A_31 = vector.broadcast %rsqrt3A : vector<256x1xf32> to vector<256x128xf32>
    %mul3A_32 = arith.mulf %dot_general3A_30, %mul3A_31 : vector<256x128xf32>
    %swap3A = arith.constant 0 : index
    %swap3A_33 = arith.constant 0 : index
    %swap3A_34 = vector.load %arg8[%swap3A, %swap3A_33] : memref<256x128xf32, #tpu.memory_space<vmem>>, vector<256x128xf32>
    tpu.vector_store %arg8[%swap3A, %swap3A_33], %mul3A_32 {strides = array<i32>} : memref<256x128xf32, #tpu.memory_space<vmem>>, vector<256x128xf32>,
    return
  }
  func.func @transform_0(%arg0: i32) -> (i32, i32) {
    %c0_i32 = arith.constant 0 : i32
    %c0_i32_0 = arith.constant 0 : i32
    return %arg0, %c0_i32 : i32, i32
  }
  func.func @transform_1(%arg0: i32) -> (i32, i32) {
    %c0_i32 = arith.constant 0 : i32
    %c0_i32_0 = arith.constant 0 : i32
    return %arg0, %c0_i32 : i32, i32
  }
  func.func @transform_2(%arg0: i32) -> (i32, i32) {
    %c0_i32 = arith.constant 0 : i32
    %c0_i32_0 = arith.constant 0 : i32
    return %arg0, %c0_i32 : i32, i32
  }
  func.func @transform_3(%arg0: i32) -> (i32, i32) {
    %c0_i32 = arith.constant 0 : i32
    %c0_i32_0 = arith.constant 0 : i32
    return %arg0, %c0_i32 : i32, i32
  }
  func.func @transform_4(%arg0: i32) -> (i32, i32) {
    %c0_i32 = arith.constant 0 : i32
    %c0_i32_0 = arith.constant 0 : i32
    return %arg0, %c0_i32 : i32, i32
  }
  func.func @transform_5(%arg0: i32) -> (i32, i32) {
    %c0_i32 = arith.constant 0 : i32
    %c0_i32_0 = arith.constant 0 : i32
    %c0_i32_1 = arith.constant 0 : i32
    return %c0_i32, %c0_i32_0 : i32, i32
  }
  func.func @transform_6(%arg0: i32) -> (i32, i32) {
    %c0_i32 = arith.constant 0 : i32
    %c0_i32_0 = arith.constant 0 : i32
    %c0_i32_1 = arith.constant 0 : i32
    return %c0_i32, %c0_i32_0 : i32, i32
  }
  func.func @transform_7(%arg0: i32) -> (i32, i32) {
    %c0_i32 = arith.constant 0 : i32
    %c0_i32_0 = arith.constant 0 : i32
    return %arg0, %c0_i32 : i32, i32
  }
}

module attributes {stable_mosaic.version = 14 : i64} {
  func.func @_tc_fin_body(%arg0: i32, %arg1: memref<256x128xf32, #tpu.memory_space<vmem>>, %arg2: memref<256x128xf32, #tpu.memory_space<vmem>>, %arg3: memref<256x128xf32, #tpu.memory_space<vmem>>, %arg4: memref<256x16xf32, #tpu.memory_space<vmem>>, %arg5: memref<256x16xf32, #tpu.memory_space<vmem>>, %arg6: memref<1x128xf32, #tpu.memory_space<vmem>>, %arg7: memref<256x128xf32, #tpu.memory_space<vmem>>) attributes {dimension_semantics = [#tpu.dimension_semantics<arbitrary>], iteration_bounds = array<i64: 40>, scalar_prefetch = 0 : i64, scratch_operands = 0 : i64, tpu.core_type = #tpu.core_type<tc>, window_params = [{transform_indices = @transform_0, window_bounds = array<i64: 256, 128>}, {transform_indices = @transform_1, window_bounds = array<i64: 256, 128>}, {transform_indices = @transform_2, window_bounds = array<i64: 256, 128>}, {transform_indices = @transform_3, window_bounds = array<i64: 256, 16>}, {transform_indices = @transform_4, window_bounds = array<i64: 256, 16>}, {pipeline_mode = #tpu.pipeline_mode<synchronous>, transform_indices = @transform_5, window_bounds = array<i64: 1, 128>}, {transform_indices = @transform_6, window_bounds = array<i64: 256, 128>}]} {
    %get3A = arith.constant 0 : index
    %get3A_0 = arith.constant 0 : index
    %get3A_1 = vector.load %arg4[%get3A, %get3A_0] : memref<256x16xf32, #tpu.memory_space<vmem>>, vector<256x1xf32>
    %get3A_2 = arith.constant 0 : index
    %get3A_3 = arith.constant 0 : index
    %get3A_4 = vector.load %arg5[%get3A_2, %get3A_3] : memref<256x16xf32, #tpu.memory_space<vmem>>, vector<256x1xf32>
    %add3A = arith.addf %get3A_1, %get3A_4 : vector<256x1xf32>
    %add3A_5 = arith.constant 1.000000e+00 : f32
    %add3A_6 = vector.broadcast %add3A_5 : f32 to vector<256x1xf32>
    %add3A_7 = arith.addf %add3A, %add3A_6 : vector<256x1xf32>
    %rsqrt3A = math.rsqrt %add3A_7 : vector<256x1xf32>
    %get3A_8 = arith.constant 0 : index
    %get3A_9 = arith.constant 0 : index
    %get3A_10 = vector.load %arg1[%get3A_8, %get3A_9] : memref<256x128xf32, #tpu.memory_space<vmem>>, vector<256x128xf32>
    %get3A_11 = arith.constant 0 : index
    %get3A_12 = arith.constant 0 : index
    %get3A_13 = vector.load %arg2[%get3A_11, %get3A_12] : memref<256x128xf32, #tpu.memory_space<vmem>>, vector<256x128xf32>
    %add3A_14 = arith.addf %get3A_10, %get3A_13 : vector<256x128xf32>
    %get3A_15 = arith.constant 0 : index
    %get3A_16 = arith.constant 0 : index
    %get3A_17 = vector.load %arg3[%get3A_15, %get3A_16] : memref<256x128xf32, #tpu.memory_space<vmem>>, vector<256x128xf32>
    %add3A_18 = arith.addf %add3A_14, %get3A_17 : vector<256x128xf32>
    %mul3A = vector.broadcast %rsqrt3A : vector<256x1xf32> to vector<256x128xf32>
    %mul3A_19 = arith.mulf %add3A_18, %mul3A : vector<256x128xf32>
    %get3A_20 = arith.constant 0 : index
    %get3A_21 = arith.constant 0 : index
    %get3A_22 = vector.load %arg6[%get3A_20, %get3A_21] : memref<1x128xf32, #tpu.memory_space<vmem>>, vector<1x128xf32>
    %add3A_23 = vector.broadcast %get3A_22 : vector<1x128xf32> to vector<256x128xf32>
    %add3A_24 = arith.addf %mul3A_19, %add3A_23 : vector<256x128xf32>
    %max3A = arith.constant 0.000000e+00 : f32
    %max3A_25 = vector.broadcast %max3A : f32 to vector<256x128xf32>
    %max3A_26 = arith.maximumf %add3A_24, %max3A_25 : vector<256x128xf32>
    %swap3A = arith.constant 0 : index
    %swap3A_27 = arith.constant 0 : index
    %swap3A_28 = vector.load %arg7[%swap3A, %swap3A_27] : memref<256x128xf32, #tpu.memory_space<vmem>>, vector<256x128xf32>
    tpu.vector_store %arg7[%swap3A, %swap3A_27], %max3A_26 {strides = array<i32>} : memref<256x128xf32, #tpu.memory_space<vmem>>, vector<256x128xf32>,
    return
  }
  func.func @transform_0(%arg0: i32) -> (i32, i32) {
    %c0_i32 = arith.constant 0 : i32
    %c0_i32_0 = arith.constant 0 : i32
    return %arg0, %c0_i32 : i32, i32
  }
  func.func @transform_1(%arg0: i32) -> (i32, i32) {
    %c0_i32 = arith.constant 0 : i32
    %c0_i32_0 = arith.constant 0 : i32
    return %arg0, %c0_i32 : i32, i32
  }
  func.func @transform_2(%arg0: i32) -> (i32, i32) {
    %c0_i32 = arith.constant 0 : i32
    %c0_i32_0 = arith.constant 0 : i32
    return %arg0, %c0_i32 : i32, i32
  }
  func.func @transform_3(%arg0: i32) -> (i32, i32) {
    %c0_i32 = arith.constant 0 : i32
    %c0_i32_0 = arith.constant 0 : i32
    return %arg0, %c0_i32 : i32, i32
  }
  func.func @transform_4(%arg0: i32) -> (i32, i32) {
    %c0_i32 = arith.constant 0 : i32
    %c0_i32_0 = arith.constant 0 : i32
    return %arg0, %c0_i32 : i32, i32
  }
  func.func @transform_5(%arg0: i32) -> (i32, i32) {
    %c0_i32 = arith.constant 0 : i32
    %c0_i32_0 = arith.constant 0 : i32
    %c0_i32_1 = arith.constant 0 : i32
    return %c0_i32, %c0_i32_0 : i32, i32
  }
  func.func @transform_6(%arg0: i32) -> (i32, i32) {
    %c0_i32 = arith.constant 0 : i32
    %c0_i32_0 = arith.constant 0 : i32
    return %arg0, %c0_i32 : i32, i32
  }
}

</mosaic_0001>

<sc_bundles>
// kernel: kernel.11.cloned.1.call-start
scs
__scs_entry_jumppad:
0x0: {  	(pc) =	sbr.rel $0x88, $3  }
0x1: {  	(tag) =	ssettag $0x0;
	lr =	simm.s32 $0x1  }
0x2: {  	[smem:$0x3F9B] =	sst lr;
	_ =	strace $0xD0000000  }
0x3: {  	_ = 	snop  }
0x4: {  	_ = 	snop  }
0x5: {  	_ = 	snop  }
0x6: {  	_ = 	snop  }
0x7: {  	_ = 	snop  }
__scs_overlays_trampoline_lowered:
0x8: {  	[smem:$0x3FAA] =	sst s0  }
0x9: {  	[smem:$0x3FAB] =	sst s1  }
0xa: {  	[smem:$0x3FAC] =	sst s2  }
0xb: {  	[smem:$0x3FAD] =	sst s3  }
0xc: {  	[smem:$0x3FAE] =	sst s4  }
0xd: {  	[smem:$0x3FAF] =	sst s5  }
0xe: {  	[smem:$0x3FB0] =	sst s6  }
0xf: {  	[smem:$0x3FB1] =	sst s7  }
0x10: {  	[smem:$0x3FB2] =	sst s8  }
0x11: {  	[smem:$0x3FB3] =	sst s9;
	s0 =	simm.s32 @!p0 $0x0  }
0x12: {  	s1 =	sld [smem:$0x3F99];
	s0 =	simm.s32 @p0 $0x1  }
0x13: {  	[smem:$0x3FB4] =	sst s0;
	s0 =	simm.s32 @!p1 $0x0  }
0x14: {  	s2 =	sld [smem:$0x3F98];
	s0 =	simm.s32 @p1 $0x1  }
0x15: {  	[smem:$0x3FB5] =	sst s0;
	s0 =	simm.s32 @!p2 $0x0  }
0x16: {  	s3 =	sld [smem:$0x3FDB];
	s0 =	simm.s32 @p2 $0x1  }
0x17: {  	s4 =	simm.s32 $0x1BF5;
	[smem:$0x3FB7] =	sst s0  }
0x18: {  	s0 =	sld [smem:$0x3F9A];
	_ =	swait.ge [sflag:s4], $0x0  }
0x19: {  	s7 =	sld [smem:$0x3F9B]  }
0x1a: {  	s8 =	sadd.s32 $0xFFFFE003, lr  }
0x1b: {  	s9 =	sadd.s32 $0xFFFFFEF7, lr;
	s5 =	simm.s32 $0xFFFFFFFF;
	p2 =	slt.u32 s8, $0xFFFFF086  }
0x1c: {  	p1 =	slt.u32 s9, $0xF7A;
	s5 =	simm.s32 @!p2 $0x0  }
0x1d: {  	s5 =	simm.s32 @p1 $0x1;
	p0 =	seq.s32 s7, s2  }
0x1e: {  	s7 =	smul.u32 @!p0 $0xF7A, s2;
	p2 =	seq.s32 @!p0 s5, $0x0  }
0x1f: {  	s9 =	smul.u32 $0xF7A, s1;
	s8 =	simm.s32 @!p0 $0x1BF5;
	p2 =	por !p2, p0  }
0x20: {  	[sflag:s8] =	ssyncset.s32 @!p0 $0xFFFFF086;
	s6 =	sadd.s32 @!p0 s3, s7;
	s7 =	simm.s32 @!p0 $0x108  }
0x21: {  	s3 =	sadd.s32 s3, s9;
	s6 =	sadd.s32 @!p0 $0x88, s6;
	s7 =	simm.s32 @p2 $0x1082  }
0x22: {  	[simem:s7], [sflag:s8] =	dma.local @!p0 [hbm:s6], $0xF7A  }
0x23: {  	s9 =	sor.u32 $0xD0000000, s2;
	s6 =	simm.s32 $0x108;
	_ =	swait.ge @!p0 [sflag:s8], $0x0  }
0x24: {  	s3 =	sadd.s32 $0x88, s3;
	s6 =	simm.s32 @!p1 $0x1082;
	[sflag:s4] =	ssyncset.s32 $0xFFFFF086  }
0x25: {  	[simem:s6], [sflag:s4] =	dma.local [hbm:s3], $0xF7A  }
0x26: {  	[smem:$0x3F9B] =	sst s1;
	(tag) =	ssettag s2;
	_ =	strace s9  }
0x27: {  	s1 =	sld [smem:$0x3FAB]  }
0x28: {  	s2 =	sld [smem:$0x3FAC]  }
0x29: {  	s4 =	sld [smem:$0x3FAE]  }
0x2a: {  	p0 =	seq.s32 s5, $0x0;
	s5 =	sld [smem:$0x3FAF]  }
0x2b: {  	s6 =	sld [smem:$0x3FB0]  }
0x2c: {  	s7 =	sld [smem:$0x3FB1]  }
0x2d: {  	s3 =	simm.s32 $0x108;
	s8 =	sld [smem:$0x3FB2]  }
0x2e: {  	s3 =	simm.s32 @!p0 $0x1082;
	s9 =	sld [smem:$0x3FB3]  }
0x2f: {  	lr =	sadd.s32 s0, s3;
	s0 =	sld [smem:$0x3FAA]  }
0x30: {  	s3 =	sld [smem:$0x3FAD]  }
0x31: {  	[smem:$0x3FB6] =	sst s10  }
0x32: {  	s10 =	sld [smem:$0x3FB4];
	_ =	sdelay $0x3  }
0x33: {  	p0 =	seq.s32 s10, $0x1;
	s10 =	sld [smem:$0x3FB6];
	_ =	sdelay $0x3  }
0x34: {  	[smem:$0x3FB6] =	sst s10  }
0x35: {  	s10 =	sld [smem:$0x3FB5];
	_ =	sdelay $0x3  }
0x36: {  	p1 =	seq.s32 s10, $0x1;
	s10 =	sld [smem:$0x3FB6];
	_ =	sdelay $0x3  }
0x37: {  	[smem:$0x3FB6] =	sst s10  }
0x38: {  	s10 =	sld [smem:$0x3FB7]  }
0x39: {  	_ = 	snop;
	(pc) =	sbr.ind lr, $3  }
0x3a: {  	_ = 	snop  }
0x3b: {  	_ = 	snop  }
0x3c: {  	p2 =	seq.s32 s10, $0x1;
	s10 =	sld [smem:$0x3FB6]  }
0x3d: {  	_ =	shalt  }
0x3e: {  	_ =	shalt  }
0x3f: {  	_ =	shalt  }
0x40: {  	_ =	shalt  }
0x41: {  	_ =	shalt  }
0x42: {  	_ =	shalt  }
0x43: {  	_ =	shalt  }
0x44: {  	_ =	shalt  }
0x45: {  	_ =	shalt  }
0x46: {  	_ =	shalt  }
0x47: {  	_ =	shalt  }
0x48: {  	_ =	shalt  }
0x49: {  	_ =	shalt  }
0x4a: {  	_ =	shalt  }
0x4b: {  	_ =	shalt  }
0x4c: {  	_ =	shalt  }
0x4d: {  	_ =	shalt  }
0x4e: {  	_ =	shalt  }
0x4f: {  	_ =	shalt  }
0x50: {  	_ =	shalt  }
0x51: {  	_ =	shalt  }
0x52: {  	_ =	shalt  }
0x53: {  	_ =	shalt  }
0x54: {  	_ =	shalt  }
0x55: {  	_ =	shalt  }
0x56: {  	_ =	shalt  }
0x57: {  	_ =	shalt  }
0x58: {  	_ =	shalt  }
0x59: {  	_ =	shalt  }
0x5a: {  	_ =	shalt  }
0x5b: {  	_ =	shalt  }
0x5c: {  	_ =	shalt  }
0x5d: {  	_ =	shalt  }
0x5e: {  	_ =	shalt  }
0x5f: {  	_ =	shalt  }
0x60: {  	_ =	shalt  }
0x61: {  	_ =	shalt  }
0x62: {  	_ =	shalt  }
0x63: {  	_ =	shalt  }
0x64: {  	_ =	shalt  }
0x65: {  	_ =	shalt  }
0x66: {  	_ =	shalt  }
0x67: {  	_ =	shalt  }
0x68: {  	_ =	shalt  }
0x69: {  	_ =	shalt  }
0x6a: {  	_ =	shalt  }
0x6b: {  	_ =	shalt  }
0x6c: {  	_ =	shalt  }
0x6d: {  	_ =	shalt  }
0x6e: {  	_ =	shalt  }
0x6f: {  	_ =	shalt  }
0x70: {  	_ =	shalt  }
0x71: {  	_ =	shalt  }
0x72: {  	_ =	shalt  }
0x73: {  	_ =	shalt  }
0x74: {  	_ =	shalt  }
0x75: {  	_ =	shalt  }
0x76: {  	_ =	shalt  }
0x77: {  	_ =	shalt  }
0x78: {  	_ =	shalt  }
0x79: {  	_ =	shalt  }
0x7a: {  	_ =	shalt  }
0x7b: {  	_ =	shalt  }
0x7c: {  	_ =	shalt  }
0x7d: {  	_ =	shalt  }
0x7e: {  	_ =	shalt  }
0x7f: {  	_ =	shalt  }
0x80: {  	_ =	shalt  }
0x81: {  	_ =	shalt  }
0x82: {  	_ =	shalt  }
0x83: {  	_ =	shalt  }
0x84: {  	_ =	shalt  }
0x85: {  	_ =	shalt  }
0x86: {  	_ =	shalt  }
0x87: {  	_ =	shalt  }
.Lfunc_end0:
.L_simem_size_0:
called_computation.1_lowered:
.L_overlay_start_0:
0x88: {  	s2 =	sld [smem:$0x3FD9]  }
0x89: {  	s3 =	sld [smem:$0x3FFE];
	_ =	sdelay $0x1  }
0x8a: {  	s1 =	srdreg.scid  }
0x8b: {  	s0 =	sand.u32 $0x1, s1  }
0x8c: {  	s17 =	sshll.u32 s0, $0xA;
	s2 =	sadd.s32 s3, s2  }
0x8d: {  	s2 =	sadd.s32 s2, s17  }
0x8e: {  	[smem:$0x3FC2] =	sst s2  }
0x8f: {  	_ = 	snop  }
0x90: {  	s2 =	sld [smem:$0x3FD0];
	(tm) =	ssettm $0x1  }
0x91: {  	s18 =	sld [smem:$0x3FFB];
	_ =	sdelay $0x3  }
0x92: {  	_ =	strace s18  }
0x93: {  	s3 =	sld [smem:$0x3FFC];
	_ =	sdelay $0x3  }
0x94: {  	_ =	strace s3  }
0x95: {  	s3 =	sld [smem:$0x3FFD];
	_ =	sdelay $0x3  }
0x96: {  	_ =	strace s3  }
0x97: {  	_ =	strace $0x8FFFFFFF  }
0x98: {  	s19 =	sld [smem:$0x3FDB];
	_ =	sdelay $0x1  }
0x99: {  	s4 =	simm.s32 $_scs_section_size  }
0x9a: {  	s5 =	simm.s32 $_size__tile_overlayer_lowered;
	s6 =	simm.s32 $_tile_overlayer_lowered  }
0x9b: {  	s22 =	simm.s32 $0x1BFF;
	s21 =	sshll.u32 s6, $0x1;
	s3 =	sadd.s32 s4, s19  }
0x9c: {  	s7 =	simm.s32 $0x0;
	s20 =	sshll.u32 s5, $0x1;
	s5 =	sadd.s32 s21, s3  }
0x9d: {  	[timem:s7], [sflag:s22] =	dma.local [hbm:s5], s20  }
0x9e: {  	_ =	swait.ge [sflag:s22], s20  }
0x9f: {  	s4 =	ssub.s32 $0x0, s20;
	[sflag:s22] =	ssyncset.done $0x0  }
0xa0: {  	[sflag:s22] =	ssyncadd.s32 s4;
	_ =	sdelay $0x1  }
0xa1: {  	s23 =	simm.s32 $0x1B8B  }
0xa2: {  	_ =	swait.ge [sflag:s23], $0x1  }
0xa3: {  	[sflag:s23] =	ssyncset.done $0x0  }
0xa4: {  	s25 =	simm.s32 $0x1B8E;
	s24 =	sld [smem:$0x3FFE];
	[sflag:s23] =	ssyncadd.s32 $0xFFFFFFFF  }
0xa5: {  	s26 =	simm.s32 $execute0_lowered;
	[smem:$0x3FD2] =	sst s25  }
0xa6: {  	s5 =	sshll.u32 s26, $0x1;
	_ =	strace $0x80000049;
	[dreg:$0x1] =	wrdreg $0xFFFFFFFF  }
0xa7: {  	s28 =	simm.s32 $_size_execute0_lowered;
	s3 =	sadd.s32 s3, s5;
	[dreg:$0x0] =	wrdreg $0x0  }
0xa8: {  	s5 =	sshll.u32 s28, $0x1;
	[dreg:$0x2] =	wrdreg s3  }
0xa9: {  	[dreg:$0x3] =	wrdreg s5  }
0xaa: {  	[dreg:$0x4] =	wrdreg $0xC0  }
0xab: {  	_ =	task [dreg:s7], $0x5FFFF  }
0xac: {  	[dreg:$0x1] =	wrdreg $0xFFFFFFFF  }
0xad: {  	[dreg:$0x0] =	wrdreg $0x60  }
0xae: {  	[dreg:$0x2] =	wrdreg s24  }
0xaf: {  	[dreg:$0x3] =	wrdreg s2  }
0xb0: {  	[dreg:$0x4] =	wrdreg $0x88000  }
0xb1: {  	[dreg:$0x5] =	wrdreg $0x9  }
0xb2: {  	_ =	task.clear_ibuf [dreg:s7], $0x6FFFF;
	_ =	strace $0x90000049  }
0xb3: {  	s29 =	simm.s32 $0x9;
	_ =	strace $0x8000004B  }
0xb4: {  	_ =	swait.ge [sflag:s29], $0x1  }
0xb5: {  	[sflag:s29] =	ssyncadd.s32 $0xFFFFFFFF  }
0xb6: {  	_ =	strace $0x9000004B  }
0xb7: {  	_ =	sfence  }
0xb8: {  	s30 =	sld [smem:$0x0];
	_ =	sdelay $0x2  }
0xb9: {  	s31 =	sshll.u32 s1, $0xD;
	s1 =	sshrl.u32 s1, $0x2  }
0xba: {  	s3 =	sand.u32 $0x4000, s31;
	s1 =	sadd.s32 s1, s30  }
0xbb: {  	s0 =	sor.u32 s3, s0;
	s1 =	sshll.u32 s1, $0x11  }
0xbc: {  	s0 =	sor.u32 s1, s0  }
0xbd: {  	s0 =	sadd.s32 $0x8F2B, s0  }
0xbe: {  	[sflag:s0] =	ssyncadd.remote.s32 $0x1  }
0xbf: {  	_ =	sfence.sel $0xFFFF  }
0xc0: {  	[dreg:$0x0] =	wrdreg $0xFFFFFFFF;
	(pc) =	sbr.abs _section_cstart, $3  }
0xc1: {  	[dreg:$0x1] =	wrdreg $0xFFFFFFFF  }
0xc2: {  	_ =	task.clear_ibuf [dreg:s7], $0x2FFFF;
	_ =	strace $0x9FFFFFFF  }
0xc3: {  	(tm) =	ssettm $0x7FFFFFFF  }
tec
execute0_lowered:
.L_overlay_start_1:
0x0: {  	(tag) =	ssettag $0x1  }
0x1: {  	s1 =	rddreg [dreg:$0x0]  }
0x2: {  	s0 =	srdreg.scid;
	s7 =	rddreg [dreg:$0x1]  }
0x3: {  	s10 =	stileid.u32;
	s2 =	rddreg [dreg:$0x2];
	s28 =	simm.s32 $0x1  }
0x4: {  	s29 =	simm.s32 $0x4800;
	s30 =	simm.s32 $0x480;
	s0 =	sand.u32 $0x1, s0  }
0x5: {  	s31 =	simm.s32 $0x2;
	s6 =	smul.u32 $0x50000, s10;
	s3 =	sshll.u32 s0, $0x4  }
0x6: {  	s5 =	smul.u32 $0x28000, s0;
	s0 =	ssub.s32 $0x2, s0;
	s4 =	sor.u32 s10, s3  }
0x7: {  	s3 =	simm.s32 $0x0;
	s25 =	sshrl.u32 s0, $0x1;
	s10 =	smul.u32 $0x14000, s10  }
0x8: {  	s6 =	sshrl.u32 s6, $0x2;
	s8 =	smul.u32 $0x500, s4;
	[smem:$0x7FF] =	sst s3  }
0x9: {  	s4 =	sadd.s32 $0x66600, s1;
	s0 =	ssub.s32 s0, s25;
	s26 =	sadd.s32 s6, s2  }
0xa: {  	_ =	strace $0x8000004A;
	s11 =	sadd.s32 s10, s2;
	[dreg:$0x4] =	wrdreg s26  }
0xb: {  	s0 =	smax.u32 s0, $0x1;
	s12 =	sadd.s32 $0x4000, s26;
	[dreg:$0x5] =	wrdreg s11  }
0xc: {  	s13 =	sadd.s32 $0x8000, s26;
	s14 =	sadd.s32 $0xC000, s26;
	[dreg:$0x6] =	wrdreg s0  }
0xd: {  	s15 =	sadd.s32 $0x10000, s26;
	s16 =	sshrl.u32 s10, $0x3;
	[dreg:$0x7] =	wrdreg s12  }
0xe: {  	s17 =	sadd.s32 $0x4000, s10;
	s18 =	sadd.s32 $0x8000, s10;
	[dreg:$0x8] =	wrdreg s13  }
0xf: {  	s9 =	sadd.s32 s8, s1;
	s1 =	sadd.s32 s5, s1;
	[dreg:$0x9] =	wrdreg s14  }
0x10: {  	s7 =	sadd.s32 s7, s8;
	[dreg:$0xa] =	wrdreg s15;
	s19 =	sadd.s32 s17, s2  }
0x11: {  	s8 =	sshrl.u32 s17, $0x3;
	s20 =	sadd.s32 s18, s2;
	s11 =	sadd.s32 $0xC000, s10  }
0x12: {  	s10 =	sadd.s32 $0x10000, s10;
	s12 =	simm.s32 $0x280;
	s13 =	simm.s32 $0x680  }
0x13: {  	s14 =	simm.s32 $0x300;
	s15 =	simm.s32 $0x700;
	s17 =	simm.s32 $0x780  }
0x14: {  	s6 =	sadd.s32 $0xC600, s9;
	s1 =	sadd.s32 $0x8E600, s1;
	[dreg:$0xb] =	wrdreg s19  }
0x15: {  	[dreg:$0xc] =	wrdreg s20;
	s9 =	sshrl.u32 s18, $0x3;
	s21 =	sadd.s32 s11, s2  }
0x16: {  	s11 =	sshrl.u32 s11, $0x3;
	s22 =	sadd.s32 s10, s2;
	s10 =	sshrl.u32 s10, $0x3  }
0x17: {  	s18 =	simm.s32 $0x800;
	s19 =	simm.s32 $0x3;
	[dreg:$0xd] =	wrdreg s21  }
0x18: {  	s20 =	simm.s32 $0x0;
	[dreg:$0xe] =	wrdreg s22;
	s0 =	sadd.s32 s16, s1  }
0x19: {  	s23 =	sadd.s32 s8, s1;
	s24 =	sadd.s32 s9, s1;
	[dreg:$0xf] =	wrdreg s0  }
0x1a: {  	s25 =	sadd.s32 s11, s1;
	s26 =	sadd.s32 s10, s1;
	[dreg:$0x10] =	wrdreg s23  }
0x1b: {  	s1 =	simm.s32 $0x100;
	s8 =	simm.s32 $0x180;
	[dreg:$0x11] =	wrdreg s24  }
0x1c: {  	s9 =	simm.s32 $0x580;
	s10 =	simm.s32 $0x200;
	[dreg:$0x12] =	wrdreg s25  }
0x1d: {  	s11 =	simm.s32 $0x600;
	s16 =	simm.s32 $0x380;
	[dreg:$0x13] =	wrdreg s26  }
0x1e: {  	v0 =	vimm.f32 $0.0e+00;
	s25 =	simm.s32 $0x400;
	s26 =	simm.s32 $0x80;
	s0 =	simm.s32 $0x500  }
.LBB2_1:
0x1f: {  	s21 =	sand.u32 $0xFE00, s3  }
0x20: {  	s22 =	sand.u32 $0x70, s3;
	s23 =	sshrl.u32 s21, $0x2  }
0x21: {  	s21 =	simm.s32 $0x40;
	s23 =	sor.u32 s22, s23;
	s22 =	simm.s32 $0x0  }
.LBB2_2:
0x22: {  	p0 =	sne.s32 s21, $0xFFC0  }
0x23: {  	[tilespmem:s23+$0x800] =	vst v0;
	s22 =	sadd.s32 $0x10, s22;
	s23 =	smov.u32 s21;
	s21 =	sadd.s32 $0x40, s21  }
.Ltmp0:
0x24: {  	(pc) =	sbr.rel @p0 .LBB2_2-.Ltmp0, $4  }
0x25: {  	_ = 	snop  }
0x26: {  	s23 =	sand.u32 $0xFE00, s23  }
0x27: {  	s24 =	sand.u32 $0x70, s22;
	s23 =	sshrl.u32 s23, $0x2  }
0x28: {  	s23 =	sor.u32 s24, s23  }
0x29: {  	[tilespmem:s23+$0x800] =	vst v0;
	s5 =	rddreg [dreg:$0x4]  }
0x2a: {  	[spmem:s5] =	stream.linear.scatter [tilespmem:s18], [sflag:$0x3], $0x4000, $0x38;
	[tilespmem:$0x1C800] =	vst v63  }
0x2b: {  	_ =	swait.ge [sflag:s19], $0x4000  }
0x2c: {  	[sflag:s19] =	ssyncset.done $0x0  }
0x2d: {  	s24 =	rddreg [dreg:$0x7];
	[sflag:s19] =	ssyncadd.s32 $0xFFFFC000  }
0x2e: {  	[spmem:s24] =	stream.linear.scatter [tilespmem:s18], [sflag:$0x3], $0x4000, $0x38;
	[tilespmem:$0x1C800] =	vst v63  }
0x2f: {  	_ =	swait.ge [sflag:s19], $0x4000  }
0x30: {  	[sflag:s19] =	ssyncset.done $0x0  }
0x31: {  	s21 =	rddreg [dreg:$0x8];
	[sflag:s19] =	ssyncadd.s32 $0xFFFFC000  }
0x32: {  	[spmem:s21] =	stream.linear.scatter [tilespmem:s18], [sflag:$0x3], $0x4000, $0x38;
	[tilespmem:$0x1C800] =	vst v63  }
0x33: {  	_ =	swait.ge [sflag:s19], $0x4000  }
0x34: {  	[sflag:s19] =	ssyncset.done $0x0  }
0x35: {  	s22 =	rddreg [dreg:$0x9];
	[sflag:s19] =	ssyncadd.s32 $0xFFFFC000  }
0x36: {  	[spmem:s22] =	stream.linear.scatter [tilespmem:s18], [sflag:$0x3], $0x4000, $0x38;
	[tilespmem:$0x1C800] =	vst v63  }
0x37: {  	_ =	swait.ge [sflag:s19], $0x4000  }
0x38: {  	[sflag:s19] =	ssyncset.done $0x0  }
0x39: {  	s23 =	rddreg [dreg:$0xa];
	[sflag:s19] =	ssyncadd.s32 $0xFFFFC000  }
0x3a: {  	[spmem:s23] =	stream.linear.scatter [tilespmem:s18], [sflag:$0x3], $0x4000, $0x38;
	[tilespmem:$0x1C800] =	vst v63  }
0x3b: {  	_ =	swait.ge [sflag:s19], $0x4000  }
0x3c: {  	[sflag:s19] =	ssyncset.done $0x0  }
0x3d: {  	[sflag:s19] =	ssyncadd.s32 $0xFFFFC000  }
0x3e: {  	s21 =	sadd.s32 $0x0, s6;
	[bflag:$0x0] =	sbarrier.arrive $0xFFFF  }
0x3f: {  	[tilespmem:s3], [sflag:$0x3] =	stream.linear.gather [hbm4b:s21+s3], $0x400, $0x38;
	[tilespmem:$0x1C800] =	vst v63  }
0x40: {  	_ =	swait.ge [sflag:s19], $0x400  }
0x41: {  	[sflag:s19] =	ssyncset.done $0x0  }
0x42: {  	s24 =	sadd.s32 $0x0, s7;
	[sflag:s19] =	ssyncadd.s32 $0xFFFFFC00  }
0x43: {  	[tilespmem:s25], [sflag:$0x3] =	stream.linear.gather [hbm4b:s24+s3], $0x400, $0x38;
	[tilespmem:$0x1C800] =	vst v63  }
0x44: {  	_ =	swait.ge [sflag:s19], $0x400  }
0x45: {  	[sflag:s19] =	ssyncset.done $0x0  }
0x46: {  	[sflag:s19] =	ssyncadd.s32 $0xFFFFFC00  }
0x47: {  	[tilespmem:s18], [sflag:$0x1] =	stream.indirect.gather [hbm4b:s4+s26], $0x80, s3, s26, $0xb8;
	[tilespmem:$0x1C800] =	vst v63  }
0x48: {  	_ =	swait.ge [sflag:s28], $0x4000  }
0x49: {  	[sflag:s28] =	ssyncset.done $0x0  }
0x4a: {  	[sflag:s28] =	ssyncadd.s32 $0xFFFFC000  }
0x4b: {  	[spmem:s2] =	stream.indirect.scatter.add.f32 [tilespmem:s18], [sflag:$0x2], $0x80, s25, s26, $0xb8;
	[tilespmem:$0x1C800] =	vst v63  }
0x4c: {  	_ = 	snop  }
0x4d: {  	[tilespmem:s29], [sflag:$0x1] =	stream.indirect.gather [hbm4b:s4+s26], $0x80, s26, s26, $0xb8;
	[tilespmem:$0x1C800] =	vst v63  }
0x4e: {  	_ =	swait.ge [sflag:s28], $0x4000  }
0x4f: {  	[sflag:s28] =	ssyncset.done $0x0  }
0x50: {  	[sflag:s28] =	ssyncadd.s32 $0xFFFFC000  }
0x51: {  	[spmem:s2] =	stream.indirect.scatter.add.f32 [tilespmem:s29], [sflag:$0x2], $0x80, s30, s26, $0xb8;
	[tilespmem:$0x1C800] =	vst v63  }
0x52: {  	_ =	swait.ge [sflag:s31], $0x4000  }
0x53: {  	[sflag:s31] =	ssyncset.done $0x0  }
0x54: {  	[sflag:s31] =	ssyncadd.s32 $0xFFFFC000  }
0x55: {  	[tilespmem:s18], [sflag:$0x1] =	stream.indirect.gather [hbm4b:s4+s26], $0x80, s1, s26, $0xb8;
	[tilespmem:$0x1C800] =	vst v63  }
0x56: {  	_ =	swait.ge [sflag:s28], $0x4000  }
0x57: {  	[sflag:s28] =	ssyncset.done $0x0  }
0x58: {  	[sflag:s28] =	ssyncadd.s32 $0xFFFFC000  }
0x59: {  	[spmem:s2] =	stream.indirect.scatter.add.f32 [tilespmem:s18], [sflag:$0x2], $0x80, s0, s26, $0xb8;
	[tilespmem:$0x1C800] =	vst v63  }
0x5a: {  	_ =	swait.ge [sflag:s31], $0x4000  }
0x5b: {  	[sflag:s31] =	ssyncset.done $0x0  }
0x5c: {  	[sflag:s31] =	ssyncadd.s32 $0xFFFFC000  }
0x5d: {  	[tilespmem:s29], [sflag:$0x1] =	stream.indirect.gather [hbm4b:s4+s26], $0x80, s8, s26, $0xb8;
	[tilespmem:$0x1C800] =	vst v63  }
0x5e: {  	_ =	swait.ge [sflag:s28], $0x4000  }
0x5f: {  	[sflag:s28] =	ssyncset.done $0x0  }
0x60: {  	[sflag:s28] =	ssyncadd.s32 $0xFFFFC000  }
0x61: {  	[spmem:s2] =	stream.indirect.scatter.add.f32 [tilespmem:s29], [sflag:$0x2], $0x80, s9, s26, $0xb8;
	[tilespmem:$0x1C800] =	vst v63  }
0x62: {  	_ =	swait.ge [sflag:s31], $0x4000  }
0x63: {  	[sflag:s31] =	ssyncset.done $0x0  }
0x64: {  	[sflag:s31] =	ssyncadd.s32 $0xFFFFC000  }
0x65: {  	[tilespmem:s18], [sflag:$0x1] =	stream.indirect.gather [hbm4b:s4+s26], $0x80, s10, s26, $0xb8;
	[tilespmem:$0x1C800] =	vst v63  }
0x66: {  	_ =	swait.ge [sflag:s28], $0x4000  }
0x67: {  	[sflag:s28] =	ssyncset.done $0x0  }
0x68: {  	[sflag:s28] =	ssyncadd.s32 $0xFFFFC000  }
0x69: {  	[spmem:s2] =	stream.indirect.scatter.add.f32 [tilespmem:s18], [sflag:$0x2], $0x80, s11, s26, $0xb8;
	[tilespmem:$0x1C800] =	vst v63  }
0x6a: {  	_ =	swait.ge [sflag:s31], $0x4000  }
0x6b: {  	[sflag:s31] =	ssyncset.done $0x0  }
0x6c: {  	[sflag:s31] =	ssyncadd.s32 $0xFFFFC000  }
0x6d: {  	[tilespmem:s29], [sflag:$0x1] =	stream.indirect.gather [hbm4b:s4+s26], $0x80, s12, s26, $0xb8;
	[tilespmem:$0x1C800] =	vst v63  }
0x6e: {  	_ =	swait.ge [sflag:s28], $0x4000  }
0x6f: {  	[sflag:s28] =	ssyncset.done $0x0  }
0x70: {  	[sflag:s28] =	ssyncadd.s32 $0xFFFFC000  }
0x71: {  	[spmem:s2] =	stream.indirect.scatter.add.f32 [tilespmem:s29], [sflag:$0x2], $0x80, s13, s26, $0xb8;
	[tilespmem:$0x1C800] =	vst v63  }
0x72: {  	_ =	swait.ge [sflag:s31], $0x4000  }
0x73: {  	[sflag:s31] =	ssyncset.done $0x0  }
0x74: {  	[sflag:s31] =	ssyncadd.s32 $0xFFFFC000  }
0x75: {  	[tilespmem:s18], [sflag:$0x1] =	stream.indirect.gather [hbm4b:s4+s26], $0x80, s14, s26, $0xb8;
	[tilespmem:$0x1C800] =	vst v63  }
0x76: {  	_ =	swait.ge [sflag:s28], $0x4000  }
0x77: {  	[sflag:s28] =	ssyncset.done $0x0  }
0x78: {  	[sflag:s28] =	ssyncadd.s32 $0xFFFFC000  }
0x79: {  	[spmem:s2] =	stream.indirect.scatter.add.f32 [tilespmem:s18], [sflag:$0x2], $0x80, s15, s26, $0xb8;
	[tilespmem:$0x1C800] =	vst v63  }
0x7a: {  	_ =	swait.ge [sflag:s31], $0x4000  }
0x7b: {  	[sflag:s31] =	ssyncset.done $0x0  }
0x7c: {  	[sflag:s31] =	ssyncadd.s32 $0xFFFFC000  }
0x7d: {  	[tilespmem:s29], [sflag:$0x1] =	stream.indirect.gather [hbm4b:s4+s26], $0x80, s16, s26, $0xb8;
	[tilespmem:$0x1C800] =	vst v63  }
0x7e: {  	_ =	swait.ge [sflag:s28], $0x4000  }
0x7f: {  	[sflag:s28] =	ssyncset.done $0x0  }
0x80: {  	[sflag:s28] =	ssyncadd.s32 $0xFFFFC000  }
0x81: {  	[spmem:s2] =	stream.indirect.scatter.add.f32 [tilespmem:s29], [sflag:$0x2], $0x80, s17, s26, $0xb8;
	[tilespmem:$0x1C800] =	vst v63  }
0x82: {  	_ =	swait.ge [sflag:s31], $0x4000  }
0x83: {  	[sflag:s31] =	ssyncset.done $0x0  }
0x84: {  	[sflag:s31] =	ssyncadd.s32 $0xFFFFC000  }
0x85: {  	_ =	swait.ge [sflag:s31], $0x4000  }
0x86: {  	s22 =	simm.s32 $0x100;
	s21 =	simm.s32 $0x80;
	[sflag:s31] =	ssyncset.done $0x0  }
.LBB2_4:
0x87: {  	s24 =	sadd.s32 s21, s6  }
0x88: {  	[sflag:s31] =	ssyncadd.s32 $0xFFFFC000;
	s5 =	smov.u32 s22;
	s23 =	sadd.s32 $0x80, s22  }
0x89: {  	[tilespmem:s3], [sflag:$0x3] =	stream.linear.gather [hbm4b:s24+s3], $0x400, $0x38;
	[tilespmem:$0x1C800] =	vst v63  }
0x8a: {  	p0 =	sne.s32 s22, $0x480;
	_ =	swait.ge [sflag:s19], $0x400  }
0x8b: {  	[sflag:s19] =	ssyncset.done $0x0  }
0x8c: {  	s22 =	sadd.s32 s21, s7;
	s21 =	smov.u32 s5;
	[sflag:s19] =	ssyncadd.s32 $0xFFFFFC00  }
0x8d: {  	[tilespmem:s25], [sflag:$0x3] =	stream.linear.gather [hbm4b:s22+s3], $0x400, $0x38;
	[tilespmem:$0x1C800] =	vst v63  }
0x8e: {  	_ =	swait.ge [sflag:s19], $0x400  }
0x8f: {  	[sflag:s19] =	ssyncset.done $0x0  }
0x90: {  	[sflag:s19] =	ssyncadd.s32 $0xFFFFFC00  }
0x91: {  	[tilespmem:s18], [sflag:$0x1] =	stream.indirect.gather [hbm4b:s4+s26], $0x80, s3, s26, $0xb8;
	[tilespmem:$0x1C800] =	vst v63  }
0x92: {  	_ =	swait.ge [sflag:s28], $0x4000  }
0x93: {  	[sflag:s28] =	ssyncset.done $0x0  }
0x94: {  	[sflag:s28] =	ssyncadd.s32 $0xFFFFC000  }
0x95: {  	[spmem:s2] =	stream.indirect.scatter.add.f32 [tilespmem:s18], [sflag:$0x2], $0x80, s25, s26, $0xb8;
	[tilespmem:$0x1C800] =	vst v63  }
0x96: {  	_ = 	snop  }
0x97: {  	[tilespmem:s29], [sflag:$0x1] =	stream.indirect.gather [hbm4b:s4+s26], $0x80, s26, s26, $0xb8;
	[tilespmem:$0x1C800] =	vst v63  }
0x98: {  	_ =	swait.ge [sflag:s28], $0x4000  }
0x99: {  	[sflag:s28] =	ssyncset.done $0x0  }
0x9a: {  	[sflag:s28] =	ssyncadd.s32 $0xFFFFC000  }
0x9b: {  	[spmem:s2] =	stream.indirect.scatter.add.f32 [tilespmem:s29], [sflag:$0x2], $0x80, s30, s26, $0xb8;
	[tilespmem:$0x1C800] =	vst v63  }
0x9c: {  	_ =	swait.ge [sflag:s31], $0x4000  }
0x9d: {  	[sflag:s31] =	ssyncset.done $0x0  }
0x9e: {  	[sflag:s31] =	ssyncadd.s32 $0xFFFFC000  }
0x9f: {  	[tilespmem:s18], [sflag:$0x1] =	stream.indirect.gather [hbm4b:s4+s26], $0x80, s1, s26, $0xb8;
	[tilespmem:$0x1C800] =	vst v63  }
0xa0: {  	_ =	swait.ge [sflag:s28], $0x4000  }
0xa1: {  	[sflag:s28] =	ssyncset.done $0x0  }
0xa2: {  	[sflag:s28] =	ssyncadd.s32 $0xFFFFC000  }
0xa3: {  	[spmem:s2] =	stream.indirect.scatter.add.f32 [tilespmem:s18], [sflag:$0x2], $0x80, s0, s26, $0xb8;
	[tilespmem:$0x1C800] =	vst v63  }
0xa4: {  	_ =	swait.ge [sflag:s31], $0x4000  }
0xa5: {  	[sflag:s31] =	ssyncset.done $0x0  }
0xa6: {  	[sflag:s31] =	ssyncadd.s32 $0xFFFFC000  }
0xa7: {  	[tilespmem:s29], [sflag:$0x1] =	stream.indirect.gather [hbm4b:s4+s26], $0x80, s8, s26, $0xb8;
	[tilespmem:$0x1C800] =	vst v63  }
0xa8: {  	_ =	swait.ge [sflag:s28], $0x4000  }
0xa9: {  	[sflag:s28] =	ssyncset.done $0x0  }
0xaa: {  	[sflag:s28] =	ssyncadd.s32 $0xFFFFC000  }
0xab: {  	[spmem:s2] =	stream.indirect.scatter.add.f32 [tilespmem:s29], [sflag:$0x2], $0x80, s9, s26, $0xb8;
	[tilespmem:$0x1C800] =	vst v63  }
0xac: {  	_ =	swait.ge [sflag:s31], $0x4000  }
0xad: {  	[sflag:s31] =	ssyncset.done $0x0  }
0xae: {  	[sflag:s31] =	ssyncadd.s32 $0xFFFFC000  }
0xaf: {  	[tilespmem:s18], [sflag:$0x1] =	stream.indirect.gather [hbm4b:s4+s26], $0x80, s10, s26, $0xb8;
	[tilespmem:$0x1C800] =	vst v63  }
0xb0: {  	_ =	swait.ge [sflag:s28], $0x4000  }
0xb1: {  	[sflag:s28] =	ssyncset.done $0x0  }
0xb2: {  	[sflag:s28] =	ssyncadd.s32 $0xFFFFC000  }
0xb3: {  	[spmem:s2] =	stream.indirect.scatter.add.f32 [tilespmem:s18], [sflag:$0x2], $0x80, s11, s26, $0xb8;
	[tilespmem:$0x1C800] =	vst v63  }
0xb4: {  	_ =	swait.ge [sflag:s31], $0x4000  }
0xb5: {  	[sflag:s31] =	ssyncset.done $0x0  }
0xb6: {  	[sflag:s31] =	ssyncadd.s32 $0xFFFFC000  }
0xb7: {  	[tilespmem:s29], [sflag:$0x1] =	stream.indirect.gather [hbm4b:s4+s26], $0x80, s12, s26, $0xb8;
	[tilespmem:$0x1C800] =	vst v63  }
0xb8: {  	_ =	swait.ge [sflag:s28], $0x4000  }
0xb9: {  	[sflag:s28] =	ssyncset.done $0x0  }
0xba: {  	[sflag:s28] =	ssyncadd.s32 $0xFFFFC000  }
0xbb: {  	[spmem:s2] =	stream.indirect.scatter.add.f32 [tilespmem:s29], [sflag:$0x2], $0x80, s13, s26, $0xb8;
	[tilespmem:$0x1C800] =	vst v63  }
0xbc: {  	_ =	swait.ge [sflag:s31], $0x4000  }
0xbd: {  	[sflag:s31] =	ssyncset.done $0x0  }
0xbe: {  	[sflag:s31] =	ssyncadd.s32 $0xFFFFC000  }
0xbf: {  	[tilespmem:s18], [sflag:$0x1] =	stream.indirect.gather [hbm4b:s4+s26], $0x80, s14, s26, $0xb8;
	[tilespmem:$0x1C800] =	vst v63  }
0xc0: {  	_ =	swait.ge [sflag:s28], $0x4000  }
0xc1: {  	[sflag:s28] =	ssyncset.done $0x0  }
0xc2: {  	[sflag:s28] =	ssyncadd.s32 $0xFFFFC000  }
0xc3: {  	[spmem:s2] =	stream.indirect.scatter.add.f32 [tilespmem:s18], [sflag:$0x2], $0x80, s15, s26, $0xb8;
	[tilespmem:$0x1C800] =	vst v63  }
0xc4: {  	_ =	swait.ge [sflag:s31], $0x4000  }
0xc5: {  	[sflag:s31] =	ssyncset.done $0x0  }
0xc6: {  	[sflag:s31] =	ssyncadd.s32 $0xFFFFC000  }
0xc7: {  	[tilespmem:s29], [sflag:$0x1] =	stream.indirect.gather [hbm4b:s4+s26], $0x80, s16, s26, $0xb8;
	[tilespmem:$0x1C800] =	vst v63  }
0xc8: {  	_ =	swait.ge [sflag:s28], $0x4000  }
0xc9: {  	[sflag:s28] =	ssyncset.done $0x0  }
0xca: {  	[sflag:s28] =	ssyncadd.s32 $0xFFFFC000  }
0xcb: {  	[spmem:s2] =	stream.indirect.scatter.add.f32 [tilespmem:s29], [sflag:$0x2], $0x80, s17, s26, $0xb8;
	[tilespmem:$0x1C800] =	vst v63  }
.Ltmp1:
0xcc: {  	_ =	swait.ge [sflag:s31], $0x4000;
	(pc) =	sbr.rel @p0 .LBB2_4-.Ltmp1, $4  }
0xcd: {  	[sflag:s31] =	ssyncset.done $0x0  }
0xce: {  	[sflag:s31] =	ssyncadd.s32 $0xFFFFC000  }
0xcf: {  	_ =	swait.ge [sflag:s31], $0x4000  }
0xd0: {  	s22 =	smov.u32 s23;
	[sflag:s31] =	ssyncset.done $0x0  }
0xd1: {  	s5 =	sadd.s32 s21, s6;
	[sflag:s31] =	ssyncadd.s32 $0xFFFFC000  }
0xd2: {  	[tilespmem:s3], [sflag:$0x3] =	stream.linear.gather [hbm4b:s5+s3], $0x400, $0x38;
	[tilespmem:$0x1C800] =	vst v63  }
0xd3: {  	_ =	swait.ge [sflag:s19], $0x400  }
0xd4: {  	[sflag:s19] =	ssyncset.done $0x0  }
0xd5: {  	s21 =	sadd.s32 s21, s7;
	[sflag:s19] =	ssyncadd.s32 $0xFFFFFC00  }
0xd6: {  	[tilespmem:s25], [sflag:$0x3] =	stream.linear.gather [hbm4b:s21+s3], $0x400, $0x38;
	[tilespmem:$0x1C800] =	vst v63  }
0xd7: {  	_ =	swait.ge [sflag:s19], $0x400  }
0xd8: {  	[sflag:s19] =	ssyncset.done $0x0  }
0xd9: {  	[sflag:s19] =	ssyncadd.s32 $0xFFFFFC00  }
0xda: {  	[tilespmem:s18], [sflag:$0x1] =	stream.indirect.gather [hbm4b:s4+s26], $0x80, s3, s26, $0xb8;
	[tilespmem:$0x1C800] =	vst v63  }
0xdb: {  	_ =	swait.ge [sflag:s28], $0x4000  }
0xdc: {  	[sflag:s28] =	ssyncset.done $0x0  }
0xdd: {  	[sflag:s28] =	ssyncadd.s32 $0xFFFFC000  }
0xde: {  	[spmem:s2] =	stream.indirect.scatter.add.f32 [tilespmem:s18], [sflag:$0x2], $0x80, s25, s26, $0xb8;
	[tilespmem:$0x1C800] =	vst v63  }
0xdf: {  	_ = 	snop  }
0xe0: {  	[tilespmem:s29], [sflag:$0x1] =	stream.indirect.gather [hbm4b:s4+s26], $0x80, s26, s26, $0xb8;
	[tilespmem:$0x1C800] =	vst v63  }
0xe1: {  	_ =	swait.ge [sflag:s28], $0x4000  }
0xe2: {  	[sflag:s28] =	ssyncset.done $0x0  }
0xe3: {  	[sflag:s28] =	ssyncadd.s32 $0xFFFFC000  }
0xe4: {  	[spmem:s2] =	stream.indirect.scatter.add.f32 [tilespmem:s29], [sflag:$0x2], $0x80, s30, s26, $0xb8;
	[tilespmem:$0x1C800] =	vst v63  }
0xe5: {  	_ =	swait.ge [sflag:s31], $0x4000  }
0xe6: {  	[sflag:s31] =	ssyncset.done $0x0  }
0xe7: {  	[sflag:s31] =	ssyncadd.s32 $0xFFFFC000  }
0xe8: {  	[tilespmem:s18], [sflag:$0x1] =	stream.indirect.gather [hbm4b:s4+s26], $0x80, s1, s26, $0xb8;
	[tilespmem:$0x1C800] =	vst v63  }
0xe9: {  	_ =	swait.ge [sflag:s28], $0x4000  }
0xea: {  	[sflag:s28] =	ssyncset.done $0x0  }
0xeb: {  	[sflag:s28] =	ssyncadd.s32 $0xFFFFC000  }
0xec: {  	[spmem:s2] =	stream.indirect.scatter.add.f32 [tilespmem:s18], [sflag:$0x2], $0x80, s0, s26, $0xb8;
	[tilespmem:$0x1C800] =	vst v63  }
0xed: {  	_ =	swait.ge [sflag:s31], $0x4000  }
0xee: {  	[sflag:s31] =	ssyncset.done $0x0  }
0xef: {  	[sflag:s31] =	ssyncadd.s32 $0xFFFFC000  }
0xf0: {  	[tilespmem:s29], [sflag:$0x1] =	stream.indirect.gather [hbm4b:s4+s26], $0x80, s8, s26, $0xb8;
	[tilespmem:$0x1C800] =	vst v63  }
0xf1: {  	_ =	swait.ge [sflag:s28], $0x4000  }
0xf2: {  	[sflag:s28] =	ssyncset.done $0x0  }
0xf3: {  	[sflag:s28] =	ssyncadd.s32 $0xFFFFC000  }
0xf4: {  	[spmem:s2] =	stream.indirect.scatter.add.f32 [tilespmem:s29], [sflag:$0x2], $0x80, s9, s26, $0xb8;
	[tilespmem:$0x1C800] =	vst v63  }
0xf5: {  	_ =	swait.ge [sflag:s31], $0x4000  }
0xf6: {  	[sflag:s31] =	ssyncset.done $0x0  }
0xf7: {  	[sflag:s31] =	ssyncadd.s32 $0xFFFFC000  }
0xf8: {  	[tilespmem:s18], [sflag:$0x1] =	stream.indirect.gather [hbm4b:s4+s26], $0x80, s10, s26, $0xb8;
	[tilespmem:$0x1C800] =	vst v63  }
0xf9: {  	_ =	swait.ge [sflag:s28], $0x4000  }
0xfa: {  	[sflag:s28] =	ssyncset.done $0x0  }
0xfb: {  	[sflag:s28] =	ssyncadd.s32 $0xFFFFC000  }
0xfc: {  	[spmem:s2] =	stream.indirect.scatter.add.f32 [tilespmem:s18], [sflag:$0x2], $0x80, s11, s26, $0xb8;
	[tilespmem:$0x1C800] =	vst v63  }
0xfd: {  	_ =	swait.ge [sflag:s31], $0x4000  }
0xfe: {  	[sflag:s31] =	ssyncset.done $0x0  }
0xff: {  	[sflag:s31] =	ssyncadd.s32 $0xFFFFC000  }
0x100: {  	[tilespmem:s29], [sflag:$0x1] =	stream.indirect.gather [hbm4b:s4+s26], $0x80, s12, s26, $0xb8;
	[tilespmem:$0x1C800] =	vst v63  }
0x101: {  	_ =	swait.ge [sflag:s28], $0x4000  }
0x102: {  	[sflag:s28] =	ssyncset.done $0x0  }
0x103: {  	[sflag:s28] =	ssyncadd.s32 $0xFFFFC000  }
0x104: {  	[spmem:s2] =	stream.indirect.scatter.add.f32 [tilespmem:s29], [sflag:$0x2], $0x80, s13, s26, $0xb8;
	[tilespmem:$0x1C800] =	vst v63  }
0x105: {  	_ =	swait.ge [sflag:s31], $0x4000  }
0x106: {  	[sflag:s31] =	ssyncset.done $0x0  }
0x107: {  	[sflag:s31] =	ssyncadd.s32 $0xFFFFC000  }
0x108: {  	[tilespmem:s18], [sflag:$0x1] =	stream.indirect.gather [hbm4b:s4+s26], $0x80, s14, s26, $0xb8;
	[tilespmem:$0x1C800] =	vst v63  }
0x109: {  	_ =	swait.ge [sflag:s28], $0x4000  }
0x10a: {  	[sflag:s28] =	ssyncset.done $0x0  }
0x10b: {  	[sflag:s28] =	ssyncadd.s32 $0xFFFFC000  }
0x10c: {  	[spmem:s2] =	stream.indirect.scatter.add.f32 [tilespmem:s18], [sflag:$0x2], $0x80, s15, s26, $0xb8;
	[tilespmem:$0x1C800] =	vst v63  }
0x10d: {  	_ =	swait.ge [sflag:s31], $0x4000  }
0x10e: {  	[sflag:s31] =	ssyncset.done $0x0  }
0x10f: {  	[sflag:s31] =	ssyncadd.s32 $0xFFFFC000  }
0x110: {  	[tilespmem:s29], [sflag:$0x1] =	stream.indirect.gather [hbm4b:s4+s26], $0x80, s16, s26, $0xb8;
	[tilespmem:$0x1C800] =	vst v63  }
0x111: {  	_ =	swait.ge [sflag:s28], $0x4000  }
0x112: {  	[sflag:s28] =	ssyncset.done $0x0  }
0x113: {  	[sflag:s28] =	ssyncadd.s32 $0xFFFFC000  }
0x114: {  	[spmem:s2] =	stream.indirect.scatter.add.f32 [tilespmem:s29], [sflag:$0x2], $0x80, s17, s26, $0xb8;
	[tilespmem:$0x1C800] =	vst v63  }
0x115: {  	_ =	swait.ge [sflag:s31], $0x4000  }
0x116: {  	[sflag:s31] =	ssyncset.done $0x0  }
0x117: {  	[sflag:s31] =	ssyncadd.s32 $0xFFFFC000  }
0x118: {  	_ =	swait.ge [sflag:s31], $0x4000  }
0x119: {  	[sflag:s31] =	ssyncset.done $0x0  }
0x11a: {  	[sflag:s31] =	ssyncadd.s32 $0xFFFFC000  }
0x11b: {  	[bflag:$0x0] =	sbarrier.arrive $0xFFFF  }
0x11c: {  	s22 =	rddreg [dreg:$0x5]  }
0x11d: {  	[tilespmem:s18], [sflag:$0x3] =	stream.linear.gather [spmem:s22], $0x4000, $0x38;
	[tilespmem:$0x1C800] =	vst v63  }
0x11e: {  	_ =	swait.ge [sflag:s19], $0x4000  }
0x11f: {  	[sflag:s19] =	ssyncset.done $0x0  }
0x120: {  	s23 =	rddreg [dreg:$0xf];
	[sflag:s19] =	ssyncadd.s32 $0xFFFFC000  }
0x121: {  	[hbm4b:s23+s3] =	stream.linear.scatter [tilespmem:s18], [sflag:$0x3], $0x4000, $0x38;
	[tilespmem:$0x1C800] =	vst v63  }
0x122: {  	_ =	swait.ge [sflag:s19], $0x4000  }
0x123: {  	[sflag:s19] =	ssyncset.done $0x0  }
0x124: {  	s24 =	rddreg [dreg:$0xb];
	[sflag:s19] =	ssyncadd.s32 $0xFFFFC000  }
0x125: {  	[tilespmem:s18], [sflag:$0x3] =	stream.linear.gather [spmem:s24], $0x4000, $0x38;
	[tilespmem:$0x1C800] =	vst v63  }
0x126: {  	_ =	swait.ge [sflag:s19], $0x4000  }
0x127: {  	[sflag:s19] =	ssyncset.done $0x0  }
0x128: {  	s21 =	rddreg [dreg:$0x10];
	[sflag:s19] =	ssyncadd.s32 $0xFFFFC000  }
0x129: {  	[hbm4b:s21+s3] =	stream.linear.scatter [tilespmem:s18], [sflag:$0x3], $0x4000, $0x38;
	[tilespmem:$0x1C800] =	vst v63  }
0x12a: {  	_ =	swait.ge [sflag:s19], $0x4000  }
0x12b: {  	[sflag:s19] =	ssyncset.done $0x0  }
0x12c: {  	s22 =	rddreg [dreg:$0xc];
	[sflag:s19] =	ssyncadd.s32 $0xFFFFC000  }
0x12d: {  	[tilespmem:s18], [sflag:$0x3] =	stream.linear.gather [spmem:s22], $0x4000, $0x38;
	[tilespmem:$0x1C800] =	vst v63  }
0x12e: {  	_ =	swait.ge [sflag:s19], $0x4000  }
0x12f: {  	[sflag:s19] =	ssyncset.done $0x0  }
0x130: {  	s23 =	rddreg [dreg:$0x11];
	[sflag:s19] =	ssyncadd.s32 $0xFFFFC000  }
0x131: {  	[hbm4b:s23+s3] =	stream.linear.scatter [tilespmem:s18], [sflag:$0x3], $0x4000, $0x38;
	[tilespmem:$0x1C800] =	vst v63  }
0x132: {  	_ =	swait.ge [sflag:s19], $0x4000  }
0x133: {  	[sflag:s19] =	ssyncset.done $0x0  }
0x134: {  	s24 =	rddreg [dreg:$0xd];
	[sflag:s19] =	ssyncadd.s32 $0xFFFFC000  }
0x135: {  	[tilespmem:s18], [sflag:$0x3] =	stream.linear.gather [spmem:s24], $0x4000, $0x38;
	[tilespmem:$0x1C800] =	vst v63  }
0x136: {  	_ =	swait.ge [sflag:s19], $0x4000  }
0x137: {  	[sflag:s19] =	ssyncset.done $0x0  }
0x138: {  	s21 =	rddreg [dreg:$0x12];
	[sflag:s19] =	ssyncadd.s32 $0xFFFFC000  }
0x139: {  	[hbm4b:s21+s3] =	stream.linear.scatter [tilespmem:s18], [sflag:$0x3], $0x4000, $0x38;
	[tilespmem:$0x1C800] =	vst v63  }
0x13a: {  	_ =	swait.ge [sflag:s19], $0x4000  }
0x13b: {  	[sflag:s19] =	ssyncset.done $0x0  }
0x13c: {  	s22 =	rddreg [dreg:$0xe];
	[sflag:s19] =	ssyncadd.s32 $0xFFFFC000  }
0x13d: {  	[tilespmem:s18], [sflag:$0x3] =	stream.linear.gather [spmem:s22], $0x4000, $0x38;
	[tilespmem:$0x1C800] =	vst v63  }
0x13e: {  	_ =	swait.ge [sflag:s19], $0x4000  }
0x13f: {  	[sflag:s19] =	ssyncset.done $0x0  }
0x140: {  	s23 =	rddreg [dreg:$0x13];
	[sflag:s19] =	ssyncadd.s32 $0xFFFFC000  }
0x141: {  	[hbm4b:s23+s3] =	stream.linear.scatter [tilespmem:s18], [sflag:$0x3], $0x4000, $0x38;
	[tilespmem:$0x1C800] =	vst v63  }
0x142: {  	_ =	swait.ge [sflag:s19], $0x4000  }
0x143: {  	s20 =	sadd.s32 $0x1, s20;
	s24 =	rddreg [dreg:$0x6]  }
0x144: {  	p0 =	sne.s32 s20, s24  }
.Ltmp2:
0x145: {  	_ = 	snop;
	(pc) =	sbr.rel @p0 .LBB2_1-.Ltmp2, $3  }
0x146: {  	_ =	sdelay $0x1  }
0x147: {  	[sflag:s19] =	ssyncset.done $0x0  }
0x148: {  	[sflag:s19] =	ssyncadd.s32 $0xFFFFC000  }
0x149: {  	_ =	sfence.sel $0x180000  }
0x14a: {  	[bflag:$0x0] =	sbarrier.arrive $0xFFFF  }
0x14b: {  	_ =	strace $0x9000004A  }
0x14c: {  	s0 =	stileid.u32;
	[bflag:$0x2] =	sbarrier.arrive $0xFFFF  }
0x14d: {  	p0 =	sne.s32 s0, $0x0;
	s0 =	rddreg [dreg:$0x3]  }
0x14e: {  	s0 =	sadd.s32 @!p0 $0x100000, s0  }
0x14f: {  	[sflag:s0] =	ssyncadd.tile.s32 @!p0 $0x1;
	_ =	shalt  }
.Lfunc_end2:
_tile_overlayer_lowered:
.L_overlay_start_2:
0x150: {  	(tag) =	ssettag $0x2  }
0x151: {  	s0 =	rddreg [dreg:$0x0];
	s2 =	stileid.u32  }
0x152: {  	s1 =	rddreg [dreg:$0x1];
	p0 =	sne.s32 s2, $0x0  }
0x153: {  	s3 =	rddreg [dreg:$0x2];
	[bflag:$0x3] =	sbarrier.arrive $0xFFFF;
	s2 =	simm.s32 @!p0 $0x1C03  }
0x154: {  	[timem:s3], [sflag:s2] =	dma.local @!p0 [hbm:s0], s1  }
0x155: {  	s0 =	simm.s32 @!p0 $0x3  }
0x156: {  	_ =	swait.ge @!p0 [sflag:s0], s1  }
0x157: {  	s1 =	ssub.s32 @!p0 $0x0, s1;
	[sflag:s0] =	ssyncset.done @!p0 $0x0  }
0x158: {  	[sflag:s0] =	ssyncadd.s32 @!p0 s1  }
0x159: {  	[bflag:$0x3] =	sbarrier.arrive $0xFFFF  }
0x15a: {  	_ =	shalt  }

// kernel: kernel.14.cloned.1.call-start
scs
__scs_entry_jumppad:
0x0: {  	(pc) =	sbr.rel $0x88, $3  }
0x1: {  	(tag) =	ssettag $0x0;
	lr =	simm.s32 $0x1  }
0x2: {  	[smem:$0x3F9B] =	sst lr;
	_ =	strace $0xD0000000  }
0x3: {  	_ = 	snop  }
0x4: {  	_ = 	snop  }
0x5: {  	_ = 	snop  }
0x6: {  	_ = 	snop  }
0x7: {  	_ = 	snop  }
__scs_overlays_trampoline_lowered:
0x8: {  	[smem:$0x3FAA] =	sst s0  }
0x9: {  	[smem:$0x3FAB] =	sst s1  }
0xa: {  	[smem:$0x3FAC] =	sst s2  }
0xb: {  	[smem:$0x3FAD] =	sst s3  }
0xc: {  	[smem:$0x3FAE] =	sst s4  }
0xd: {  	[smem:$0x3FAF] =	sst s5  }
0xe: {  	[smem:$0x3FB0] =	sst s6  }
0xf: {  	[smem:$0x3FB1] =	sst s7  }
0x10: {  	[smem:$0x3FB2] =	sst s8  }
0x11: {  	[smem:$0x3FB3] =	sst s9;
	s0 =	simm.s32 @!p0 $0x0  }
0x12: {  	s1 =	sld [smem:$0x3F99];
	s0 =	simm.s32 @p0 $0x1  }
0x13: {  	[smem:$0x3FB4] =	sst s0;
	s0 =	simm.s32 @!p1 $0x0  }
0x14: {  	s2 =	sld [smem:$0x3F98];
	s0 =	simm.s32 @p1 $0x1  }
0x15: {  	[smem:$0x3FB5] =	sst s0;
	s0 =	simm.s32 @!p2 $0x0  }
0x16: {  	s3 =	sld [smem:$0x3FDB];
	s0 =	simm.s32 @p2 $0x1  }
0x17: {  	s4 =	simm.s32 $0x1BF5;
	[smem:$0x3FB7] =	sst s0  }
0x18: {  	s0 =	sld [smem:$0x3F9A];
	_ =	swait.ge [sflag:s4], $0x0  }
0x19: {  	s7 =	sld [smem:$0x3F9B]  }
0x1a: {  	s8 =	sadd.s32 $0xFFFFE003, lr  }
0x1b: {  	s9 =	sadd.s32 $0xFFFFFEF7, lr;
	s5 =	simm.s32 $0xFFFFFFFF;
	p2 =	slt.u32 s8, $0xFFFFF086  }
0x1c: {  	p1 =	slt.u32 s9, $0xF7A;
	s5 =	simm.s32 @!p2 $0x0  }
0x1d: {  	s5 =	simm.s32 @p1 $0x1;
	p0 =	seq.s32 s7, s2  }
0x1e: {  	s7 =	smul.u32 @!p0 $0xF7A, s2;
	p2 =	seq.s32 @!p0 s5, $0x0  }
0x1f: {  	s9 =	smul.u32 $0xF7A, s1;
	s8 =	simm.s32 @!p0 $0x1BF5;
	p2 =	por !p2, p0  }
0x20: {  	[sflag:s8] =	ssyncset.s32 @!p0 $0xFFFFF086;
	s6 =	sadd.s32 @!p0 s3, s7;
	s7 =	simm.s32 @!p0 $0x108  }
0x21: {  	s3 =	sadd.s32 s3, s9;
	s6 =	sadd.s32 @!p0 $0x88, s6;
	s7 =	simm.s32 @p2 $0x1082  }
0x22: {  	[simem:s7], [sflag:s8] =	dma.local @!p0 [hbm:s6], $0xF7A  }
0x23: {  	s9 =	sor.u32 $0xD0000000, s2;
	s6 =	simm.s32 $0x108;
	_ =	swait.ge @!p0 [sflag:s8], $0x0  }
0x24: {  	s3 =	sadd.s32 $0x88, s3;
	s6 =	simm.s32 @!p1 $0x1082;
	[sflag:s4] =	ssyncset.s32 $0xFFFFF086  }
0x25: {  	[simem:s6], [sflag:s4] =	dma.local [hbm:s3], $0xF7A  }
0x26: {  	[smem:$0x3F9B] =	sst s1;
	(tag) =	ssettag s2;
	_ =	strace s9  }
0x27: {  	s1 =	sld [smem:$0x3FAB]  }
0x28: {  	s2 =	sld [smem:$0x3FAC]  }
0x29: {  	s4 =	sld [smem:$0x3FAE]  }
0x2a: {  	p0 =	seq.s32 s5, $0x0;
	s5 =	sld [smem:$0x3FAF]  }
0x2b: {  	s6 =	sld [smem:$0x3FB0]  }
0x2c: {  	s7 =	sld [smem:$0x3FB1]  }
0x2d: {  	s3 =	simm.s32 $0x108;
	s8 =	sld [smem:$0x3FB2]  }
0x2e: {  	s3 =	simm.s32 @!p0 $0x1082;
	s9 =	sld [smem:$0x3FB3]  }
0x2f: {  	lr =	sadd.s32 s0, s3;
	s0 =	sld [smem:$0x3FAA]  }
0x30: {  	s3 =	sld [smem:$0x3FAD]  }
0x31: {  	[smem:$0x3FB6] =	sst s10  }
0x32: {  	s10 =	sld [smem:$0x3FB4];
	_ =	sdelay $0x3  }
0x33: {  	p0 =	seq.s32 s10, $0x1;
	s10 =	sld [smem:$0x3FB6];
	_ =	sdelay $0x3  }
0x34: {  	[smem:$0x3FB6] =	sst s10  }
0x35: {  	s10 =	sld [smem:$0x3FB5];
	_ =	sdelay $0x3  }
0x36: {  	p1 =	seq.s32 s10, $0x1;
	s10 =	sld [smem:$0x3FB6];
	_ =	sdelay $0x3  }
0x37: {  	[smem:$0x3FB6] =	sst s10  }
0x38: {  	s10 =	sld [smem:$0x3FB7]  }
0x39: {  	_ = 	snop;
	(pc) =	sbr.ind lr, $3  }
0x3a: {  	_ = 	snop  }
0x3b: {  	_ = 	snop  }
0x3c: {  	p2 =	seq.s32 s10, $0x1;
	s10 =	sld [smem:$0x3FB6]  }
0x3d: {  	_ =	shalt  }
0x3e: {  	_ =	shalt  }
0x3f: {  	_ =	shalt  }
0x40: {  	_ =	shalt  }
0x41: {  	_ =	shalt  }
0x42: {  	_ =	shalt  }
0x43: {  	_ =	shalt  }
0x44: {  	_ =	shalt  }
0x45: {  	_ =	shalt  }
0x46: {  	_ =	shalt  }
0x47: {  	_ =	shalt  }
0x48: {  	_ =	shalt  }
0x49: {  	_ =	shalt  }
0x4a: {  	_ =	shalt  }
0x4b: {  	_ =	shalt  }
0x4c: {  	_ =	shalt  }
0x4d: {  	_ =	shalt  }
0x4e: {  	_ =	shalt  }
0x4f: {  	_ =	shalt  }
0x50: {  	_ =	shalt  }
0x51: {  	_ =	shalt  }
0x52: {  	_ =	shalt  }
0x53: {  	_ =	shalt  }
0x54: {  	_ =	shalt  }
0x55: {  	_ =	shalt  }
0x56: {  	_ =	shalt  }
0x57: {  	_ =	shalt  }
0x58: {  	_ =	shalt  }
0x59: {  	_ =	shalt  }
0x5a: {  	_ =	shalt  }
0x5b: {  	_ =	shalt  }
0x5c: {  	_ =	shalt  }
0x5d: {  	_ =	shalt  }
0x5e: {  	_ =	shalt  }
0x5f: {  	_ =	shalt  }
0x60: {  	_ =	shalt  }
0x61: {  	_ =	shalt  }
0x62: {  	_ =	shalt  }
0x63: {  	_ =	shalt  }
0x64: {  	_ =	shalt  }
0x65: {  	_ =	shalt  }
0x66: {  	_ =	shalt  }
0x67: {  	_ =	shalt  }
0x68: {  	_ =	shalt  }
0x69: {  	_ =	shalt  }
0x6a: {  	_ =	shalt  }
0x6b: {  	_ =	shalt  }
0x6c: {  	_ =	shalt  }
0x6d: {  	_ =	shalt  }
0x6e: {  	_ =	shalt  }
0x6f: {  	_ =	shalt  }
0x70: {  	_ =	shalt  }
0x71: {  	_ =	shalt  }
0x72: {  	_ =	shalt  }
0x73: {  	_ =	shalt  }
0x74: {  	_ =	shalt  }
0x75: {  	_ =	shalt  }
0x76: {  	_ =	shalt  }
0x77: {  	_ =	shalt  }
0x78: {  	_ =	shalt  }
0x79: {  	_ =	shalt  }
0x7a: {  	_ =	shalt  }
0x7b: {  	_ =	shalt  }
0x7c: {  	_ =	shalt  }
0x7d: {  	_ =	shalt  }
0x7e: {  	_ =	shalt  }
0x7f: {  	_ =	shalt  }
0x80: {  	_ =	shalt  }
0x81: {  	_ =	shalt  }
0x82: {  	_ =	shalt  }
0x83: {  	_ =	shalt  }
0x84: {  	_ =	shalt  }
0x85: {  	_ =	shalt  }
0x86: {  	_ =	shalt  }
0x87: {  	_ =	shalt  }
.Lfunc_end0:
.L_simem_size_0:
called_computation.2_lowered:
.L_overlay_start_0:
0x88: {  	s2 =	sld [smem:$0x3FD9]  }
0x89: {  	s3 =	sld [smem:$0x3FFE];
	_ =	sdelay $0x1  }
0x8a: {  	s1 =	srdreg.scid  }
0x8b: {  	s0 =	sand.u32 $0x1, s1  }
0x8c: {  	s17 =	sshll.u32 s0, $0xA;
	s2 =	sadd.s32 s3, s2  }
0x8d: {  	s2 =	sadd.s32 s2, s17  }
0x8e: {  	[smem:$0x3FC2] =	sst s2  }
0x8f: {  	_ = 	snop  }
0x90: {  	s2 =	sld [smem:$0x3FD0];
	(tm) =	ssettm $0x1  }
0x91: {  	s18 =	sld [smem:$0x3FFB];
	_ =	sdelay $0x3  }
0x92: {  	_ =	strace s18  }
0x93: {  	s3 =	sld [smem:$0x3FFC];
	_ =	sdelay $0x3  }
0x94: {  	_ =	strace s3  }
0x95: {  	s3 =	sld [smem:$0x3FFD];
	_ =	sdelay $0x3  }
0x96: {  	_ =	strace s3  }
0x97: {  	_ =	strace $0x8FFFFFFF  }
0x98: {  	s19 =	sld [smem:$0x3FDB];
	_ =	sdelay $0x1  }
0x99: {  	s4 =	simm.s32 $_scs_section_size  }
0x9a: {  	s5 =	simm.s32 $_size__tile_overlayer_lowered;
	s6 =	simm.s32 $_tile_overlayer_lowered  }
0x9b: {  	s22 =	simm.s32 $0x1BFF;
	s21 =	sshll.u32 s6, $0x1;
	s3 =	sadd.s32 s4, s19  }
0x9c: {  	s7 =	simm.s32 $0x0;
	s20 =	sshll.u32 s5, $0x1;
	s5 =	sadd.s32 s21, s3  }
0x9d: {  	[timem:s7], [sflag:s22] =	dma.local [hbm:s5], s20  }
0x9e: {  	_ =	swait.ge [sflag:s22], s20  }
0x9f: {  	s4 =	ssub.s32 $0x0, s20;
	[sflag:s22] =	ssyncset.done $0x0  }
0xa0: {  	[sflag:s22] =	ssyncadd.s32 s4;
	_ =	sdelay $0x1  }
0xa1: {  	s23 =	simm.s32 $0x1B8B  }
0xa2: {  	_ =	swait.ge [sflag:s23], $0x1  }
0xa3: {  	[sflag:s23] =	ssyncset.done $0x0  }
0xa4: {  	s25 =	simm.s32 $0x1B8E;
	s24 =	sld [smem:$0x3FFE];
	[sflag:s23] =	ssyncadd.s32 $0xFFFFFFFF  }
0xa5: {  	s26 =	simm.s32 $execute0_lowered;
	[smem:$0x3FD2] =	sst s25  }
0xa6: {  	s5 =	sshll.u32 s26, $0x1;
	_ =	strace $0x8000004C;
	[dreg:$0x1] =	wrdreg $0xFFFFFFFF  }
0xa7: {  	s28 =	simm.s32 $_size_execute0_lowered;
	s3 =	sadd.s32 s3, s5;
	[dreg:$0x0] =	wrdreg $0x0  }
0xa8: {  	s5 =	sshll.u32 s28, $0x1;
	[dreg:$0x2] =	wrdreg s3  }
0xa9: {  	[dreg:$0x3] =	wrdreg s5  }
0xaa: {  	[dreg:$0x4] =	wrdreg $0xC0  }
0xab: {  	_ =	task [dreg:s7], $0x5FFFF  }
0xac: {  	[dreg:$0x1] =	wrdreg $0xFFFFFFFF  }
0xad: {  	[dreg:$0x0] =	wrdreg $0x60  }
0xae: {  	[dreg:$0x2] =	wrdreg s24  }
0xaf: {  	[dreg:$0x3] =	wrdreg s2  }
0xb0: {  	[dreg:$0x4] =	wrdreg $0x88000  }
0xb1: {  	[dreg:$0x5] =	wrdreg $0x9  }
0xb2: {  	_ =	task.clear_ibuf [dreg:s7], $0x6FFFF;
	_ =	strace $0x9000004C  }
0xb3: {  	s29 =	simm.s32 $0x9;
	_ =	strace $0x8000004E  }
0xb4: {  	_ =	swait.ge [sflag:s29], $0x1  }
0xb5: {  	[sflag:s29] =	ssyncadd.s32 $0xFFFFFFFF  }
0xb6: {  	_ =	strace $0x9000004E  }
0xb7: {  	_ =	sfence  }
0xb8: {  	s30 =	sld [smem:$0x0];
	_ =	sdelay $0x2  }
0xb9: {  	s31 =	sshll.u32 s1, $0xD;
	s1 =	sshrl.u32 s1, $0x2  }
0xba: {  	s3 =	sand.u32 $0x4000, s31;
	s1 =	sadd.s32 s1, s30  }
0xbb: {  	s0 =	sor.u32 s3, s0;
	s1 =	sshll.u32 s1, $0x11  }
0xbc: {  	s0 =	sor.u32 s1, s0  }
0xbd: {  	s0 =	sadd.s32 $0x8F2B, s0  }
0xbe: {  	[sflag:s0] =	ssyncadd.remote.s32 $0x1  }
0xbf: {  	_ =	sfence.sel $0xFFFF  }
0xc0: {  	[dreg:$0x0] =	wrdreg $0xFFFFFFFF;
	(pc) =	sbr.abs _section_cstart, $3  }
0xc1: {  	[dreg:$0x1] =	wrdreg $0xFFFFFFFF  }
0xc2: {  	_ =	task.clear_ibuf [dreg:s7], $0x2FFFF;
	_ =	strace $0x9FFFFFFF  }
0xc3: {  	(tm) =	ssettm $0x7FFFFFFF  }
tec
execute0_lowered:
.L_overlay_start_1:
0x0: {  	(tag) =	ssettag $0x1  }
0x1: {  	s1 =	rddreg [dreg:$0x0]  }
0x2: {  	s0 =	srdreg.scid;
	s7 =	rddreg [dreg:$0x1]  }
0x3: {  	s10 =	stileid.u32;
	s2 =	rddreg [dreg:$0x2];
	s28 =	simm.s32 $0x1  }
0x4: {  	s29 =	simm.s32 $0x4800;
	s30 =	simm.s32 $0x480;
	s0 =	sand.u32 $0x1, s0  }
0x5: {  	s31 =	simm.s32 $0x2;
	s6 =	smul.u32 $0x50000, s10;
	s3 =	sshll.u32 s0, $0x4  }
0x6: {  	s5 =	smul.u32 $0x28000, s0;
	s0 =	ssub.s32 $0x2, s0;
	s4 =	sor.u32 s10, s3  }
0x7: {  	s3 =	simm.s32 $0x0;
	s25 =	sshrl.u32 s0, $0x1;
	s10 =	smul.u32 $0x14000, s10  }
0x8: {  	s6 =	sshrl.u32 s6, $0x2;
	s8 =	smul.u32 $0x500, s4;
	[smem:$0x7FF] =	sst s3  }
0x9: {  	s4 =	sadd.s32 $0x66600, s1;
	s0 =	ssub.s32 s0, s25;
	s26 =	sadd.s32 s6, s2  }
0xa: {  	_ =	strace $0x8000004D;
	s11 =	sadd.s32 s10, s2;
	[dreg:$0x4] =	wrdreg s26  }
0xb: {  	s0 =	smax.u32 s0, $0x1;
	s12 =	sadd.s32 $0x4000, s26;
	[dreg:$0x5] =	wrdreg s11  }
0xc: {  	s13 =	sadd.s32 $0x8000, s26;
	s14 =	sadd.s32 $0xC000, s26;
	[dreg:$0x6] =	wrdreg s0  }
0xd: {  	s15 =	sadd.s32 $0x10000, s26;
	s16 =	sshrl.u32 s10, $0x3;
	[dreg:$0x7] =	wrdreg s12  }
0xe: {  	s17 =	sadd.s32 $0x4000, s10;
	s18 =	sadd.s32 $0x8000, s10;
	[dreg:$0x8] =	wrdreg s13  }
0xf: {  	s9 =	sadd.s32 s8, s1;
	s1 =	sadd.s32 s5, s1;
	[dreg:$0x9] =	wrdreg s14  }
0x10: {  	s7 =	sadd.s32 s7, s8;
	[dreg:$0xa] =	wrdreg s15;
	s19 =	sadd.s32 s17, s2  }
0x11: {  	s8 =	sshrl.u32 s17, $0x3;
	s20 =	sadd.s32 s18, s2;
	s11 =	sadd.s32 $0xC000, s10  }
0x12: {  	s10 =	sadd.s32 $0x10000, s10;
	s12 =	simm.s32 $0x280;
	s13 =	simm.s32 $0x680  }
0x13: {  	s14 =	simm.s32 $0x300;
	s15 =	simm.s32 $0x700;
	s17 =	simm.s32 $0x780  }
0x14: {  	s6 =	sadd.s32 $0xC600, s9;
	s1 =	sadd.s32 $0x8E600, s1;
	[dreg:$0xb] =	wrdreg s19  }
0x15: {  	[dreg:$0xc] =	wrdreg s20;
	s9 =	sshrl.u32 s18, $0x3;
	s21 =	sadd.s32 s11, s2  }
0x16: {  	s11 =	sshrl.u32 s11, $0x3;
	s22 =	sadd.s32 s10, s2;
	s10 =	sshrl.u32 s10, $0x3  }
0x17: {  	s18 =	simm.s32 $0x800;
	s19 =	simm.s32 $0x3;
	[dreg:$0xd] =	wrdreg s21  }
0x18: {  	s20 =	simm.s32 $0x0;
	[dreg:$0xe] =	wrdreg s22;
	s0 =	sadd.s32 s16, s1  }
0x19: {  	s23 =	sadd.s32 s8, s1;
	s24 =	sadd.s32 s9, s1;
	[dreg:$0xf] =	wrdreg s0  }
0x1a: {  	s25 =	sadd.s32 s11, s1;
	s26 =	sadd.s32 s10, s1;
	[dreg:$0x10] =	wrdreg s23  }
0x1b: {  	s1 =	simm.s32 $0x100;
	s8 =	simm.s32 $0x180;
	[dreg:$0x11] =	wrdreg s24  }
0x1c: {  	s9 =	simm.s32 $0x580;
	s10 =	simm.s32 $0x200;
	[dreg:$0x12] =	wrdreg s25  }
0x1d: {  	s11 =	simm.s32 $0x600;
	s16 =	simm.s32 $0x380;
	[dreg:$0x13] =	wrdreg s26  }
0x1e: {  	v0 =	vimm.f32 $0.0e+00;
	s25 =	simm.s32 $0x400;
	s26 =	simm.s32 $0x80;
	s0 =	simm.s32 $0x500  }
.LBB2_1:
0x1f: {  	s21 =	sand.u32 $0xFE00, s3  }
0x20: {  	s22 =	sand.u32 $0x70, s3;
	s23 =	sshrl.u32 s21, $0x2  }
0x21: {  	s21 =	simm.s32 $0x40;
	s23 =	sor.u32 s22, s23;
	s22 =	simm.s32 $0x0  }
.LBB2_2:
0x22: {  	p0 =	sne.s32 s21, $0xFFC0  }
0x23: {  	[tilespmem:s23+$0x800] =	vst v0;
	s22 =	sadd.s32 $0x10, s22;
	s23 =	smov.u32 s21;
	s21 =	sadd.s32 $0x40, s21  }
.Ltmp0:
0x24: {  	(pc) =	sbr.rel @p0 .LBB2_2-.Ltmp0, $4  }
0x25: {  	_ = 	snop  }
0x26: {  	s23 =	sand.u32 $0xFE00, s23  }
0x27: {  	s24 =	sand.u32 $0x70, s22;
	s23 =	sshrl.u32 s23, $0x2  }
0x28: {  	s23 =	sor.u32 s24, s23  }
0x29: {  	[tilespmem:s23+$0x800] =	vst v0;
	s5 =	rddreg [dreg:$0x4]  }
0x2a: {  	[spmem:s5] =	stream.linear.scatter [tilespmem:s18], [sflag:$0x3], $0x4000, $0x38;
	[tilespmem:$0x1C800] =	vst v63  }
0x2b: {  	_ =	swait.ge [sflag:s19], $0x4000  }
0x2c: {  	[sflag:s19] =	ssyncset.done $0x0  }
0x2d: {  	s24 =	rddreg [dreg:$0x7];
	[sflag:s19] =	ssyncadd.s32 $0xFFFFC000  }
0x2e: {  	[spmem:s24] =	stream.linear.scatter [tilespmem:s18], [sflag:$0x3], $0x4000, $0x38;
	[tilespmem:$0x1C800] =	vst v63  }
0x2f: {  	_ =	swait.ge [sflag:s19], $0x4000  }
0x30: {  	[sflag:s19] =	ssyncset.done $0x0  }
0x31: {  	s21 =	rddreg [dreg:$0x8];
	[sflag:s19] =	ssyncadd.s32 $0xFFFFC000  }
0x32: {  	[spmem:s21] =	stream.linear.scatter [tilespmem:s18], [sflag:$0x3], $0x4000, $0x38;
	[tilespmem:$0x1C800] =	vst v63  }
0x33: {  	_ =	swait.ge [sflag:s19], $0x4000  }
0x34: {  	[sflag:s19] =	ssyncset.done $0x0  }
0x35: {  	s22 =	rddreg [dreg:$0x9];
	[sflag:s19] =	ssyncadd.s32 $0xFFFFC000  }
0x36: {  	[spmem:s22] =	stream.linear.scatter [tilespmem:s18], [sflag:$0x3], $0x4000, $0x38;
	[tilespmem:$0x1C800] =	vst v63  }
0x37: {  	_ =	swait.ge [sflag:s19], $0x4000  }
0x38: {  	[sflag:s19] =	ssyncset.done $0x0  }
0x39: {  	s23 =	rddreg [dreg:$0xa];
	[sflag:s19] =	ssyncadd.s32 $0xFFFFC000  }
0x3a: {  	[spmem:s23] =	stream.linear.scatter [tilespmem:s18], [sflag:$0x3], $0x4000, $0x38;
	[tilespmem:$0x1C800] =	vst v63  }
0x3b: {  	_ =	swait.ge [sflag:s19], $0x4000  }
0x3c: {  	[sflag:s19] =	ssyncset.done $0x0  }
0x3d: {  	[sflag:s19] =	ssyncadd.s32 $0xFFFFC000  }
0x3e: {  	s21 =	sadd.s32 $0x0, s6;
	[bflag:$0x0] =	sbarrier.arrive $0xFFFF  }
0x3f: {  	[tilespmem:s3], [sflag:$0x3] =	stream.linear.gather [hbm4b:s21+s3], $0x400, $0x38;
	[tilespmem:$0x1C800] =	vst v63  }
0x40: {  	_ =	swait.ge [sflag:s19], $0x400  }
0x41: {  	[sflag:s19] =	ssyncset.done $0x0  }
0x42: {  	s24 =	sadd.s32 $0x0, s7;
	[sflag:s19] =	ssyncadd.s32 $0xFFFFFC00  }
0x43: {  	[tilespmem:s25], [sflag:$0x3] =	stream.linear.gather [hbm4b:s24+s3], $0x400, $0x38;
	[tilespmem:$0x1C800] =	vst v63  }
0x44: {  	_ =	swait.ge [sflag:s19], $0x400  }
0x45: {  	[sflag:s19] =	ssyncset.done $0x0  }
0x46: {  	[sflag:s19] =	ssyncadd.s32 $0xFFFFFC00  }
0x47: {  	[tilespmem:s18], [sflag:$0x1] =	stream.indirect.gather [hbm4b:s4+s26], $0x80, s3, s26, $0xb8;
	[tilespmem:$0x1C800] =	vst v63  }
0x48: {  	_ =	swait.ge [sflag:s28], $0x4000  }
0x49: {  	[sflag:s28] =	ssyncset.done $0x0  }
0x4a: {  	[sflag:s28] =	ssyncadd.s32 $0xFFFFC000  }
0x4b: {  	[spmem:s2] =	stream.indirect.scatter.add.f32 [tilespmem:s18], [sflag:$0x2], $0x80, s25, s26, $0xb8;
	[tilespmem:$0x1C800] =	vst v63  }
0x4c: {  	_ = 	snop  }
0x4d: {  	[tilespmem:s29], [sflag:$0x1] =	stream.indirect.gather [hbm4b:s4+s26], $0x80, s26, s26, $0xb8;
	[tilespmem:$0x1C800] =	vst v63  }
0x4e: {  	_ =	swait.ge [sflag:s28], $0x4000  }
0x4f: {  	[sflag:s28] =	ssyncset.done $0x0  }
0x50: {  	[sflag:s28] =	ssyncadd.s32 $0xFFFFC000  }
0x51: {  	[spmem:s2] =	stream.indirect.scatter.add.f32 [tilespmem:s29], [sflag:$0x2], $0x80, s30, s26, $0xb8;
	[tilespmem:$0x1C800] =	vst v63  }
0x52: {  	_ =	swait.ge [sflag:s31], $0x4000  }
0x53: {  	[sflag:s31] =	ssyncset.done $0x0  }
0x54: {  	[sflag:s31] =	ssyncadd.s32 $0xFFFFC000  }
0x55: {  	[tilespmem:s18], [sflag:$0x1] =	stream.indirect.gather [hbm4b:s4+s26], $0x80, s1, s26, $0xb8;
	[tilespmem:$0x1C800] =	vst v63  }
0x56: {  	_ =	swait.ge [sflag:s28], $0x4000  }
0x57: {  	[sflag:s28] =	ssyncset.done $0x0  }
0x58: {  	[sflag:s28] =	ssyncadd.s32 $0xFFFFC000  }
0x59: {  	[spmem:s2] =	stream.indirect.scatter.add.f32 [tilespmem:s18], [sflag:$0x2], $0x80, s0, s26, $0xb8;
	[tilespmem:$0x1C800] =	vst v63  }
0x5a: {  	_ =	swait.ge [sflag:s31], $0x4000  }
0x5b: {  	[sflag:s31] =	ssyncset.done $0x0  }
0x5c: {  	[sflag:s31] =	ssyncadd.s32 $0xFFFFC000  }
0x5d: {  	[tilespmem:s29], [sflag:$0x1] =	stream.indirect.gather [hbm4b:s4+s26], $0x80, s8, s26, $0xb8;
	[tilespmem:$0x1C800] =	vst v63  }
0x5e: {  	_ =	swait.ge [sflag:s28], $0x4000  }
0x5f: {  	[sflag:s28] =	ssyncset.done $0x0  }
0x60: {  	[sflag:s28] =	ssyncadd.s32 $0xFFFFC000  }
0x61: {  	[spmem:s2] =	stream.indirect.scatter.add.f32 [tilespmem:s29], [sflag:$0x2], $0x80, s9, s26, $0xb8;
	[tilespmem:$0x1C800] =	vst v63  }
0x62: {  	_ =	swait.ge [sflag:s31], $0x4000  }
0x63: {  	[sflag:s31] =	ssyncset.done $0x0  }
0x64: {  	[sflag:s31] =	ssyncadd.s32 $0xFFFFC000  }
0x65: {  	[tilespmem:s18], [sflag:$0x1] =	stream.indirect.gather [hbm4b:s4+s26], $0x80, s10, s26, $0xb8;
	[tilespmem:$0x1C800] =	vst v63  }
0x66: {  	_ =	swait.ge [sflag:s28], $0x4000  }
0x67: {  	[sflag:s28] =	ssyncset.done $0x0  }
0x68: {  	[sflag:s28] =	ssyncadd.s32 $0xFFFFC000  }
0x69: {  	[spmem:s2] =	stream.indirect.scatter.add.f32 [tilespmem:s18], [sflag:$0x2], $0x80, s11, s26, $0xb8;
	[tilespmem:$0x1C800] =	vst v63  }
0x6a: {  	_ =	swait.ge [sflag:s31], $0x4000  }
0x6b: {  	[sflag:s31] =	ssyncset.done $0x0  }
0x6c: {  	[sflag:s31] =	ssyncadd.s32 $0xFFFFC000  }
0x6d: {  	[tilespmem:s29], [sflag:$0x1] =	stream.indirect.gather [hbm4b:s4+s26], $0x80, s12, s26, $0xb8;
	[tilespmem:$0x1C800] =	vst v63  }
0x6e: {  	_ =	swait.ge [sflag:s28], $0x4000  }
0x6f: {  	[sflag:s28] =	ssyncset.done $0x0  }
0x70: {  	[sflag:s28] =	ssyncadd.s32 $0xFFFFC000  }
0x71: {  	[spmem:s2] =	stream.indirect.scatter.add.f32 [tilespmem:s29], [sflag:$0x2], $0x80, s13, s26, $0xb8;
	[tilespmem:$0x1C800] =	vst v63  }
0x72: {  	_ =	swait.ge [sflag:s31], $0x4000  }
0x73: {  	[sflag:s31] =	ssyncset.done $0x0  }
0x74: {  	[sflag:s31] =	ssyncadd.s32 $0xFFFFC000  }
0x75: {  	[tilespmem:s18], [sflag:$0x1] =	stream.indirect.gather [hbm4b:s4+s26], $0x80, s14, s26, $0xb8;
	[tilespmem:$0x1C800] =	vst v63  }
0x76: {  	_ =	swait.ge [sflag:s28], $0x4000  }
0x77: {  	[sflag:s28] =	ssyncset.done $0x0  }
0x78: {  	[sflag:s28] =	ssyncadd.s32 $0xFFFFC000  }
0x79: {  	[spmem:s2] =	stream.indirect.scatter.add.f32 [tilespmem:s18], [sflag:$0x2], $0x80, s15, s26, $0xb8;
	[tilespmem:$0x1C800] =	vst v63  }
0x7a: {  	_ =	swait.ge [sflag:s31], $0x4000  }
0x7b: {  	[sflag:s31] =	ssyncset.done $0x0  }
0x7c: {  	[sflag:s31] =	ssyncadd.s32 $0xFFFFC000  }
0x7d: {  	[tilespmem:s29], [sflag:$0x1] =	stream.indirect.gather [hbm4b:s4+s26], $0x80, s16, s26, $0xb8;
	[tilespmem:$0x1C800] =	vst v63  }
0x7e: {  	_ =	swait.ge [sflag:s28], $0x4000  }
0x7f: {  	[sflag:s28] =	ssyncset.done $0x0  }
0x80: {  	[sflag:s28] =	ssyncadd.s32 $0xFFFFC000  }
0x81: {  	[spmem:s2] =	stream.indirect.scatter.add.f32 [tilespmem:s29], [sflag:$0x2], $0x80, s17, s26, $0xb8;
	[tilespmem:$0x1C800] =	vst v63  }
0x82: {  	_ =	swait.ge [sflag:s31], $0x4000  }
0x83: {  	[sflag:s31] =	ssyncset.done $0x0  }
0x84: {  	[sflag:s31] =	ssyncadd.s32 $0xFFFFC000  }
0x85: {  	_ =	swait.ge [sflag:s31], $0x4000  }
0x86: {  	s22 =	simm.s32 $0x100;
	s21 =	simm.s32 $0x80;
	[sflag:s31] =	ssyncset.done $0x0  }
.LBB2_4:
0x87: {  	s24 =	sadd.s32 s21, s6  }
0x88: {  	[sflag:s31] =	ssyncadd.s32 $0xFFFFC000;
	s5 =	smov.u32 s22;
	s23 =	sadd.s32 $0x80, s22  }
0x89: {  	[tilespmem:s3], [sflag:$0x3] =	stream.linear.gather [hbm4b:s24+s3], $0x400, $0x38;
	[tilespmem:$0x1C800] =	vst v63  }
0x8a: {  	p0 =	sne.s32 s22, $0x480;
	_ =	swait.ge [sflag:s19], $0x400  }
0x8b: {  	[sflag:s19] =	ssyncset.done $0x0  }
0x8c: {  	s22 =	sadd.s32 s21, s7;
	s21 =	smov.u32 s5;
	[sflag:s19] =	ssyncadd.s32 $0xFFFFFC00  }
0x8d: {  	[tilespmem:s25], [sflag:$0x3] =	stream.linear.gather [hbm4b:s22+s3], $0x400, $0x38;
	[tilespmem:$0x1C800] =	vst v63  }
0x8e: {  	_ =	swait.ge [sflag:s19], $0x400  }
0x8f: {  	[sflag:s19] =	ssyncset.done $0x0  }
0x90: {  	[sflag:s19] =	ssyncadd.s32 $0xFFFFFC00  }
0x91: {  	[tilespmem:s18], [sflag:$0x1] =	stream.indirect.gather [hbm4b:s4+s26], $0x80, s3, s26, $0xb8;
	[tilespmem:$0x1C800] =	vst v63  }
0x92: {  	_ =	swait.ge [sflag:s28], $0x4000  }
0x93: {  	[sflag:s28] =	ssyncset.done $0x0  }
0x94: {  	[sflag:s28] =	ssyncadd.s32 $0xFFFFC000  }
0x95: {  	[spmem:s2] =	stream.indirect.scatter.add.f32 [tilespmem:s18], [sflag:$0x2], $0x80, s25, s26, $0xb8;
	[tilespmem:$0x1C800] =	vst v63  }
0x96: {  	_ = 	snop  }
0x97: {  	[tilespmem:s29], [sflag:$0x1] =	stream.indirect.gather [hbm4b:s4+s26], $0x80, s26, s26, $0xb8;
	[tilespmem:$0x1C800] =	vst v63  }
0x98: {  	_ =	swait.ge [sflag:s28], $0x4000  }
0x99: {  	[sflag:s28] =	ssyncset.done $0x0  }
0x9a: {  	[sflag:s28] =	ssyncadd.s32 $0xFFFFC000  }
0x9b: {  	[spmem:s2] =	stream.indirect.scatter.add.f32 [tilespmem:s29], [sflag:$0x2], $0x80, s30, s26, $0xb8;
	[tilespmem:$0x1C800] =	vst v63  }
0x9c: {  	_ =	swait.ge [sflag:s31], $0x4000  }
0x9d: {  	[sflag:s31] =	ssyncset.done $0x0  }
0x9e: {  	[sflag:s31] =	ssyncadd.s32 $0xFFFFC000  }
0x9f: {  	[tilespmem:s18], [sflag:$0x1] =	stream.indirect.gather [hbm4b:s4+s26], $0x80, s1, s26, $0xb8;
	[tilespmem:$0x1C800] =	vst v63  }
0xa0: {  	_ =	swait.ge [sflag:s28], $0x4000  }
0xa1: {  	[sflag:s28] =	ssyncset.done $0x0  }
0xa2: {  	[sflag:s28] =	ssyncadd.s32 $0xFFFFC000  }
0xa3: {  	[spmem:s2] =	stream.indirect.scatter.add.f32 [tilespmem:s18], [sflag:$0x2], $0x80, s0, s26, $0xb8;
	[tilespmem:$0x1C800] =	vst v63  }
0xa4: {  	_ =	swait.ge [sflag:s31], $0x4000  }
0xa5: {  	[sflag:s31] =	ssyncset.done $0x0  }
0xa6: {  	[sflag:s31] =	ssyncadd.s32 $0xFFFFC000  }
0xa7: {  	[tilespmem:s29], [sflag:$0x1] =	stream.indirect.gather [hbm4b:s4+s26], $0x80, s8, s26, $0xb8;
	[tilespmem:$0x1C800] =	vst v63  }
0xa8: {  	_ =	swait.ge [sflag:s28], $0x4000  }
0xa9: {  	[sflag:s28] =	ssyncset.done $0x0  }
0xaa: {  	[sflag:s28] =	ssyncadd.s32 $0xFFFFC000  }
0xab: {  	[spmem:s2] =	stream.indirect.scatter.add.f32 [tilespmem:s29], [sflag:$0x2], $0x80, s9, s26, $0xb8;
	[tilespmem:$0x1C800] =	vst v63  }
0xac: {  	_ =	swait.ge [sflag:s31], $0x4000  }
0xad: {  	[sflag:s31] =	ssyncset.done $0x0  }
0xae: {  	[sflag:s31] =	ssyncadd.s32 $0xFFFFC000  }
0xaf: {  	[tilespmem:s18], [sflag:$0x1] =	stream.indirect.gather [hbm4b:s4+s26], $0x80, s10, s26, $0xb8;
	[tilespmem:$0x1C800] =	vst v63  }
0xb0: {  	_ =	swait.ge [sflag:s28], $0x4000  }
0xb1: {  	[sflag:s28] =	ssyncset.done $0x0  }
0xb2: {  	[sflag:s28] =	ssyncadd.s32 $0xFFFFC000  }
0xb3: {  	[spmem:s2] =	stream.indirect.scatter.add.f32 [tilespmem:s18], [sflag:$0x2], $0x80, s11, s26, $0xb8;
	[tilespmem:$0x1C800] =	vst v63  }
0xb4: {  	_ =	swait.ge [sflag:s31], $0x4000  }
0xb5: {  	[sflag:s31] =	ssyncset.done $0x0  }
0xb6: {  	[sflag:s31] =	ssyncadd.s32 $0xFFFFC000  }
0xb7: {  	[tilespmem:s29], [sflag:$0x1] =	stream.indirect.gather [hbm4b:s4+s26], $0x80, s12, s26, $0xb8;
	[tilespmem:$0x1C800] =	vst v63  }
0xb8: {  	_ =	swait.ge [sflag:s28], $0x4000  }
0xb9: {  	[sflag:s28] =	ssyncset.done $0x0  }
0xba: {  	[sflag:s28] =	ssyncadd.s32 $0xFFFFC000  }
0xbb: {  	[spmem:s2] =	stream.indirect.scatter.add.f32 [tilespmem:s29], [sflag:$0x2], $0x80, s13, s26, $0xb8;
	[tilespmem:$0x1C800] =	vst v63  }
0xbc: {  	_ =	swait.ge [sflag:s31], $0x4000  }
0xbd: {  	[sflag:s31] =	ssyncset.done $0x0  }
0xbe: {  	[sflag:s31] =	ssyncadd.s32 $0xFFFFC000  }
0xbf: {  	[tilespmem:s18], [sflag:$0x1] =	stream.indirect.gather [hbm4b:s4+s26], $0x80, s14, s26, $0xb8;
	[tilespmem:$0x1C800] =	vst v63  }
0xc0: {  	_ =	swait.ge [sflag:s28], $0x4000  }
0xc1: {  	[sflag:s28] =	ssyncset.done $0x0  }
0xc2: {  	[sflag:s28] =	ssyncadd.s32 $0xFFFFC000  }
0xc3: {  	[spmem:s2] =	stream.indirect.scatter.add.f32 [tilespmem:s18], [sflag:$0x2], $0x80, s15, s26, $0xb8;
	[tilespmem:$0x1C800] =	vst v63  }
0xc4: {  	_ =	swait.ge [sflag:s31], $0x4000  }
0xc5: {  	[sflag:s31] =	ssyncset.done $0x0  }
0xc6: {  	[sflag:s31] =	ssyncadd.s32 $0xFFFFC000  }
0xc7: {  	[tilespmem:s29], [sflag:$0x1] =	stream.indirect.gather [hbm4b:s4+s26], $0x80, s16, s26, $0xb8;
	[tilespmem:$0x1C800] =	vst v63  }
0xc8: {  	_ =	swait.ge [sflag:s28], $0x4000  }
0xc9: {  	[sflag:s28] =	ssyncset.done $0x0  }
0xca: {  	[sflag:s28] =	ssyncadd.s32 $0xFFFFC000  }
0xcb: {  	[spmem:s2] =	stream.indirect.scatter.add.f32 [tilespmem:s29], [sflag:$0x2], $0x80, s17, s26, $0xb8;
	[tilespmem:$0x1C800] =	vst v63  }
.Ltmp1:
0xcc: {  	_ =	swait.ge [sflag:s31], $0x4000;
	(pc) =	sbr.rel @p0 .LBB2_4-.Ltmp1, $4  }
0xcd: {  	[sflag:s31] =	ssyncset.done $0x0  }
0xce: {  	[sflag:s31] =	ssyncadd.s32 $0xFFFFC000  }
0xcf: {  	_ =	swait.ge [sflag:s31], $0x4000  }
0xd0: {  	s22 =	smov.u32 s23;
	[sflag:s31] =	ssyncset.done $0x0  }
0xd1: {  	s5 =	sadd.s32 s21, s6;
	[sflag:s31] =	ssyncadd.s32 $0xFFFFC000  }
0xd2: {  	[tilespmem:s3], [sflag:$0x3] =	stream.linear.gather [hbm4b:s5+s3], $0x400, $0x38;
	[tilespmem:$0x1C800] =	vst v63  }
0xd3: {  	_ =	swait.ge [sflag:s19], $0x400  }
0xd4: {  	[sflag:s19] =	ssyncset.done $0x0  }
0xd5: {  	s21 =	sadd.s32 s21, s7;
	[sflag:s19] =	ssyncadd.s32 $0xFFFFFC00  }
0xd6: {  	[tilespmem:s25], [sflag:$0x3] =	stream.linear.gather [hbm4b:s21+s3], $0x400, $0x38;
	[tilespmem:$0x1C800] =	vst v63  }
0xd7: {  	_ =	swait.ge [sflag:s19], $0x400  }
0xd8: {  	[sflag:s19] =	ssyncset.done $0x0  }
0xd9: {  	[sflag:s19] =	ssyncadd.s32 $0xFFFFFC00  }
0xda: {  	[tilespmem:s18], [sflag:$0x1] =	stream.indirect.gather [hbm4b:s4+s26], $0x80, s3, s26, $0xb8;
	[tilespmem:$0x1C800] =	vst v63  }
0xdb: {  	_ =	swait.ge [sflag:s28], $0x4000  }
0xdc: {  	[sflag:s28] =	ssyncset.done $0x0  }
0xdd: {  	[sflag:s28] =	ssyncadd.s32 $0xFFFFC000  }
0xde: {  	[spmem:s2] =	stream.indirect.scatter.add.f32 [tilespmem:s18], [sflag:$0x2], $0x80, s25, s26, $0xb8;
	[tilespmem:$0x1C800] =	vst v63  }
0xdf: {  	_ = 	snop  }
0xe0: {  	[tilespmem:s29], [sflag:$0x1] =	stream.indirect.gather [hbm4b:s4+s26], $0x80, s26, s26, $0xb8;
	[tilespmem:$0x1C800] =	vst v63  }
0xe1: {  	_ =	swait.ge [sflag:s28], $0x4000  }
0xe2: {  	[sflag:s28] =	ssyncset.done $0x0  }
0xe3: {  	[sflag:s28] =	ssyncadd.s32 $0xFFFFC000  }
0xe4: {  	[spmem:s2] =	stream.indirect.scatter.add.f32 [tilespmem:s29], [sflag:$0x2], $0x80, s30, s26, $0xb8;
	[tilespmem:$0x1C800] =	vst v63  }
0xe5: {  	_ =	swait.ge [sflag:s31], $0x4000  }
0xe6: {  	[sflag:s31] =	ssyncset.done $0x0  }
0xe7: {  	[sflag:s31] =	ssyncadd.s32 $0xFFFFC000  }
0xe8: {  	[tilespmem:s18], [sflag:$0x1] =	stream.indirect.gather [hbm4b:s4+s26], $0x80, s1, s26, $0xb8;
	[tilespmem:$0x1C800] =	vst v63  }
0xe9: {  	_ =	swait.ge [sflag:s28], $0x4000  }
0xea: {  	[sflag:s28] =	ssyncset.done $0x0  }
0xeb: {  	[sflag:s28] =	ssyncadd.s32 $0xFFFFC000  }
0xec: {  	[spmem:s2] =	stream.indirect.scatter.add.f32 [tilespmem:s18], [sflag:$0x2], $0x80, s0, s26, $0xb8;
	[tilespmem:$0x1C800] =	vst v63  }
0xed: {  	_ =	swait.ge [sflag:s31], $0x4000  }
0xee: {  	[sflag:s31] =	ssyncset.done $0x0  }
0xef: {  	[sflag:s31] =	ssyncadd.s32 $0xFFFFC000  }
0xf0: {  	[tilespmem:s29], [sflag:$0x1] =	stream.indirect.gather [hbm4b:s4+s26], $0x80, s8, s26, $0xb8;
	[tilespmem:$0x1C800] =	vst v63  }
0xf1: {  	_ =	swait.ge [sflag:s28], $0x4000  }
0xf2: {  	[sflag:s28] =	ssyncset.done $0x0  }
0xf3: {  	[sflag:s28] =	ssyncadd.s32 $0xFFFFC000  }
0xf4: {  	[spmem:s2] =	stream.indirect.scatter.add.f32 [tilespmem:s29], [sflag:$0x2], $0x80, s9, s26, $0xb8;
	[tilespmem:$0x1C800] =	vst v63  }
0xf5: {  	_ =	swait.ge [sflag:s31], $0x4000  }
0xf6: {  	[sflag:s31] =	ssyncset.done $0x0  }
0xf7: {  	[sflag:s31] =	ssyncadd.s32 $0xFFFFC000  }
0xf8: {  	[tilespmem:s18], [sflag:$0x1] =	stream.indirect.gather [hbm4b:s4+s26], $0x80, s10, s26, $0xb8;
	[tilespmem:$0x1C800] =	vst v63  }
0xf9: {  	_ =	swait.ge [sflag:s28], $0x4000  }
0xfa: {  	[sflag:s28] =	ssyncset.done $0x0  }
0xfb: {  	[sflag:s28] =	ssyncadd.s32 $0xFFFFC000  }
0xfc: {  	[spmem:s2] =	stream.indirect.scatter.add.f32 [tilespmem:s18], [sflag:$0x2], $0x80, s11, s26, $0xb8;
	[tilespmem:$0x1C800] =	vst v63  }
0xfd: {  	_ =	swait.ge [sflag:s31], $0x4000  }
0xfe: {  	[sflag:s31] =	ssyncset.done $0x0  }
0xff: {  	[sflag:s31] =	ssyncadd.s32 $0xFFFFC000  }
0x100: {  	[tilespmem:s29], [sflag:$0x1] =	stream.indirect.gather [hbm4b:s4+s26], $0x80, s12, s26, $0xb8;
	[tilespmem:$0x1C800] =	vst v63  }
0x101: {  	_ =	swait.ge [sflag:s28], $0x4000  }
0x102: {  	[sflag:s28] =	ssyncset.done $0x0  }
0x103: {  	[sflag:s28] =	ssyncadd.s32 $0xFFFFC000  }
0x104: {  	[spmem:s2] =	stream.indirect.scatter.add.f32 [tilespmem:s29], [sflag:$0x2], $0x80, s13, s26, $0xb8;
	[tilespmem:$0x1C800] =	vst v63  }
0x105: {  	_ =	swait.ge [sflag:s31], $0x4000  }
0x106: {  	[sflag:s31] =	ssyncset.done $0x0  }
0x107: {  	[sflag:s31] =	ssyncadd.s32 $0xFFFFC000  }
0x108: {  	[tilespmem:s18], [sflag:$0x1] =	stream.indirect.gather [hbm4b:s4+s26], $0x80, s14, s26, $0xb8;
	[tilespmem:$0x1C800] =	vst v63  }
0x109: {  	_ =	swait.ge [sflag:s28], $0x4000  }
0x10a: {  	[sflag:s28] =	ssyncset.done $0x0  }
0x10b: {  	[sflag:s28] =	ssyncadd.s32 $0xFFFFC000  }
0x10c: {  	[spmem:s2] =	stream.indirect.scatter.add.f32 [tilespmem:s18], [sflag:$0x2], $0x80, s15, s26, $0xb8;
	[tilespmem:$0x1C800] =	vst v63  }
0x10d: {  	_ =	swait.ge [sflag:s31], $0x4000  }
0x10e: {  	[sflag:s31] =	ssyncset.done $0x0  }
0x10f: {  	[sflag:s31] =	ssyncadd.s32 $0xFFFFC000  }
0x110: {  	[tilespmem:s29], [sflag:$0x1] =	stream.indirect.gather [hbm4b:s4+s26], $0x80, s16, s26, $0xb8;
	[tilespmem:$0x1C800] =	vst v63  }
0x111: {  	_ =	swait.ge [sflag:s28], $0x4000  }
0x112: {  	[sflag:s28] =	ssyncset.done $0x0  }
0x113: {  	[sflag:s28] =	ssyncadd.s32 $0xFFFFC000  }
0x114: {  	[spmem:s2] =	stream.indirect.scatter.add.f32 [tilespmem:s29], [sflag:$0x2], $0x80, s17, s26, $0xb8;
	[tilespmem:$0x1C800] =	vst v63  }
0x115: {  	_ =	swait.ge [sflag:s31], $0x4000  }
0x116: {  	[sflag:s31] =	ssyncset.done $0x0  }
0x117: {  	[sflag:s31] =	ssyncadd.s32 $0xFFFFC000  }
0x118: {  	_ =	swait.ge [sflag:s31], $0x4000  }
0x119: {  	[sflag:s31] =	ssyncset.done $0x0  }
0x11a: {  	[sflag:s31] =	ssyncadd.s32 $0xFFFFC000  }
0x11b: {  	[bflag:$0x0] =	sbarrier.arrive $0xFFFF  }
0x11c: {  	s22 =	rddreg [dreg:$0x5]  }
0x11d: {  	[tilespmem:s18], [sflag:$0x3] =	stream.linear.gather [spmem:s22], $0x4000, $0x38;
	[tilespmem:$0x1C800] =	vst v63  }
0x11e: {  	_ =	swait.ge [sflag:s19], $0x4000  }
0x11f: {  	[sflag:s19] =	ssyncset.done $0x0  }
0x120: {  	s23 =	rddreg [dreg:$0xf];
	[sflag:s19] =	ssyncadd.s32 $0xFFFFC000  }
0x121: {  	[hbm4b:s23+s3] =	stream.linear.scatter [tilespmem:s18], [sflag:$0x3], $0x4000, $0x38;
	[tilespmem:$0x1C800] =	vst v63  }
0x122: {  	_ =	swait.ge [sflag:s19], $0x4000  }
0x123: {  	[sflag:s19] =	ssyncset.done $0x0  }
0x124: {  	s24 =	rddreg [dreg:$0xb];
	[sflag:s19] =	ssyncadd.s32 $0xFFFFC000  }
0x125: {  	[tilespmem:s18], [sflag:$0x3] =	stream.linear.gather [spmem:s24], $0x4000, $0x38;
	[tilespmem:$0x1C800] =	vst v63  }
0x126: {  	_ =	swait.ge [sflag:s19], $0x4000  }
0x127: {  	[sflag:s19] =	ssyncset.done $0x0  }
0x128: {  	s21 =	rddreg [dreg:$0x10];
	[sflag:s19] =	ssyncadd.s32 $0xFFFFC000  }
0x129: {  	[hbm4b:s21+s3] =	stream.linear.scatter [tilespmem:s18], [sflag:$0x3], $0x4000, $0x38;
	[tilespmem:$0x1C800] =	vst v63  }
0x12a: {  	_ =	swait.ge [sflag:s19], $0x4000  }
0x12b: {  	[sflag:s19] =	ssyncset.done $0x0  }
0x12c: {  	s22 =	rddreg [dreg:$0xc];
	[sflag:s19] =	ssyncadd.s32 $0xFFFFC000  }
0x12d: {  	[tilespmem:s18], [sflag:$0x3] =	stream.linear.gather [spmem:s22], $0x4000, $0x38;
	[tilespmem:$0x1C800] =	vst v63  }
0x12e: {  	_ =	swait.ge [sflag:s19], $0x4000  }
0x12f: {  	[sflag:s19] =	ssyncset.done $0x0  }
0x130: {  	s23 =	rddreg [dreg:$0x11];
	[sflag:s19] =	ssyncadd.s32 $0xFFFFC000  }
0x131: {  	[hbm4b:s23+s3] =	stream.linear.scatter [tilespmem:s18], [sflag:$0x3], $0x4000, $0x38;
	[tilespmem:$0x1C800] =	vst v63  }
0x132: {  	_ =	swait.ge [sflag:s19], $0x4000  }
0x133: {  	[sflag:s19] =	ssyncset.done $0x0  }
0x134: {  	s24 =	rddreg [dreg:$0xd];
	[sflag:s19] =	ssyncadd.s32 $0xFFFFC000  }
0x135: {  	[tilespmem:s18], [sflag:$0x3] =	stream.linear.gather [spmem:s24], $0x4000, $0x38;
	[tilespmem:$0x1C800] =	vst v63  }
0x136: {  	_ =	swait.ge [sflag:s19], $0x4000  }
0x137: {  	[sflag:s19] =	ssyncset.done $0x0  }
0x138: {  	s21 =	rddreg [dreg:$0x12];
	[sflag:s19] =	ssyncadd.s32 $0xFFFFC000  }
0x139: {  	[hbm4b:s21+s3] =	stream.linear.scatter [tilespmem:s18], [sflag:$0x3], $0x4000, $0x38;
	[tilespmem:$0x1C800] =	vst v63  }
0x13a: {  	_ =	swait.ge [sflag:s19], $0x4000  }
0x13b: {  	[sflag:s19] =	ssyncset.done $0x0  }
0x13c: {  	s22 =	rddreg [dreg:$0xe];
	[sflag:s19] =	ssyncadd.s32 $0xFFFFC000  }
0x13d: {  	[tilespmem:s18], [sflag:$0x3] =	stream.linear.gather [spmem:s22], $0x4000, $0x38;
	[tilespmem:$0x1C800] =	vst v63  }
0x13e: {  	_ =	swait.ge [sflag:s19], $0x4000  }
0x13f: {  	[sflag:s19] =	ssyncset.done $0x0  }
0x140: {  	s23 =	rddreg [dreg:$0x13];
	[sflag:s19] =	ssyncadd.s32 $0xFFFFC000  }
0x141: {  	[hbm4b:s23+s3] =	stream.linear.scatter [tilespmem:s18], [sflag:$0x3], $0x4000, $0x38;
	[tilespmem:$0x1C800] =	vst v63  }
0x142: {  	_ =	swait.ge [sflag:s19], $0x4000  }
0x143: {  	s20 =	sadd.s32 $0x1, s20;
	s24 =	rddreg [dreg:$0x6]  }
0x144: {  	p0 =	sne.s32 s20, s24  }
.Ltmp2:
0x145: {  	_ = 	snop;
	(pc) =	sbr.rel @p0 .LBB2_1-.Ltmp2, $3  }
0x146: {  	_ =	sdelay $0x1  }
0x147: {  	[sflag:s19] =	ssyncset.done $0x0  }
0x148: {  	[sflag:s19] =	ssyncadd.s32 $0xFFFFC000  }
0x149: {  	_ =	sfence.sel $0x180000  }
0x14a: {  	[bflag:$0x0] =	sbarrier.arrive $0xFFFF  }
0x14b: {  	_ =	strace $0x9000004D  }
0x14c: {  	s0 =	stileid.u32;
	[bflag:$0x2] =	sbarrier.arrive $0xFFFF  }
0x14d: {  	p0 =	sne.s32 s0, $0x0;
	s0 =	rddreg [dreg:$0x3]  }
0x14e: {  	s0 =	sadd.s32 @!p0 $0x100000, s0  }
0x14f: {  	[sflag:s0] =	ssyncadd.tile.s32 @!p0 $0x1;
	_ =	shalt  }
.Lfunc_end2:
_tile_overlayer_lowered:
.L_overlay_start_2:
0x150: {  	(tag) =	ssettag $0x2  }
0x151: {  	s0 =	rddreg [dreg:$0x0];
	s2 =	stileid.u32  }
0x152: {  	s1 =	rddreg [dreg:$0x1];
	p0 =	sne.s32 s2, $0x0  }
0x153: {  	s3 =	rddreg [dreg:$0x2];
	[bflag:$0x3] =	sbarrier.arrive $0xFFFF;
	s2 =	simm.s32 @!p0 $0x1C03  }
0x154: {  	[timem:s3], [sflag:s2] =	dma.local @!p0 [hbm:s0], s1  }
0x155: {  	s0 =	simm.s32 @!p0 $0x3  }
0x156: {  	_ =	swait.ge @!p0 [sflag:s0], s1  }
0x157: {  	s1 =	ssub.s32 @!p0 $0x0, s1;
	[sflag:s0] =	ssyncset.done @!p0 $0x0  }
0x158: {  	[sflag:s0] =	ssyncadd.s32 @!p0 s1  }
0x159: {  	[bflag:$0x3] =	sbarrier.arrive $0xFFFF  }
0x15a: {  	_ =	shalt  }

// kernel: kernel.8.cloned.1.call-start
scs
__scs_entry_jumppad:
0x0: {  	(pc) =	sbr.rel $0x88, $3  }
0x1: {  	(tag) =	ssettag $0x0;
	lr =	simm.s32 $0x1  }
0x2: {  	[smem:$0x3F9B] =	sst lr;
	_ =	strace $0xD0000000  }
0x3: {  	_ = 	snop  }
0x4: {  	_ = 	snop  }
0x5: {  	_ = 	snop  }
0x6: {  	_ = 	snop  }
0x7: {  	_ = 	snop  }
__scs_overlays_trampoline_lowered:
0x8: {  	[smem:$0x3FAA] =	sst s0  }
0x9: {  	[smem:$0x3FAB] =	sst s1  }
0xa: {  	[smem:$0x3FAC] =	sst s2  }
0xb: {  	[smem:$0x3FAD] =	sst s3  }
0xc: {  	[smem:$0x3FAE] =	sst s4  }
0xd: {  	[smem:$0x3FAF] =	sst s5  }
0xe: {  	[smem:$0x3FB0] =	sst s6  }
0xf: {  	[smem:$0x3FB1] =	sst s7  }
0x10: {  	[smem:$0x3FB2] =	sst s8  }
0x11: {  	[smem:$0x3FB3] =	sst s9;
	s0 =	simm.s32 @!p0 $0x0  }
0x12: {  	s1 =	sld [smem:$0x3F99];
	s0 =	simm.s32 @p0 $0x1  }
0x13: {  	[smem:$0x3FB4] =	sst s0;
	s0 =	simm.s32 @!p1 $0x0  }
0x14: {  	s2 =	sld [smem:$0x3F98];
	s0 =	simm.s32 @p1 $0x1  }
0x15: {  	[smem:$0x3FB5] =	sst s0;
	s0 =	simm.s32 @!p2 $0x0  }
0x16: {  	s3 =	sld [smem:$0x3FDB];
	s0 =	simm.s32 @p2 $0x1  }
0x17: {  	s4 =	simm.s32 $0x1BF5;
	[smem:$0x3FB7] =	sst s0  }
0x18: {  	s0 =	sld [smem:$0x3F9A];
	_ =	swait.ge [sflag:s4], $0x0  }
0x19: {  	s7 =	sld [smem:$0x3F9B]  }
0x1a: {  	s8 =	sadd.s32 $0xFFFFE003, lr  }
0x1b: {  	s9 =	sadd.s32 $0xFFFFFEF7, lr;
	s5 =	simm.s32 $0xFFFFFFFF;
	p2 =	slt.u32 s8, $0xFFFFF086  }
0x1c: {  	p1 =	slt.u32 s9, $0xF7A;
	s5 =	simm.s32 @!p2 $0x0  }
0x1d: {  	s5 =	simm.s32 @p1 $0x1;
	p0 =	seq.s32 s7, s2  }
0x1e: {  	s7 =	smul.u32 @!p0 $0xF7A, s2;
	p2 =	seq.s32 @!p0 s5, $0x0  }
0x1f: {  	s9 =	smul.u32 $0xF7A, s1;
	s8 =	simm.s32 @!p0 $0x1BF5;
	p2 =	por !p2, p0  }
0x20: {  	[sflag:s8] =	ssyncset.s32 @!p0 $0xFFFFF086;
	s6 =	sadd.s32 @!p0 s3, s7;
	s7 =	simm.s32 @!p0 $0x108  }
0x21: {  	s3 =	sadd.s32 s3, s9;
	s6 =	sadd.s32 @!p0 $0x88, s6;
	s7 =	simm.s32 @p2 $0x1082  }
0x22: {  	[simem:s7], [sflag:s8] =	dma.local @!p0 [hbm:s6], $0xF7A  }
0x23: {  	s9 =	sor.u32 $0xD0000000, s2;
	s6 =	simm.s32 $0x108;
	_ =	swait.ge @!p0 [sflag:s8], $0x0  }
0x24: {  	s3 =	sadd.s32 $0x88, s3;
	s6 =	simm.s32 @!p1 $0x1082;
	[sflag:s4] =	ssyncset.s32 $0xFFFFF086  }
0x25: {  	[simem:s6], [sflag:s4] =	dma.local [hbm:s3], $0xF7A  }
0x26: {  	[smem:$0x3F9B] =	sst s1;
	(tag) =	ssettag s2;
	_ =	strace s9  }
0x27: {  	s1 =	sld [smem:$0x3FAB]  }
0x28: {  	s2 =	sld [smem:$0x3FAC]  }
0x29: {  	s4 =	sld [smem:$0x3FAE]  }
0x2a: {  	p0 =	seq.s32 s5, $0x0;
	s5 =	sld [smem:$0x3FAF]  }
0x2b: {  	s6 =	sld [smem:$0x3FB0]  }
0x2c: {  	s7 =	sld [smem:$0x3FB1]  }
0x2d: {  	s3 =	simm.s32 $0x108;
	s8 =	sld [smem:$0x3FB2]  }
0x2e: {  	s3 =	simm.s32 @!p0 $0x1082;
	s9 =	sld [smem:$0x3FB3]  }
0x2f: {  	lr =	sadd.s32 s0, s3;
	s0 =	sld [smem:$0x3FAA]  }
0x30: {  	s3 =	sld [smem:$0x3FAD]  }
0x31: {  	[smem:$0x3FB6] =	sst s10  }
0x32: {  	s10 =	sld [smem:$0x3FB4];
	_ =	sdelay $0x3  }
0x33: {  	p0 =	seq.s32 s10, $0x1;
	s10 =	sld [smem:$0x3FB6];
	_ =	sdelay $0x3  }
0x34: {  	[smem:$0x3FB6] =	sst s10  }
0x35: {  	s10 =	sld [smem:$0x3FB5];
	_ =	sdelay $0x3  }
0x36: {  	p1 =	seq.s32 s10, $0x1;
	s10 =	sld [smem:$0x3FB6];
	_ =	sdelay $0x3  }
0x37: {  	[smem:$0x3FB6] =	sst s10  }
0x38: {  	s10 =	sld [smem:$0x3FB7]  }
0x39: {  	_ = 	snop;
	(pc) =	sbr.ind lr, $3  }
0x3a: {  	_ = 	snop  }
0x3b: {  	_ = 	snop  }
0x3c: {  	p2 =	seq.s32 s10, $0x1;
	s10 =	sld [smem:$0x3FB6]  }
0x3d: {  	_ =	shalt  }
0x3e: {  	_ =	shalt  }
0x3f: {  	_ =	shalt  }
0x40: {  	_ =	shalt  }
0x41: {  	_ =	shalt  }
0x42: {  	_ =	shalt  }
0x43: {  	_ =	shalt  }
0x44: {  	_ =	shalt  }
0x45: {  	_ =	shalt  }
0x46: {  	_ =	shalt  }
0x47: {  	_ =	shalt  }
0x48: {  	_ =	shalt  }
0x49: {  	_ =	shalt  }
0x4a: {  	_ =	shalt  }
0x4b: {  	_ =	shalt  }
0x4c: {  	_ =	shalt  }
0x4d: {  	_ =	shalt  }
0x4e: {  	_ =	shalt  }
0x4f: {  	_ =	shalt  }
0x50: {  	_ =	shalt  }
0x51: {  	_ =	shalt  }
0x52: {  	_ =	shalt  }
0x53: {  	_ =	shalt  }
0x54: {  	_ =	shalt  }
0x55: {  	_ =	shalt  }
0x56: {  	_ =	shalt  }
0x57: {  	_ =	shalt  }
0x58: {  	_ =	shalt  }
0x59: {  	_ =	shalt  }
0x5a: {  	_ =	shalt  }
0x5b: {  	_ =	shalt  }
0x5c: {  	_ =	shalt  }
0x5d: {  	_ =	shalt  }
0x5e: {  	_ =	shalt  }
0x5f: {  	_ =	shalt  }
0x60: {  	_ =	shalt  }
0x61: {  	_ =	shalt  }
0x62: {  	_ =	shalt  }
0x63: {  	_ =	shalt  }
0x64: {  	_ =	shalt  }
0x65: {  	_ =	shalt  }
0x66: {  	_ =	shalt  }
0x67: {  	_ =	shalt  }
0x68: {  	_ =	shalt  }
0x69: {  	_ =	shalt  }
0x6a: {  	_ =	shalt  }
0x6b: {  	_ =	shalt  }
0x6c: {  	_ =	shalt  }
0x6d: {  	_ =	shalt  }
0x6e: {  	_ =	shalt  }
0x6f: {  	_ =	shalt  }
0x70: {  	_ =	shalt  }
0x71: {  	_ =	shalt  }
0x72: {  	_ =	shalt  }
0x73: {  	_ =	shalt  }
0x74: {  	_ =	shalt  }
0x75: {  	_ =	shalt  }
0x76: {  	_ =	shalt  }
0x77: {  	_ =	shalt  }
0x78: {  	_ =	shalt  }
0x79: {  	_ =	shalt  }
0x7a: {  	_ =	shalt  }
0x7b: {  	_ =	shalt  }
0x7c: {  	_ =	shalt  }
0x7d: {  	_ =	shalt  }
0x7e: {  	_ =	shalt  }
0x7f: {  	_ =	shalt  }
0x80: {  	_ =	shalt  }
0x81: {  	_ =	shalt  }
0x82: {  	_ =	shalt  }
0x83: {  	_ =	shalt  }
0x84: {  	_ =	shalt  }
0x85: {  	_ =	shalt  }
0x86: {  	_ =	shalt  }
0x87: {  	_ =	shalt  }
.Lfunc_end0:
.L_simem_size_0:
called_computation_lowered:
.L_overlay_start_0:
0x88: {  	s2 =	sld [smem:$0x3FD9]  }
0x89: {  	s3 =	sld [smem:$0x3FFE];
	_ =	sdelay $0x1  }
0x8a: {  	s1 =	srdreg.scid  }
0x8b: {  	s0 =	sand.u32 $0x1, s1  }
0x8c: {  	s17 =	sshll.u32 s0, $0xA;
	s2 =	sadd.s32 s3, s2  }
0x8d: {  	s2 =	sadd.s32 s2, s17  }
0x8e: {  	[smem:$0x3FC2] =	sst s2  }
0x8f: {  	_ = 	snop  }
0x90: {  	s2 =	sld [smem:$0x3FD0];
	(tm) =	ssettm $0x1  }
0x91: {  	s18 =	sld [smem:$0x3FFB];
	_ =	sdelay $0x3  }
0x92: {  	_ =	strace s18  }
0x93: {  	s3 =	sld [smem:$0x3FFC];
	_ =	sdelay $0x3  }
0x94: {  	_ =	strace s3  }
0x95: {  	s3 =	sld [smem:$0x3FFD];
	_ =	sdelay $0x3  }
0x96: {  	_ =	strace s3  }
0x97: {  	_ =	strace $0x8FFFFFFF  }
0x98: {  	s19 =	sld [smem:$0x3FDB];
	_ =	sdelay $0x1  }
0x99: {  	s4 =	simm.s32 $_scs_section_size  }
0x9a: {  	s5 =	simm.s32 $_size__tile_overlayer_lowered;
	s6 =	simm.s32 $_tile_overlayer_lowered  }
0x9b: {  	s22 =	simm.s32 $0x1BFF;
	s21 =	sshll.u32 s6, $0x1;
	s3 =	sadd.s32 s4, s19  }
0x9c: {  	s7 =	simm.s32 $0x0;
	s20 =	sshll.u32 s5, $0x1;
	s5 =	sadd.s32 s21, s3  }
0x9d: {  	[timem:s7], [sflag:s22] =	dma.local [hbm:s5], s20  }
0x9e: {  	_ =	swait.ge [sflag:s22], s20  }
0x9f: {  	s4 =	ssub.s32 $0x0, s20;
	[sflag:s22] =	ssyncset.done $0x0  }
0xa0: {  	[sflag:s22] =	ssyncadd.s32 s4;
	_ =	sdelay $0x1  }
0xa1: {  	s23 =	simm.s32 $0x1B8B  }
0xa2: {  	_ =	swait.ge [sflag:s23], $0x1  }
0xa3: {  	[sflag:s23] =	ssyncset.done $0x0  }
0xa4: {  	s25 =	simm.s32 $0x1B8E;
	s24 =	sld [smem:$0x3FFE];
	[sflag:s23] =	ssyncadd.s32 $0xFFFFFFFF  }
0xa5: {  	s26 =	simm.s32 $execute0_lowered;
	[smem:$0x3FD2] =	sst s25  }
0xa6: {  	s5 =	sshll.u32 s26, $0x1;
	_ =	strace $0x80000046;
	[dreg:$0x1] =	wrdreg $0xFFFFFFFF  }
0xa7: {  	s28 =	simm.s32 $_size_execute0_lowered;
	s3 =	sadd.s32 s3, s5;
	[dreg:$0x0] =	wrdreg $0x0  }
0xa8: {  	s5 =	sshll.u32 s28, $0x1;
	[dreg:$0x2] =	wrdreg s3  }
0xa9: {  	[dreg:$0x3] =	wrdreg s5  }
0xaa: {  	[dreg:$0x4] =	wrdreg $0xC0  }
0xab: {  	_ =	task [dreg:s7], $0x5FFFF  }
0xac: {  	[dreg:$0x1] =	wrdreg $0xFFFFFFFF  }
0xad: {  	[dreg:$0x0] =	wrdreg $0x60  }
0xae: {  	[dreg:$0x2] =	wrdreg s2  }
0xaf: {  	[dreg:$0x3] =	wrdreg s24  }
0xb0: {  	[dreg:$0x4] =	wrdreg $0x34000  }
0xb1: {  	[dreg:$0x5] =	wrdreg $0x9  }
0xb2: {  	_ =	task.clear_ibuf [dreg:s7], $0x6FFFF;
	_ =	strace $0x90000046  }
0xb3: {  	s29 =	simm.s32 $0x9;
	_ =	strace $0x80000048  }
0xb4: {  	_ =	swait.ge [sflag:s29], $0x1  }
0xb5: {  	[sflag:s29] =	ssyncadd.s32 $0xFFFFFFFF  }
0xb6: {  	_ =	strace $0x90000048  }
0xb7: {  	_ =	sfence  }
0xb8: {  	s30 =	sld [smem:$0x0];
	_ =	sdelay $0x2  }
0xb9: {  	s31 =	sshll.u32 s1, $0xD;
	s1 =	sshrl.u32 s1, $0x2  }
0xba: {  	s3 =	sand.u32 $0x4000, s31;
	s1 =	sadd.s32 s1, s30  }
0xbb: {  	s0 =	sor.u32 s3, s0;
	s1 =	sshll.u32 s1, $0x11  }
0xbc: {  	s0 =	sor.u32 s1, s0  }
0xbd: {  	s0 =	sadd.s32 $0x8F2B, s0  }
0xbe: {  	[sflag:s0] =	ssyncadd.remote.s32 $0x1  }
0xbf: {  	_ =	sfence.sel $0xFFFF  }
0xc0: {  	[dreg:$0x0] =	wrdreg $0xFFFFFFFF;
	(pc) =	sbr.abs _section_cstart, $3  }
0xc1: {  	[dreg:$0x1] =	wrdreg $0xFFFFFFFF  }
0xc2: {  	_ =	task.clear_ibuf [dreg:s7], $0x2FFFF;
	_ =	strace $0x9FFFFFFF  }
0xc3: {  	(tm) =	ssettm $0x7FFFFFFF  }
tec
execute0_lowered:
.L_overlay_start_1:
0x0: {  	(tag) =	ssettag $0x1  }
0x1: {  	s5 =	rddreg [dreg:$0x0]  }
0x2: {  	s4 =	rddreg [dreg:$0x1]  }
0x3: {  	s1 =	rddreg [dreg:$0x2];
	s2 =	srdreg.scid  }
0x4: {  	s0 =	rddreg [dreg:$0x3];
	s3 =	simm.s32 $0x0;
	s11 =	simm.s32 $0x100  }
0x5: {  	s12 =	simm.s32 $0x180;
	s13 =	simm.s32 $0x200;
	s14 =	simm.s32 $0x280  }
0x6: {  	s15 =	simm.s32 $0x300;
	s16 =	simm.s32 $0x380;
	s17 =	simm.s32 $0x1  }
0x7: {  	s6 =	sand.u32 $0x1, s2;
	s2 =	stileid.u32;
	[smem:$0x7FF] =	sst s3  }
0x8: {  	s7 =	smul.u32 $0x5000, s6;
	s8 =	sshll.u32 s6, $0x4;
	s6 =	ssub.s32 $0x2, s6  }
0x9: {  	s9 =	smul.u32 $0x2800, s2;
	_ =	strace $0x80000047;
	s8 =	sor.u32 s2, s8  }
0xa: {  	s10 =	sshrl.u32 s6, $0x1;
	s8 =	smul.u32 $0x500, s8;
	s7 =	sadd.s32 s7, s4  }
0xb: {  	s6 =	ssub.s32 s6, s10;
	s4 =	sadd.s32 s9, s1;
	s19 =	sshrl.u32 s9, $0x3  }
0xc: {  	s9 =	simm.s32 $0x80;
	s10 =	simm.s32 $0x400;
	s18 =	sadd.s32 $0x2600, s7  }
0xd: {  	s6 =	smax.u32 s6, $0x1;
	s7 =	simm.s32 $0xC00;
	s5 =	sadd.s32 s5, s8  }
0xe: {  	v0 =	vimm.f32 $1.000000000e+00;
	v1 =	vimm.f32 $0.0e+00;
	s8 =	simm.s32 $0x2;
	s18 =	sadd.s32 s19, s18;
	s19 =	simm.s32 $0x0  }
.LBB2_1:
0xf: {  	s20 =	simm.s32 $0x0  }
.LBB2_2:
0x10: {  	p0 =	sne.s32 s20, $0x1FC0  }
.Ltmp0:
0x11: {  	_ = 	snop;
	(pc) =	sbr.rel @p0 .LBB2_2-.Ltmp0, $3  }
0x12: {  	_ =	sdelay $0x1  }
0x13: {  	s21 =	sshra.s32 s20, $0x2  }
0x14: {  	s20 =	sadd.s32 $0x40, s20;
	[tilespmem:s21+$0x400] =	vst v0  }
0x15: {  	s20 =	simm.s32 $0x40;
	s21 =	simm.s32 $0x0  }
.LBB2_4:
0x16: {  	p0 =	sne.s32 s20, $0x9FC0;
	[tilespmem:s21+$0xC00] =	vst v1;
	s21 =	smov.u32 s20;
	s20 =	sadd.s32 $0x40, s20  }
.Ltmp1:
0x17: {  	(pc) =	sbr.rel @p0 .LBB2_4-.Ltmp1, $2  }
0x18: {  	_ =	sdelay $0x2  }
0x19: {  	s21 =	sshra.s32 s21, $0x2  }
0x1a: {  	[tilespmem:s21+$0xC00] =	vst v1  }
0x1b: {  	[spmem:s4] =	stream.linear.scatter [tilespmem:s7], [sflag:$0x2], $0x2800, $0x38;
	[tilespmem:$0x5C00] =	vst v63  }
0x1c: {  	_ =	swait.ge [sflag:s8], $0x2800  }
0x1d: {  	[sflag:s8] =	ssyncset.done $0x0  }
0x1e: {  	[sflag:s8] =	ssyncadd.s32 $0xFFFFD800  }
0x1f: {  	s20 =	sadd.s32 $0x0, s5;
	[bflag:$0x0] =	sbarrier.arrive $0xFFFF  }
0x20: {  	[tilespmem:s3], [sflag:$0x2] =	stream.linear.gather [hbm4b:s20+s3], $0x400, $0x38;
	[tilespmem:$0x5C00] =	vst v63  }
0x21: {  	_ =	swait.ge [sflag:s8], $0x400  }
0x22: {  	[sflag:s8] =	ssyncset.done $0x0  }
0x23: {  	[sflag:s8] =	ssyncadd.s32 $0xFFFFFC00  }
0x24: {  	[spmem:s1] =	stream.indirect.scatter.add.f32 [tilespmem:s10], [sflag:$0x1], $0x10, s3, s9, $0xb8;
	[tilespmem:$0x5C00] =	vst v63  }
0x25: {  	_ = 	snop  }
0x26: {  	[spmem:s1] =	stream.indirect.scatter.add.f32 [tilespmem:s10], [sflag:$0x1], $0x10, s9, s9, $0xb8;
	[tilespmem:$0x5C00] =	vst v63  }
0x27: {  	_ = 	snop  }
0x28: {  	[spmem:s1] =	stream.indirect.scatter.add.f32 [tilespmem:s10], [sflag:$0x1], $0x10, s11, s9, $0xb8;
	[tilespmem:$0x5C00] =	vst v63  }
0x29: {  	_ = 	snop  }
0x2a: {  	[spmem:s1] =	stream.indirect.scatter.add.f32 [tilespmem:s10], [sflag:$0x1], $0x10, s12, s9, $0xb8;
	[tilespmem:$0x5C00] =	vst v63  }
0x2b: {  	_ = 	snop  }
0x2c: {  	[spmem:s1] =	stream.indirect.scatter.add.f32 [tilespmem:s10], [sflag:$0x1], $0x10, s13, s9, $0xb8;
	[tilespmem:$0x5C00] =	vst v63  }
0x2d: {  	_ = 	snop  }
0x2e: {  	[spmem:s1] =	stream.indirect.scatter.add.f32 [tilespmem:s10], [sflag:$0x1], $0x10, s14, s9, $0xb8;
	[tilespmem:$0x5C00] =	vst v63  }
0x2f: {  	_ = 	snop  }
0x30: {  	[spmem:s1] =	stream.indirect.scatter.add.f32 [tilespmem:s10], [sflag:$0x1], $0x10, s15, s9, $0xb8;
	[tilespmem:$0x5C00] =	vst v63  }
0x31: {  	_ = 	snop  }
0x32: {  	[spmem:s1] =	stream.indirect.scatter.add.f32 [tilespmem:s10], [sflag:$0x1], $0x10, s16, s9, $0xb8;
	[tilespmem:$0x5C00] =	vst v63  }
0x33: {  	_ =	swait.ge [sflag:s17], $0x800  }
0x34: {  	[sflag:s17] =	ssyncset.done $0x0  }
0x35: {  	[sflag:s17] =	ssyncadd.s32 $0xFFFFF800  }
0x36: {  	_ =	swait.ge [sflag:s17], $0x800  }
0x37: {  	[sflag:s17] =	ssyncset.done $0x0  }
0x38: {  	[sflag:s17] =	ssyncadd.s32 $0xFFFFF800  }
0x39: {  	_ =	swait.ge [sflag:s17], $0x800  }
0x3a: {  	[sflag:s17] =	ssyncset.done $0x0  }
0x3b: {  	[sflag:s17] =	ssyncadd.s32 $0xFFFFF800  }
0x3c: {  	_ =	swait.ge [sflag:s17], $0x800  }
0x3d: {  	[sflag:s17] =	ssyncset.done $0x0  }
0x3e: {  	[sflag:s17] =	ssyncadd.s32 $0xFFFFF800  }
0x3f: {  	_ =	swait.ge [sflag:s17], $0x800  }
0x40: {  	[sflag:s17] =	ssyncset.done $0x0  }
0x41: {  	[sflag:s17] =	ssyncadd.s32 $0xFFFFF800  }
0x42: {  	_ =	swait.ge [sflag:s17], $0x800  }
0x43: {  	[sflag:s17] =	ssyncset.done $0x0  }
0x44: {  	[sflag:s17] =	ssyncadd.s32 $0xFFFFF800  }
0x45: {  	_ =	swait.ge [sflag:s17], $0x800  }
0x46: {  	[sflag:s17] =	ssyncset.done $0x0  }
0x47: {  	[sflag:s17] =	ssyncadd.s32 $0xFFFFF800  }
0x48: {  	_ =	swait.ge [sflag:s17], $0x800  }
0x49: {  	s22 =	simm.s32 $0x100;
	s20 =	simm.s32 $0x80;
	[sflag:s17] =	ssyncset.done $0x0  }
.LBB2_6:
0x4a: {  	s23 =	sadd.s32 s20, s5  }
0x4b: {  	[sflag:s17] =	ssyncadd.s32 $0xFFFFF800;
	s20 =	smov.u32 s22;
	s21 =	sadd.s32 $0x80, s22  }
0x4c: {  	[tilespmem:s3], [sflag:$0x2] =	stream.linear.gather [hbm4b:s23+s3], $0x400, $0x38;
	[tilespmem:$0x5C00] =	vst v63  }
0x4d: {  	p0 =	sne.s32 s22, $0x480;
	_ =	swait.ge [sflag:s8], $0x400  }
0x4e: {  	[sflag:s8] =	ssyncset.done $0x0  }
0x4f: {  	[sflag:s8] =	ssyncadd.s32 $0xFFFFFC00  }
0x50: {  	[spmem:s1] =	stream.indirect.scatter.add.f32 [tilespmem:s10], [sflag:$0x1], $0x10, s3, s9, $0xb8;
	[tilespmem:$0x5C00] =	vst v63  }
0x51: {  	_ = 	snop  }
0x52: {  	[spmem:s1] =	stream.indirect.scatter.add.f32 [tilespmem:s10], [sflag:$0x1], $0x10, s9, s9, $0xb8;
	[tilespmem:$0x5C00] =	vst v63  }
0x53: {  	_ = 	snop  }
0x54: {  	[spmem:s1] =	stream.indirect.scatter.add.f32 [tilespmem:s10], [sflag:$0x1], $0x10, s11, s9, $0xb8;
	[tilespmem:$0x5C00] =	vst v63  }
0x55: {  	_ = 	snop  }
0x56: {  	[spmem:s1] =	stream.indirect.scatter.add.f32 [tilespmem:s10], [sflag:$0x1], $0x10, s12, s9, $0xb8;
	[tilespmem:$0x5C00] =	vst v63  }
0x57: {  	_ = 	snop  }
0x58: {  	[spmem:s1] =	stream.indirect.scatter.add.f32 [tilespmem:s10], [sflag:$0x1], $0x10, s13, s9, $0xb8;
	[tilespmem:$0x5C00] =	vst v63  }
0x59: {  	_ = 	snop  }
0x5a: {  	[spmem:s1] =	stream.indirect.scatter.add.f32 [tilespmem:s10], [sflag:$0x1], $0x10, s14, s9, $0xb8;
	[tilespmem:$0x5C00] =	vst v63  }
0x5b: {  	_ = 	snop  }
0x5c: {  	[spmem:s1] =	stream.indirect.scatter.add.f32 [tilespmem:s10], [sflag:$0x1], $0x10, s15, s9, $0xb8;
	[tilespmem:$0x5C00] =	vst v63  }
0x5d: {  	_ = 	snop  }
0x5e: {  	[spmem:s1] =	stream.indirect.scatter.add.f32 [tilespmem:s10], [sflag:$0x1], $0x10, s16, s9, $0xb8;
	[tilespmem:$0x5C00] =	vst v63  }
0x5f: {  	_ =	swait.ge [sflag:s17], $0x800  }
0x60: {  	[sflag:s17] =	ssyncset.done $0x0  }
0x61: {  	[sflag:s17] =	ssyncadd.s32 $0xFFFFF800  }
0x62: {  	_ =	swait.ge [sflag:s17], $0x800  }
0x63: {  	[sflag:s17] =	ssyncset.done $0x0  }
0x64: {  	[sflag:s17] =	ssyncadd.s32 $0xFFFFF800  }
0x65: {  	_ =	swait.ge [sflag:s17], $0x800  }
0x66: {  	[sflag:s17] =	ssyncset.done $0x0  }
0x67: {  	[sflag:s17] =	ssyncadd.s32 $0xFFFFF800  }
0x68: {  	_ =	swait.ge [sflag:s17], $0x800  }
0x69: {  	[sflag:s17] =	ssyncset.done $0x0  }
0x6a: {  	[sflag:s17] =	ssyncadd.s32 $0xFFFFF800  }
0x6b: {  	_ =	swait.ge [sflag:s17], $0x800  }
0x6c: {  	[sflag:s17] =	ssyncset.done $0x0  }
0x6d: {  	[sflag:s17] =	ssyncadd.s32 $0xFFFFF800  }
0x6e: {  	_ =	swait.ge [sflag:s17], $0x800  }
0x6f: {  	[sflag:s17] =	ssyncset.done $0x0  }
0x70: {  	[sflag:s17] =	ssyncadd.s32 $0xFFFFF800  }
.Ltmp2:
0x71: {  	_ =	swait.ge [sflag:s17], $0x800;
	(pc) =	sbr.rel @p0 .LBB2_6-.Ltmp2, $4  }
0x72: {  	[sflag:s17] =	ssyncset.done $0x0  }
0x73: {  	[sflag:s17] =	ssyncadd.s32 $0xFFFFF800  }
0x74: {  	_ =	swait.ge [sflag:s17], $0x800  }
0x75: {  	s22 =	smov.u32 s21;
	[sflag:s17] =	ssyncset.done $0x0  }
0x76: {  	s20 =	sadd.s32 s20, s5;
	[sflag:s17] =	ssyncadd.s32 $0xFFFFF800  }
0x77: {  	[tilespmem:s3], [sflag:$0x2] =	stream.linear.gather [hbm4b:s20+s3], $0x400, $0x38;
	[tilespmem:$0x5C00] =	vst v63  }
0x78: {  	_ =	swait.ge [sflag:s8], $0x400  }
0x79: {  	[sflag:s8] =	ssyncset.done $0x0  }
0x7a: {  	[sflag:s8] =	ssyncadd.s32 $0xFFFFFC00  }
0x7b: {  	[spmem:s1] =	stream.indirect.scatter.add.f32 [tilespmem:s10], [sflag:$0x1], $0x10, s3, s9, $0xb8;
	[tilespmem:$0x5C00] =	vst v63  }
0x7c: {  	_ = 	snop  }
0x7d: {  	[spmem:s1] =	stream.indirect.scatter.add.f32 [tilespmem:s10], [sflag:$0x1], $0x10, s9, s9, $0xb8;
	[tilespmem:$0x5C00] =	vst v63  }
0x7e: {  	_ = 	snop  }
0x7f: {  	[spmem:s1] =	stream.indirect.scatter.add.f32 [tilespmem:s10], [sflag:$0x1], $0x10, s11, s9, $0xb8;
	[tilespmem:$0x5C00] =	vst v63  }
0x80: {  	_ = 	snop  }
0x81: {  	[spmem:s1] =	stream.indirect.scatter.add.f32 [tilespmem:s10], [sflag:$0x1], $0x10, s12, s9, $0xb8;
	[tilespmem:$0x5C00] =	vst v63  }
0x82: {  	_ = 	snop  }
0x83: {  	[spmem:s1] =	stream.indirect.scatter.add.f32 [tilespmem:s10], [sflag:$0x1], $0x10, s13, s9, $0xb8;
	[tilespmem:$0x5C00] =	vst v63  }
0x84: {  	_ = 	snop  }
0x85: {  	[spmem:s1] =	stream.indirect.scatter.add.f32 [tilespmem:s10], [sflag:$0x1], $0x10, s14, s9, $0xb8;
	[tilespmem:$0x5C00] =	vst v63  }
0x86: {  	_ = 	snop  }
0x87: {  	[spmem:s1] =	stream.indirect.scatter.add.f32 [tilespmem:s10], [sflag:$0x1], $0x10, s15, s9, $0xb8;
	[tilespmem:$0x5C00] =	vst v63  }
0x88: {  	_ = 	snop  }
0x89: {  	[spmem:s1] =	stream.indirect.scatter.add.f32 [tilespmem:s10], [sflag:$0x1], $0x10, s16, s9, $0xb8;
	[tilespmem:$0x5C00] =	vst v63  }
0x8a: {  	_ =	swait.ge [sflag:s17], $0x800  }
0x8b: {  	[sflag:s17] =	ssyncset.done $0x0  }
0x8c: {  	[sflag:s17] =	ssyncadd.s32 $0xFFFFF800  }
0x8d: {  	_ =	swait.ge [sflag:s17], $0x800  }
0x8e: {  	[sflag:s17] =	ssyncset.done $0x0  }
0x8f: {  	[sflag:s17] =	ssyncadd.s32 $0xFFFFF800  }
0x90: {  	_ =	swait.ge [sflag:s17], $0x800  }
0x91: {  	[sflag:s17] =	ssyncset.done $0x0  }
0x92: {  	[sflag:s17] =	ssyncadd.s32 $0xFFFFF800  }
0x93: {  	_ =	swait.ge [sflag:s17], $0x800  }
0x94: {  	[sflag:s17] =	ssyncset.done $0x0  }
0x95: {  	[sflag:s17] =	ssyncadd.s32 $0xFFFFF800  }
0x96: {  	_ =	swait.ge [sflag:s17], $0x800  }
0x97: {  	[sflag:s17] =	ssyncset.done $0x0  }
0x98: {  	[sflag:s17] =	ssyncadd.s32 $0xFFFFF800  }
0x99: {  	_ =	swait.ge [sflag:s17], $0x800  }
0x9a: {  	[sflag:s17] =	ssyncset.done $0x0  }
0x9b: {  	[sflag:s17] =	ssyncadd.s32 $0xFFFFF800  }
0x9c: {  	_ =	swait.ge [sflag:s17], $0x800  }
0x9d: {  	[sflag:s17] =	ssyncset.done $0x0  }
0x9e: {  	[sflag:s17] =	ssyncadd.s32 $0xFFFFF800  }
0x9f: {  	_ =	swait.ge [sflag:s17], $0x800  }
0xa0: {  	[sflag:s17] =	ssyncset.done $0x0  }
0xa1: {  	[sflag:s17] =	ssyncadd.s32 $0xFFFFF800  }
0xa2: {  	[bflag:$0x0] =	sbarrier.arrive $0xFFFF  }
0xa3: {  	[tilespmem:s7], [sflag:$0x2] =	stream.linear.gather [spmem:s4], $0x2800, $0x38;
	[tilespmem:$0x5C00] =	vst v63  }
0xa4: {  	s19 =	sadd.s32 $0x1, s19;
	_ =	swait.ge [sflag:s8], $0x2800  }
0xa5: {  	p0 =	sne.s32 s19, s6;
	[sflag:s8] =	ssyncset.done $0x0  }
.Ltmp3:
0xa6: {  	[sflag:s8] =	ssyncadd.s32 $0xFFFFD800;
	(pc) =	sbr.rel @p0 .LBB2_1-.Ltmp3, $4  }
0xa7: {  	[hbm4b:s18+s3] =	stream.linear.scatter [tilespmem:s7], [sflag:$0x2], $0x2800, $0x38;
	[tilespmem:$0x5C00] =	vst v63  }
0xa8: {  	_ =	swait.ge [sflag:s8], $0x2800  }
0xa9: {  	[sflag:s8] =	ssyncset.done $0x0  }
0xaa: {  	[sflag:s8] =	ssyncadd.s32 $0xFFFFD800  }
0xab: {  	_ =	sfence.sel $0x180000  }
0xac: {  	[bflag:$0x0] =	sbarrier.arrive $0xFFFF  }
0xad: {  	p0 =	sne.s32 s2, $0x0;
	_ =	strace $0x90000047  }
0xae: {  	s0 =	sadd.s32 @!p0 $0x100000, s0;
	[bflag:$0x2] =	sbarrier.arrive $0xFFFF  }
0xaf: {  	[sflag:s0] =	ssyncadd.tile.s32 @!p0 $0x1;
	_ =	shalt  }
.Lfunc_end2:
_tile_overlayer_lowered:
.L_overlay_start_2:
0xb0: {  	(tag) =	ssettag $0x2  }
0xb1: {  	s0 =	rddreg [dreg:$0x0];
	s2 =	stileid.u32  }
0xb2: {  	s1 =	rddreg [dreg:$0x1];
	p0 =	sne.s32 s2, $0x0  }
0xb3: {  	s3 =	rddreg [dreg:$0x2];
	[bflag:$0x3] =	sbarrier.arrive $0xFFFF;
	s2 =	simm.s32 @!p0 $0x1C02  }
0xb4: {  	[timem:s3], [sflag:s2] =	dma.local @!p0 [hbm:s0], s1  }
0xb5: {  	s0 =	simm.s32 @!p0 $0x2  }
0xb6: {  	_ =	swait.ge @!p0 [sflag:s0], s1  }
0xb7: {  	s1 =	ssub.s32 @!p0 $0x0, s1;
	[sflag:s0] =	ssyncset.done @!p0 $0x0  }
0xb8: {  	[sflag:s0] =	ssyncadd.s32 @!p0 s1  }
0xb9: {  	[bflag:$0x3] =	sbarrier.arrive $0xFFFF  }
0xba: {  	_ =	shalt  }

</sc_bundles>
